<compile_context>
chip_gen: v7x
topology: tpu7x:2x2x1
jax: 0.10.2.dev20260603
libtpu: 0.0.44.dev20260713+nightly
codegen_flags: <defaults>
</compile_context>

<pallas_src>
import functools

import jax
import jax.numpy as jnp
from jax import lax
from jax.experimental import pallas as pl
from jax.experimental.pallas import tpu as pltpu
from jax.experimental.pallas import tpu_sc as plsc

_B = 512
_D = 64
_TOTAL = _B * (_B - 1) // 2

_R = 1792
_NB = _TOTAL // _R
_W = 64

_NW = 32
_BPW = _TOTAL // _NW
_CH = 128
_SIZES = [_CH] * 31 + [_BPW - 31 * _CH]
_NCH = len(_SIZES)
_RING = 4


def _phi_segsum_body(z_ref, w1_ref, b1_ref, g_ref, bt_ref, w2_ref, b2_ref,
                     mdiv_ref, off0_ref, off1_ref, emb_ref, segid_ref,
                     acc_ref):
    i = pl.program_id(0)
    nb = pl.num_programs(0)

    @pl.when(i == 0)
    def _init():
        acc_ref[...] = jnp.zeros_like(acc_ref)

    z = z_ref[...]
    h = jnp.dot(w1_ref[...], z, preferred_element_type=jnp.float32)
    h = h + b1_ref[...]
    mu = jnp.dot(mdiv_ref[...], h, preferred_element_type=jnp.float32)
    c = h - mu
    var = jnp.dot(mdiv_ref[...], c * c, preferred_element_type=jnp.float32)
    h = c * lax.rsqrt(var + 1e-5) * g_ref[...] + bt_ref[...]
    h = jnp.maximum(h, 0.0)
    phi = jnp.dot(w2_ref[...], h, preferred_element_type=jnp.float32)
    phi = phi + b2_ref[...]

    rows = i * _R + lax.broadcasted_iota(jnp.int32, (1, _R), 1)
    w0 = jnp.sum((off1_ref[...] <= i * _R).astype(jnp.int32))
    w0 = jnp.minimum((w0 // 8) * 8, _B - _W)
    off0w = off0_ref[pl.ds(w0, _W), :]
    off1w = off1_ref[pl.ds(w0, _W), :]
    onehot = ((rows >= off0w).astype(jnp.float32)
              - (rows >= off1w).astype(jnp.float32))
    part = lax.dot_general(onehot, phi, (((1,), (1,)), ((), ())),
                           preferred_element_type=jnp.float32)
    acc_ref[pl.ds(w0, _W), :] += part

    iota_w = lax.broadcasted_iota(jnp.int32, (1, _W), 1).astype(jnp.float32)
    sid = w0 + lax.dot_general(iota_w, onehot, (((1,), (0,)), ((), ())),
                               preferred_element_type=jnp.float32)
    segid_ref[...] = sid.astype(jnp.int32).reshape(1, 1, _R)

    @pl.when(i == nb - 1)
    def _finish():
        counts = (off1_ref[...] - off0_ref[...]).astype(jnp.float32)
        emb_ref[...] = acc_ref[...] / jnp.maximum(counts, 1.0)


_TC_IN_SPECS = [
    pl.BlockSpec((_D, _R), lambda i: (0, i)),
    pl.BlockSpec((_D, _D), lambda i: (0, 0)),
    pl.BlockSpec((_D, 1), lambda i: (0, 0)),
    pl.BlockSpec((_D, 1), lambda i: (0, 0)),
    pl.BlockSpec((_D, 1), lambda i: (0, 0)),
    pl.BlockSpec((_D, _D), lambda i: (0, 0)),
    pl.BlockSpec((_D, 1), lambda i: (0, 0)),
    pl.BlockSpec((_D, _D), lambda i: (0, 0)),
    pl.BlockSpec((_B, 1), lambda i: (0, 0)),
    pl.BlockSpec((_B, 1), lambda i: (0, 0)),
]
_TC_OUT_SPECS = [
    pl.BlockSpec((_B, _D), lambda i: (0, 0)),
    pl.BlockSpec((1, 1, _R), lambda i: (i, 0, 0)),
]
_TC_OUT_SHAPE = [
    jax.ShapeDtypeStruct((_B, _D), jnp.float32),
    jax.ShapeDtypeStruct((_NB, 1, _R), jnp.int32),
]

_phi_segsum = pl.pallas_call(
    _phi_segsum_body,
    grid=(_NB,),
    in_specs=_TC_IN_SPECS,
    out_specs=_TC_OUT_SPECS,
    out_shape=_TC_OUT_SHAPE,
    scratch_shapes=[pltpu.VMEM((_B, _D), jnp.float32)],
    compiler_params=pltpu.CompilerParams(
        dimension_semantics=("arbitrary",),
    ),
)


def _broadcast_sc_body(emb_hbm, idx_hbm, out_hbm,
                       idx_v, emb_sp, b0, b1, b2, b3, gsem, ssem):
    w = lax.axis_index("s") * 2 + lax.axis_index("c")
    base = w * _BPW
    bufs = (b0, b1, b2, b3)

    @pl.when(lax.axis_index("s") == 0)
    def _stage():
        pltpu.sync_copy(emb_hbm, emb_sp)

    pltpu.sync_copy(idx_hbm.at[pl.ds(base, _BPW)], idx_v)
    plsc.subcore_barrier()
    g = [None] * _RING
    s = [None] * _RING
    for k in range(_NCH):
        sl = k % _RING
        if k >= _RING:
            s[sl].wait()
        n = _SIZES[k]
        g[sl] = pltpu.async_copy(
            emb_sp.at[idx_v.at[pl.ds(k * _CH, n)]],
            bufs[sl].at[pl.ds(0, n)], gsem)
        if k >= 1:
            pk = (k - 1) % _RING
            pn = _SIZES[k - 1]
            g[pk].wait()
            s[pk] = pltpu.async_copy(
                bufs[pk].at[pl.ds(0, pn)],
                out_hbm.at[pl.ds(base + (k - 1) * _CH, pn)], ssem)
    last = _NCH - 1
    sl = last % _RING
    g[sl].wait()
    s[sl] = pltpu.async_copy(
        bufs[sl].at[pl.ds(0, _SIZES[last])],
        out_hbm.at[pl.ds(base + last * _CH, _SIZES[last])], ssem)
    for t in range(_RING):
        s[t].wait()


@functools.cache
def _broadcast_sc():
    return pl.kernel(
        _broadcast_sc_body,
        mesh=plsc.VectorSubcoreMesh(core_axis_name="c", subcore_axis_name="s"),
        out_type=jax.ShapeDtypeStruct((_TOTAL, _D), jnp.float32),
        scratch_types=[
            pltpu.VMEM((_BPW,), jnp.int32),
            pltpu.VMEM_SHARED((_B, _D), jnp.float32),
            pltpu.VMEM((_CH, _D), jnp.float32),
            pltpu.VMEM((_CH, _D), jnp.float32),
            pltpu.VMEM((_CH, _D), jnp.float32),
            pltpu.VMEM((_CH, _D), jnp.float32),
            pltpu.SemaphoreType.DMA,
            pltpu.SemaphoreType.DMA,
        ],
        compiler_params=pltpu.CompilerParams(use_tc_tiling_on_sc=False),
    )


def kernel(z_t, num_points, W1, b1, gamma, beta, W2, b2):
    offs = jnp.concatenate(
        [jnp.zeros((1,), jnp.int32), jnp.cumsum(num_points, dtype=jnp.int32)])
    off0 = offs[:_B].reshape(_B, 1)
    off1 = offs[1:].reshape(_B, 1)
    mdiv = jnp.full((_D, _D), 1.0 / _D, jnp.float32)
    emb, segid3 = _phi_segsum(
        z_t.T, W1, b1.reshape(_D, 1),
        gamma.reshape(_D, 1), beta.reshape(_D, 1), W2, b2.reshape(_D, 1),
        mdiv, off0, off1)
    segid = segid3.reshape(_TOTAL)
    return _broadcast_sc()(emb, segid)

# --- scband reference (transcript-rebuilt; emitter-appended) ---
"""Pipeline reference for scband-deep-sets-encoder-41489384079480 (READ-ONLY COPY).

The authoritative reference and input builder live on the scoring server;
editing this copy changes nothing except your own understanding.
"""

import jax, jax.numpy as jnp
import numpy as np

B = 512
D = 64
TOTAL = B * (B - 1) // 2  # 130816 = sum(arange(512))


def setup_inputs(seed: int = 0) -> dict:
    key = jax.random.key(seed)
    ks = jax.random.split(key, 4)
    z_t = jax.random.normal(ks[0], (TOTAL, D), dtype=jnp.float32)
    num_points = jnp.arange(B, dtype=jnp.int32)
    W1 = jax.random.normal(ks[1], (D, D), dtype=jnp.float32) * (1.0 / np.sqrt(D))
    b1 = jnp.zeros((D,), dtype=jnp.float32)
    gamma = jnp.ones((D,), dtype=jnp.float32)
    beta = jnp.zeros((D,), dtype=jnp.float32)
    W2 = jax.random.normal(ks[2], (D, D), dtype=jnp.float32) * (1.0 / np.sqrt(D))
    b2 = jnp.zeros((D,), dtype=jnp.float32)
    return {"z_t": z_t, "num_points": num_points, "W1": W1, "b1": b1,
            "gamma": gamma, "beta": beta, "W2": W2, "b2": b2}


def _layer_norm(x, gamma, beta, eps=1e-5):
    mu = jnp.mean(x, axis=-1, keepdims=True)
    var = jnp.mean((x - mu) ** 2, axis=-1, keepdims=True)
    return (x - mu) / jnp.sqrt(var + eps) * gamma + beta


def reference(z_t, num_points, W1, b1, gamma, beta, W2, b2):
    # phi_net: Linear -> LayerNorm -> ReLU -> Linear
    h = z_t @ W1.T + b1
    h = _layer_norm(h, gamma, beta)
    h = jax.nn.relu(h)
    phi = h @ W2.T + b2
    nseg = num_points.shape[0]
    total = phi.shape[0]
    seg_ids = jnp.repeat(jnp.arange(nseg), num_points, total_repeat_length=total)
    # mean pooling per ragged segment (segment_sum / count)
    sums = jax.ops.segment_sum(phi, seg_ids, num_segments=nseg)
    counts = num_points.astype(phi.dtype)
    emb = sums / jnp.maximum(counts, 1.0)[:, None]
    # torch.repeat_interleave(emb, num_points, dim=0) == gather by sorted seg_ids
    # (segment 0 has count 0, so its row is dropped, matching torch where the
    # NaN mean-of-empty row is repeated 0 times)
    return emb[seg_ids]

if __name__ == "__main__":
    import jax
    _d = setup_inputs()
    print(jax.jit(kernel)(*tuple(_d.values())))

</pallas_src>

<mosaic_0001>
#map = affine_map<(d0, d1) -> (0, 0)>
#map1 = affine_map<(d0, d1) -> (0)>
module attributes {stable_mosaic.version = 14 : i64} {
  func.func @_broadcast_sc_body(%arg0: i32, %arg1: i32, %arg2: memref<512x64xf32, #tpu.memory_space<hbm>>, %arg3: memref<130816xi32, #tpu.memory_space<hbm>>, %arg4: memref<130816x64xf32, #tpu.memory_space<hbm>>, %arg5: memref<4088xi32, #tpu.memory_space<vmem>>, %arg6: memref<512x64xf32, #tpu.memory_space<vmem_shared>>, %arg7: memref<128x64xf32, #tpu.memory_space<vmem>>, %arg8: memref<128x64xf32, #tpu.memory_space<vmem>>, %arg9: memref<128x64xf32, #tpu.memory_space<vmem>>, %arg10: memref<128x64xf32, #tpu.memory_space<vmem>>, %arg11: memref<!tpu.dma_semaphore, #tpu.memory_space<semaphore_mem>>, %arg12: memref<!tpu.dma_semaphore, #tpu.memory_space<semaphore_mem>>) attributes {dimension_semantics = [#tpu.dimension_semantics<core_parallel>, #tpu.dimension_semantics<subcore_parallel>], iteration_bounds = array<i64: 2, 16>, scalar_prefetch = 0 : i64, scratch_operands = 8 : i64, tpu.core_type = #tpu.core_type<sc_vector_subcore>, window_params = [{transform_indices = #map}, {transform_indices = #map1}, {transform_indices = #map}]} {
    %mul3A = arith.constant 2 : i32
    %mul3A_0 = arith.muli %arg1, %mul3A : i32
    %add3A = arith.addi %mul3A_0, %arg0 : i32
    %mul3A_1 = arith.constant 4088 : i32
    %mul3A_2 = arith.muli %add3A, %mul3A_1 : i32
    %eq3A = arith.constant 0 : i32
    %eq3A_3 = arith.cmpi eq, %arg1, %eq3A : i32
    %convert_element_type3A = arith.extui %eq3A_3 : i1 to i32
    %cond3A = arith.constant 0 : i32
    %cond3A_4 = arith.cmpi ne, %convert_element_type3A, %cond3A : i32
    scf.if %cond3A_4 {
      "tpu.region"() ({
        %run_scoped3A = tpu.sem_alloc : memref<!tpu.dma_semaphore, #tpu.memory_space<semaphore_mem>>
        tpu.enqueue_dma source(%arg2 : memref<512x64xf32, #tpu.memory_space<hbm>>) target(%arg6 : memref<512x64xf32, #tpu.memory_space<vmem_shared>>) target_semaphore(%run_scoped3A : memref<!tpu.dma_semaphore, #tpu.memory_space<semaphore_mem>>)
        tpu.wait_dma2 semaphore(%run_scoped3A : memref<!tpu.dma_semaphore, #tpu.memory_space<semaphore_mem>>) src(%arg2 : memref<512x64xf32, #tpu.memory_space<hbm>>) dst(%arg6 : memref<512x64xf32, #tpu.memory_space<vmem_shared>>)
        tpu.yield
      }) : () -> ()
    } else {
    }
    "tpu.region"() ({
      %run_scoped3A = tpu.sem_alloc : memref<!tpu.dma_semaphore, #tpu.memory_space<semaphore_mem>>
      %dma_start3A_1219 = tpu.memref_slice %arg3[%mul3A_2] : memref<130816xi32, #tpu.memory_space<hbm>> -> memref<4088xi32, #tpu.memory_space<hbm>>
      %dma_start3A_1220 = tpu.memref_slice %arg3[%mul3A_2] : memref<130816xi32, #tpu.memory_space<hbm>> -> memref<4088xi32, #tpu.memory_space<hbm>>
      tpu.enqueue_dma source(%dma_start3A_1220 : memref<4088xi32, #tpu.memory_space<hbm>>) target(%arg5 : memref<4088xi32, #tpu.memory_space<vmem>>) target_semaphore(%run_scoped3A : memref<!tpu.dma_semaphore, #tpu.memory_space<semaphore_mem>>)
      %dma_wait3A_1221 = tpu.memref_slice %arg3[%mul3A_2] : memref<130816xi32, #tpu.memory_space<hbm>> -> memref<4088xi32, #tpu.memory_space<hbm>>
      %dma_wait3A_1222 = tpu.memref_slice %arg3[%mul3A_2] : memref<130816xi32, #tpu.memory_space<hbm>> -> memref<4088xi32, #tpu.memory_space<hbm>>
      tpu.wait_dma2 semaphore(%run_scoped3A : memref<!tpu.dma_semaphore, #tpu.memory_space<semaphore_mem>>) src(%dma_wait3A_1222 : memref<4088xi32, #tpu.memory_space<hbm>>) dst(%arg5 : memref<4088xi32, #tpu.memory_space<vmem>>)
      tpu.yield
    }) : () -> ()
    %barrier3A = arith.constant 0 : index
    tpu.barrier barrier_id(%barrier3A)
    %dma_start3A = arith.constant 0 : i32
    %dma_start3A_5 = arith.constant 0 : i32
    %dma_start3A_6 = tpu.memref_slice %arg7[%dma_start3A, %dma_start3A_5] : memref<128x64xf32, #tpu.memory_space<vmem>> -> memref<128x64xf32, #tpu.memory_space<vmem>>
    %dma_start3A_7 = arith.constant 0 : i32
    %dma_start3A_8 = tpu.memref_slice %arg5[%dma_start3A_7] : memref<4088xi32, #tpu.memory_space<vmem>> -> memref<128xi32, #tpu.memory_space<vmem>>
    %dma_start3A_9 = arith.constant 0 : i32
    %dma_start3A_10 = arith.constant 0 : i32
    %dma_start3A_11 = tpu.memref_slice %arg6[%dma_start3A_9, %dma_start3A_10] : memref<512x64xf32, #tpu.memory_space<vmem_shared>> -> memref<512x64xf32, #tpu.memory_space<vmem_shared>>
    tpu.enqueue_indirect_dma source(%dma_start3A_11 : memref<512x64xf32, #tpu.memory_space<vmem_shared>>) target(%dma_start3A_6 : memref<128x64xf32, #tpu.memory_space<vmem>>) offsets(%dma_start3A_8 : memref<128xi32, #tpu.memory_space<vmem>>) semaphore(%arg11 : memref<!tpu.dma_semaphore, #tpu.memory_space<semaphore_mem>>)
    %dma_start3A_12 = arith.constant 0 : i32
    %dma_start3A_13 = arith.constant 0 : i32
    %dma_start3A_14 = tpu.memref_slice %arg8[%dma_start3A_12, %dma_start3A_13] : memref<128x64xf32, #tpu.memory_space<vmem>> -> memref<128x64xf32, #tpu.memory_space<vmem>>
    %dma_start3A_15 = arith.constant 128 : i32
    %dma_start3A_16 = tpu.memref_slice %arg5[%dma_start3A_15] : memref<4088xi32, #tpu.memory_space<vmem>> -> memref<128xi32, #tpu.memory_space<vmem>>
    %dma_start3A_17 = arith.constant 0 : i32
    %dma_start3A_18 = arith.constant 0 : i32
    %dma_start3A_19 = tpu.memref_slice %arg6[%dma_start3A_17, %dma_start3A_18] : memref<512x64xf32, #tpu.memory_space<vmem_shared>> -> memref<512x64xf32, #tpu.memory_space<vmem_shared>>
    tpu.enqueue_indirect_dma source(%dma_start3A_19 : memref<512x64xf32, #tpu.memory_space<vmem_shared>>) target(%dma_start3A_14 : memref<128x64xf32, #tpu.memory_space<vmem>>) offsets(%dma_start3A_16 : memref<128xi32, #tpu.memory_space<vmem>>) semaphore(%arg11 : memref<!tpu.dma_semaphore, #tpu.memory_space<semaphore_mem>>)
    %dma_wait3A = arith.constant 0 : i32
    %dma_wait3A_20 = arith.constant 0 : i32
    %dma_wait3A_21 = tpu.memref_slice %arg7[%dma_wait3A, %dma_wait3A_20] : memref<128x64xf32, #tpu.memory_space<vmem>> -> memref<128x64xf32, #tpu.memory_space<vmem>>
    %dma_wait3A_22 = arith.constant 0 : i32
    %dma_wait3A_23 = tpu.memref_slice %arg5[%dma_wait3A_22] : memref<4088xi32, #tpu.memory_space<vmem>> -> memref<128xi32, #tpu.memory_space<vmem>>
    %dma_wait3A_24 = arith.constant 0 : i32
    %dma_wait3A_25 = arith.constant 0 : i32
    %dma_wait3A_26 = tpu.memref_slice %arg6[%dma_wait3A_24, %dma_wait3A_25] : memref<512x64xf32, #tpu.memory_space<vmem_shared>> -> memref<512x64xf32, #tpu.memory_space<vmem_shared>>
    tpu.wait_indirect_dma semaphore(%arg11 : memref<!tpu.dma_semaphore, #tpu.memory_space<semaphore_mem>>) src(%dma_wait3A_26 : memref<512x64xf32, #tpu.memory_space<vmem_shared>>) dst(%dma_wait3A_21 : memref<128x64xf32, #tpu.memory_space<vmem>>)
    %add3A_27 = arith.constant 0 : i32
    %add3A_28 = arith.addi %mul3A_2, %add3A_27 : i32
    %dma_start3A_29 = arith.constant 0 : i32
    %dma_start3A_30 = arith.constant 0 : i32
    %dma_start3A_31 = tpu.memref_slice %arg7[%dma_start3A_29, %dma_start3A_30] : memref<128x64xf32, #tpu.memory_space<vmem>> -> memref<128x64xf32, #tpu.memory_space<vmem>>
    %dma_start3A_32 = arith.constant 0 : i32
    %dma_start3A_33 = tpu.memref_slice %arg4[%add3A_28, %dma_start3A_32] : memref<130816x64xf32, #tpu.memory_space<hbm>> -> memref<128x64xf32, #tpu.memory_space<hbm>>
    %dma_start3A_34 = arith.constant 0 : i32
    %dma_start3A_35 = tpu.memref_slice %arg4[%add3A_28, %dma_start3A_34] : memref<130816x64xf32, #tpu.memory_space<hbm>> -> memref<128x64xf32, #tpu.memory_space<hbm>>
    %dma_start3A_36 = arith.constant 0 : i32
    %dma_start3A_37 = arith.constant 0 : i32
    %dma_start3A_38 = tpu.memref_slice %arg7[%dma_start3A_36, %dma_start3A_37] : memref<128x64xf32, #tpu.memory_space<vmem>> -> memref<128x64xf32, #tpu.memory_space<vmem>>
    tpu.enqueue_dma source(%dma_start3A_38 : memref<128x64xf32, #tpu.memory_space<vmem>>) target(%dma_start3A_35 : memref<128x64xf32, #tpu.memory_space<hbm>>) target_semaphore(%arg12 : memref<!tpu.dma_semaphore, #tpu.memory_space<semaphore_mem>>)
    %dma_start3A_39 = arith.constant 0 : i32
    %dma_start3A_40 = arith.constant 0 : i32
    %dma_start3A_41 = tpu.memref_slice %arg9[%dma_start3A_39, %dma_start3A_40] : memref<128x64xf32, #tpu.memory_space<vmem>> -> memref<128x64xf32, #tpu.memory_space<vmem>>
    %dma_start3A_42 = arith.constant 256 : i32
    %dma_start3A_43 = tpu.memref_slice %arg5[%dma_start3A_42] : memref<4088xi32, #tpu.memory_space<vmem>> -> memref<128xi32, #tpu.memory_space<vmem>>
    %dma_start3A_44 = arith.constant 0 : i32
    %dma_start3A_45 = arith.constant 0 : i32
    %dma_start3A_46 = tpu.memref_slice %arg6[%dma_start3A_44, %dma_start3A_45] : memref<512x64xf32, #tpu.memory_space<vmem_shared>> -> memref<512x64xf32, #tpu.memory_space<vmem_shared>>
    tpu.enqueue_indirect_dma source(%dma_start3A_46 : memref<512x64xf32, #tpu.memory_space<vmem_shared>>) target(%dma_start3A_41 : memref<128x64xf32, #tpu.memory_space<vmem>>) offsets(%dma_start3A_43 : memref<128xi32, #tpu.memory_space<vmem>>) semaphore(%arg11 : memref<!tpu.dma_semaphore, #tpu.memory_space<semaphore_mem>>)
    %dma_wait3A_47 = arith.constant 0 : i32
    %dma_wait3A_48 = arith.constant 0 : i32
    %dma_wait3A_49 = tpu.memref_slice %arg8[%dma_wait3A_47, %dma_wait3A_48] : memref<128x64xf32, #tpu.memory_space<vmem>> -> memref<128x64xf32, #tpu.memory_space<vmem>>
    %dma_wait3A_50 = arith.constant 128 : i32
    %dma_wait3A_51 = tpu.memref_slice %arg5[%dma_wait3A_50] : memref<4088xi32, #tpu.memory_space<vmem>> -> memref<128xi32, #tpu.memory_space<vmem>>
    %dma_wait3A_52 = arith.constant 0 : i32
    %dma_wait3A_53 = arith.constant 0 : i32
    %dma_wait3A_54 = tpu.memref_slice %arg6[%dma_wait3A_52, %dma_wait3A_53] : memref<512x64xf32, #tpu.memory_space<vmem_shared>> -> memref<512x64xf32, #tpu.memory_space<vmem_shared>>
    tpu.wait_indirect_dma semaphore(%arg11 : memref<!tpu.dma_semaphore, #tpu.memory_space<semaphore_mem>>) src(%dma_wait3A_54 : memref<512x64xf32, #tpu.memory_space<vmem_shared>>) dst(%dma_wait3A_49 : memref<128x64xf32, #tpu.memory_space<vmem>>)
    %add3A_55 = arith.constant 128 : i32
    %add3A_56 = arith.addi %mul3A_2, %add3A_55 : i32
    %dma_start3A_57 = arith.constant 0 : i32
    %dma_start3A_58 = arith.constant 0 : i32
    %dma_start3A_59 = tpu.memref_slice %arg8[%dma_start3A_57, %dma_start3A_58] : memref<128x64xf32, #tpu.memory_space<vmem>> -> memref<128x64xf32, #tpu.memory_space<vmem>>
    %dma_start3A_60 = arith.constant 0 : i32
    %dma_start3A_61 = tpu.memref_slice %arg4[%add3A_56, %dma_start3A_60] : memref<130816x64xf32, #tpu.memory_space<hbm>> -> memref<128x64xf32, #tpu.memory_space<hbm>>
    %dma_start3A_62 = arith.constant 0 : i32
    %dma_start3A_63 = tpu.memref_slice %arg4[%add3A_56, %dma_start3A_62] : memref<130816x64xf32, #tpu.memory_space<hbm>> -> memref<128x64xf32, #tpu.memory_space<hbm>>
    %dma_start3A_64 = arith.constant 0 : i32
    %dma_start3A_65 = arith.constant 0 : i32
    %dma_start3A_66 = tpu.memref_slice %arg8[%dma_start3A_64, %dma_start3A_65] : memref<128x64xf32, #tpu.memory_space<vmem>> -> memref<128x64xf32, #tpu.memory_space<vmem>>
    tpu.enqueue_dma source(%dma_start3A_66 : memref<128x64xf32, #tpu.memory_space<vmem>>) target(%dma_start3A_63 : memref<128x64xf32, #tpu.memory_space<hbm>>) target_semaphore(%arg12 : memref<!tpu.dma_semaphore, #tpu.memory_space<semaphore_mem>>)
    %dma_start3A_67 = arith.constant 0 : i32
    %dma_start3A_68 = arith.constant 0 : i32
    %dma_start3A_69 = tpu.memref_slice %arg10[%dma_start3A_67, %dma_start3A_68] : memref<128x64xf32, #tpu.memory_space<vmem>> -> memref<128x64xf32, #tpu.memory_space<vmem>>
    %dma_start3A_70 = arith.constant 384 : i32
    %dma_start3A_71 = tpu.memref_slice %arg5[%dma_start3A_70] : memref<4088xi32, #tpu.memory_space<vmem>> -> memref<128xi32, #tpu.memory_space<vmem>>
    %dma_start3A_72 = arith.constant 0 : i32
    %dma_start3A_73 = arith.constant 0 : i32
    %dma_start3A_74 = tpu.memref_slice %arg6[%dma_start3A_72, %dma_start3A_73] : memref<512x64xf32, #tpu.memory_space<vmem_shared>> -> memref<512x64xf32, #tpu.memory_space<vmem_shared>>
    tpu.enqueue_indirect_dma source(%dma_start3A_74 : memref<512x64xf32, #tpu.memory_space<vmem_shared>>) target(%dma_start3A_69 : memref<128x64xf32, #tpu.memory_space<vmem>>) offsets(%dma_start3A_71 : memref<128xi32, #tpu.memory_space<vmem>>) semaphore(%arg11 : memref<!tpu.dma_semaphore, #tpu.memory_space<semaphore_mem>>)
    %dma_wait3A_75 = arith.constant 0 : i32
    %dma_wait3A_76 = arith.constant 0 : i32
    %dma_wait3A_77 = tpu.memref_slice %arg9[%dma_wait3A_75, %dma_wait3A_76] : memref<128x64xf32, #tpu.memory_space<vmem>> -> memref<128x64xf32, #tpu.memory_space<vmem>>
    %dma_wait3A_78 = arith.constant 256 : i32
    %dma_wait3A_79 = tpu.memref_slice %arg5[%dma_wait3A_78] : memref<4088xi32, #tpu.memory_space<vmem>> -> memref<128xi32, #tpu.memory_space<vmem>>
    %dma_wait3A_80 = arith.constant 0 : i32
    %dma_wait3A_81 = arith.constant 0 : i32
    %dma_wait3A_82 = tpu.memref_slice %arg6[%dma_wait3A_80, %dma_wait3A_81] : memref<512x64xf32, #tpu.memory_space<vmem_shared>> -> memref<512x64xf32, #tpu.memory_space<vmem_shared>>
    tpu.wait_indirect_dma semaphore(%arg11 : memref<!tpu.dma_semaphore, #tpu.memory_space<semaphore_mem>>) src(%dma_wait3A_82 : memref<512x64xf32, #tpu.memory_space<vmem_shared>>) dst(%dma_wait3A_77 : memref<128x64xf32, #tpu.memory_space<vmem>>)
    %add3A_83 = arith.constant 256 : i32
    %add3A_84 = arith.addi %mul3A_2, %add3A_83 : i32
    %dma_start3A_85 = arith.constant 0 : i32
    %dma_start3A_86 = arith.constant 0 : i32
    %dma_start3A_87 = tpu.memref_slice %arg9[%dma_start3A_85, %dma_start3A_86] : memref<128x64xf32, #tpu.memory_space<vmem>> -> memref<128x64xf32, #tpu.memory_space<vmem>>
    %dma_start3A_88 = arith.constant 0 : i32
    %dma_start3A_89 = tpu.memref_slice %arg4[%add3A_84, %dma_start3A_88] : memref<130816x64xf32, #tpu.memory_space<hbm>> -> memref<128x64xf32, #tpu.memory_space<hbm>>
    %dma_start3A_90 = arith.constant 0 : i32
    %dma_start3A_91 = tpu.memref_slice %arg4[%add3A_84, %dma_start3A_90] : memref<130816x64xf32, #tpu.memory_space<hbm>> -> memref<128x64xf32, #tpu.memory_space<hbm>>
    %dma_start3A_92 = arith.constant 0 : i32
    %dma_start3A_93 = arith.constant 0 : i32
    %dma_start3A_94 = tpu.memref_slice %arg9[%dma_start3A_92, %dma_start3A_93] : memref<128x64xf32, #tpu.memory_space<vmem>> -> memref<128x64xf32, #tpu.memory_space<vmem>>
    tpu.enqueue_dma source(%dma_start3A_94 : memref<128x64xf32, #tpu.memory_space<vmem>>) target(%dma_start3A_91 : memref<128x64xf32, #tpu.memory_space<hbm>>) target_semaphore(%arg12 : memref<!tpu.dma_semaphore, #tpu.memory_space<semaphore_mem>>)
    %dma_wait3A_95 = arith.constant 0 : i32
    %dma_wait3A_96 = arith.constant 0 : i32
    %dma_wait3A_97 = tpu.memref_slice %arg7[%dma_wait3A_95, %dma_wait3A_96] : memref<128x64xf32, #tpu.memory_space<vmem>> -> memref<128x64xf32, #tpu.memory_space<vmem>>
    %dma_wait3A_98 = arith.constant 0 : i32
    %dma_wait3A_99 = tpu.memref_slice %arg4[%add3A_28, %dma_wait3A_98] : memref<130816x64xf32, #tpu.memory_space<hbm>> -> memref<128x64xf32, #tpu.memory_space<hbm>>
    %dma_wait3A_100 = arith.constant 0 : i32
    %dma_wait3A_101 = tpu.memref_slice %arg4[%add3A_28, %dma_wait3A_100] : memref<130816x64xf32, #tpu.memory_space<hbm>> -> memref<128x64xf32, #tpu.memory_space<hbm>>
    %dma_wait3A_102 = arith.constant 0 : i32
    %dma_wait3A_103 = arith.constant 0 : i32
    %dma_wait3A_104 = tpu.memref_slice %arg7[%dma_wait3A_102, %dma_wait3A_103] : memref<128x64xf32, #tpu.memory_space<vmem>> -> memref<128x64xf32, #tpu.memory_space<vmem>>
    tpu.wait_dma2 semaphore(%arg12 : memref<!tpu.dma_semaphore, #tpu.memory_space<semaphore_mem>>) src(%dma_wait3A_104 : memref<128x64xf32, #tpu.memory_space<vmem>>) dst(%dma_wait3A_101 : memref<128x64xf32, #tpu.memory_space<hbm>>)
    %dma_start3A_105 = arith.constant 0 : i32
    %dma_start3A_106 = arith.constant 0 : i32
    %dma_start3A_107 = tpu.memref_slice %arg7[%dma_start3A_105, %dma_start3A_106] : memref<128x64xf32, #tpu.memory_space<vmem>> -> memref<128x64xf32, #tpu.memory_space<vmem>>
    %dma_start3A_108 = arith.constant 512 : i32
    %dma_start3A_109 = tpu.memref_slice %arg5[%dma_start3A_108] : memref<4088xi32, #tpu.memory_space<vmem>> -> memref<128xi32, #tpu.memory_space<vmem>>
    %dma_start3A_110 = arith.constant 0 : i32
    %dma_start3A_111 = arith.constant 0 : i32
    %dma_start3A_112 = tpu.memref_slice %arg6[%dma_start3A_110, %dma_start3A_111] : memref<512x64xf32, #tpu.memory_space<vmem_shared>> -> memref<512x64xf32, #tpu.memory_space<vmem_shared>>
    tpu.enqueue_indirect_dma source(%dma_start3A_112 : memref<512x64xf32, #tpu.memory_space<vmem_shared>>) target(%dma_start3A_107 : memref<128x64xf32, #tpu.memory_space<vmem>>) offsets(%dma_start3A_109 : memref<128xi32, #tpu.memory_space<vmem>>) semaphore(%arg11 : memref<!tpu.dma_semaphore, #tpu.memory_space<semaphore_mem>>)
    %dma_wait3A_113 = arith.constant 0 : i32
    %dma_wait3A_114 = arith.constant 0 : i32
    %dma_wait3A_115 = tpu.memref_slice %arg10[%dma_wait3A_113, %dma_wait3A_114] : memref<128x64xf32, #tpu.memory_space<vmem>> -> memref<128x64xf32, #tpu.memory_space<vmem>>
    %dma_wait3A_116 = arith.constant 384 : i32
    %dma_wait3A_117 = tpu.memref_slice %arg5[%dma_wait3A_116] : memref<4088xi32, #tpu.memory_space<vmem>> -> memref<128xi32, #tpu.memory_space<vmem>>
    %dma_wait3A_118 = arith.constant 0 : i32
    %dma_wait3A_119 = arith.constant 0 : i32
    %dma_wait3A_120 = tpu.memref_slice %arg6[%dma_wait3A_118, %dma_wait3A_119] : memref<512x64xf32, #tpu.memory_space<vmem_shared>> -> memref<512x64xf32, #tpu.memory_space<vmem_shared>>
    tpu.wait_indirect_dma semaphore(%arg11 : memref<!tpu.dma_semaphore, #tpu.memory_space<semaphore_mem>>) src(%dma_wait3A_120 : memref<512x64xf32, #tpu.memory_space<vmem_shared>>) dst(%dma_wait3A_115 : memref<128x64xf32, #tpu.memory_space<vmem>>)
    %add3A_121 = arith.constant 384 : i32
    %add3A_122 = arith.addi %mul3A_2, %add3A_121 : i32
    %dma_start3A_123 = arith.constant 0 : i32
    %dma_start3A_124 = arith.constant 0 : i32
    %dma_start3A_125 = tpu.memref_slice %arg10[%dma_start3A_123, %dma_start3A_124] : memref<128x64xf32, #tpu.memory_space<vmem>> -> memref<128x64xf32, #tpu.memory_space<vmem>>
    %dma_start3A_126 = arith.constant 0 : i32
    %dma_start3A_127 = tpu.memref_slice %arg4[%add3A_122, %dma_start3A_126] : memref<130816x64xf32, #tpu.memory_space<hbm>> -> memref<128x64xf32, #tpu.memory_space<hbm>>
    %dma_start3A_128 = arith.constant 0 : i32
    %dma_start3A_129 = tpu.memref_slice %arg4[%add3A_122, %dma_start3A_128] : memref<130816x64xf32, #tpu.memory_space<hbm>> -> memref<128x64xf32, #tpu.memory_space<hbm>>
    %dma_start3A_130 = arith.constant 0 : i32
    %dma_start3A_131 = arith.constant 0 : i32
    %dma_start3A_132 = tpu.memref_slice %arg10[%dma_start3A_130, %dma_start3A_131] : memref<128x64xf32, #tpu.memory_space<vmem>> -> memref<128x64xf32, #tpu.memory_space<vmem>>
    tpu.enqueue_dma source(%dma_start3A_132 : memref<128x64xf32, #tpu.memory_space<vmem>>) target(%dma_start3A_129 : memref<128x64xf32, #tpu.memory_space<hbm>>) target_semaphore(%arg12 : memref<!tpu.dma_semaphore, #tpu.memory_space<semaphore_mem>>)
    %dma_wait3A_133 = arith.constant 0 : i32
    %dma_wait3A_134 = arith.constant 0 : i32
    %dma_wait3A_135 = tpu.memref_slice %arg8[%dma_wait3A_133, %dma_wait3A_134] : memref<128x64xf32, #tpu.memory_space<vmem>> -> memref<128x64xf32, #tpu.memory_space<vmem>>
    %dma_wait3A_136 = arith.constant 0 : i32
    %dma_wait3A_137 = tpu.memref_slice %arg4[%add3A_56, %dma_wait3A_136] : memref<130816x64xf32, #tpu.memory_space<hbm>> -> memref<128x64xf32, #tpu.memory_space<hbm>>
    %dma_wait3A_138 = arith.constant 0 : i32
    %dma_wait3A_139 = tpu.memref_slice %arg4[%add3A_56, %dma_wait3A_138] : memref<130816x64xf32, #tpu.memory_space<hbm>> -> memref<128x64xf32, #tpu.memory_space<hbm>>
    %dma_wait3A_140 = arith.constant 0 : i32
    %dma_wait3A_141 = arith.constant 0 : i32
    %dma_wait3A_142 = tpu.memref_slice %arg8[%dma_wait3A_140, %dma_wait3A_141] : memref<128x64xf32, #tpu.memory_space<vmem>> -> memref<128x64xf32, #tpu.memory_space<vmem>>
    tpu.wait_dma2 semaphore(%arg12 : memref<!tpu.dma_semaphore, #tpu.memory_space<semaphore_mem>>) src(%dma_wait3A_142 : memref<128x64xf32, #tpu.memory_space<vmem>>) dst(%dma_wait3A_139 : memref<128x64xf32, #tpu.memory_space<hbm>>)
    %dma_start3A_143 = arith.constant 0 : i32
    %dma_start3A_144 = arith.constant 0 : i32
    %dma_start3A_145 = tpu.memref_slice %arg8[%dma_start3A_143, %dma_start3A_144] : memref<128x64xf32, #tpu.memory_space<vmem>> -> memref<128x64xf32, #tpu.memory_space<vmem>>
    %dma_start3A_146 = arith.constant 640 : i32
    %dma_start3A_147 = tpu.memref_slice %arg5[%dma_start3A_146] : memref<4088xi32, #tpu.memory_space<vmem>> -> memref<128xi32, #tpu.memory_space<vmem>>
    %dma_start3A_148 = arith.constant 0 : i32
    %dma_start3A_149 = arith.constant 0 : i32
    %dma_start3A_150 = tpu.memref_slice %arg6[%dma_start3A_148, %dma_start3A_149] : memref<512x64xf32, #tpu.memory_space<vmem_shared>> -> memref<512x64xf32, #tpu.memory_space<vmem_shared>>
    tpu.enqueue_indirect_dma source(%dma_start3A_150 : memref<512x64xf32, #tpu.memory_space<vmem_shared>>) target(%dma_start3A_145 : memref<128x64xf32, #tpu.memory_space<vmem>>) offsets(%dma_start3A_147 : memref<128xi32, #tpu.memory_space<vmem>>) semaphore(%arg11 : memref<!tpu.dma_semaphore, #tpu.memory_space<semaphore_mem>>)
    %dma_wait3A_151 = arith.constant 0 : i32
    %dma_wait3A_152 = arith.constant 0 : i32
    %dma_wait3A_153 = tpu.memref_slice %arg7[%dma_wait3A_151, %dma_wait3A_152] : memref<128x64xf32, #tpu.memory_space<vmem>> -> memref<128x64xf32, #tpu.memory_space<vmem>>
    %dma_wait3A_154 = arith.constant 512 : i32
    %dma_wait3A_155 = tpu.memref_slice %arg5[%dma_wait3A_154] : memref<4088xi32, #tpu.memory_space<vmem>> -> memref<128xi32, #tpu.memory_space<vmem>>
    %dma_wait3A_156 = arith.constant 0 : i32
    %dma_wait3A_157 = arith.constant 0 : i32
    %dma_wait3A_158 = tpu.memref_slice %arg6[%dma_wait3A_156, %dma_wait3A_157] : memref<512x64xf32, #tpu.memory_space<vmem_shared>> -> memref<512x64xf32, #tpu.memory_space<vmem_shared>>
    tpu.wait_indirect_dma semaphore(%arg11 : memref<!tpu.dma_semaphore, #tpu.memory_space<semaphore_mem>>) src(%dma_wait3A_158 : memref<512x64xf32, #tpu.memory_space<vmem_shared>>) dst(%dma_wait3A_153 : memref<128x64xf32, #tpu.memory_space<vmem>>)
    %add3A_159 = arith.constant 512 : i32
    %add3A_160 = arith.addi %mul3A_2, %add3A_159 : i32
    %dma_start3A_161 = arith.constant 0 : i32
    %dma_start3A_162 = arith.constant 0 : i32
    %dma_start3A_163 = tpu.memref_slice %arg7[%dma_start3A_161, %dma_start3A_162] : memref<128x64xf32, #tpu.memory_space<vmem>> -> memref<128x64xf32, #tpu.memory_space<vmem>>
    %dma_start3A_164 = arith.constant 0 : i32
    %dma_start3A_165 = tpu.memref_slice %arg4[%add3A_160, %dma_start3A_164] : memref<130816x64xf32, #tpu.memory_space<hbm>> -> memref<128x64xf32, #tpu.memory_space<hbm>>
    %dma_start3A_166 = arith.constant 0 : i32
    %dma_start3A_167 = tpu.memref_slice %arg4[%add3A_160, %dma_start3A_166] : memref<130816x64xf32, #tpu.memory_space<hbm>> -> memref<128x64xf32, #tpu.memory_space<hbm>>
    %dma_start3A_168 = arith.constant 0 : i32
    %dma_start3A_169 = arith.constant 0 : i32
    %dma_start3A_170 = tpu.memref_slice %arg7[%dma_start3A_168, %dma_start3A_169] : memref<128x64xf32, #tpu.memory_space<vmem>> -> memref<128x64xf32, #tpu.memory_space<vmem>>
    tpu.enqueue_dma source(%dma_start3A_170 : memref<128x64xf32, #tpu.memory_space<vmem>>) target(%dma_start3A_167 : memref<128x64xf32, #tpu.memory_space<hbm>>) target_semaphore(%arg12 : memref<!tpu.dma_semaphore, #tpu.memory_space<semaphore_mem>>)
    %dma_wait3A_171 = arith.constant 0 : i32
    %dma_wait3A_172 = arith.constant 0 : i32
    %dma_wait3A_173 = tpu.memref_slice %arg9[%dma_wait3A_171, %dma_wait3A_172] : memref<128x64xf32, #tpu.memory_space<vmem>> -> memref<128x64xf32, #tpu.memory_space<vmem>>
    %dma_wait3A_174 = arith.constant 0 : i32
    %dma_wait3A_175 = tpu.memref_slice %arg4[%add3A_84, %dma_wait3A_174] : memref<130816x64xf32, #tpu.memory_space<hbm>> -> memref<128x64xf32, #tpu.memory_space<hbm>>
    %dma_wait3A_176 = arith.constant 0 : i32
    %dma_wait3A_177 = tpu.memref_slice %arg4[%add3A_84, %dma_wait3A_176] : memref<130816x64xf32, #tpu.memory_space<hbm>> -> memref<128x64xf32, #tpu.memory_space<hbm>>
    %dma_wait3A_178 = arith.constant 0 : i32
    %dma_wait3A_179 = arith.constant 0 : i32
    %dma_wait3A_180 = tpu.memref_slice %arg9[%dma_wait3A_178, %dma_wait3A_179] : memref<128x64xf32, #tpu.memory_space<vmem>> -> memref<128x64xf32, #tpu.memory_space<vmem>>
    tpu.wait_dma2 semaphore(%arg12 : memref<!tpu.dma_semaphore, #tpu.memory_space<semaphore_mem>>) src(%dma_wait3A_180 : memref<128x64xf32, #tpu.memory_space<vmem>>) dst(%dma_wait3A_177 : memref<128x64xf32, #tpu.memory_space<hbm>>)
    %dma_start3A_181 = arith.constant 0 : i32
    %dma_start3A_182 = arith.constant 0 : i32
    %dma_start3A_183 = tpu.memref_slice %arg9[%dma_start3A_181, %dma_start3A_182] : memref<128x64xf32, #tpu.memory_space<vmem>> -> memref<128x64xf32, #tpu.memory_space<vmem>>
    %dma_start3A_184 = arith.constant 768 : i32
    %dma_start3A_185 = tpu.memref_slice %arg5[%dma_start3A_184] : memref<4088xi32, #tpu.memory_space<vmem>> -> memref<128xi32, #tpu.memory_space<vmem>>
    %dma_start3A_186 = arith.constant 0 : i32
    %dma_start3A_187 = arith.constant 0 : i32
    %dma_start3A_188 = tpu.memref_slice %arg6[%dma_start3A_186, %dma_start3A_187] : memref<512x64xf32, #tpu.memory_space<vmem_shared>> -> memref<512x64xf32, #tpu.memory_space<vmem_shared>>
    tpu.enqueue_indirect_dma source(%dma_start3A_188 : memref<512x64xf32, #tpu.memory_space<vmem_shared>>) target(%dma_start3A_183 : memref<128x64xf32, #tpu.memory_space<vmem>>) offsets(%dma_start3A_185 : memref<128xi32, #tpu.memory_space<vmem>>) semaphore(%arg11 : memref<!tpu.dma_semaphore, #tpu.memory_space<semaphore_mem>>)
    %dma_wait3A_189 = arith.constant 0 : i32
    %dma_wait3A_190 = arith.constant 0 : i32
    %dma_wait3A_191 = tpu.memref_slice %arg8[%dma_wait3A_189, %dma_wait3A_190] : memref<128x64xf32, #tpu.memory_space<vmem>> -> memref<128x64xf32, #tpu.memory_space<vmem>>
    %dma_wait3A_192 = arith.constant 640 : i32
    %dma_wait3A_193 = tpu.memref_slice %arg5[%dma_wait3A_192] : memref<4088xi32, #tpu.memory_space<vmem>> -> memref<128xi32, #tpu.memory_space<vmem>>
    %dma_wait3A_194 = arith.constant 0 : i32
    %dma_wait3A_195 = arith.constant 0 : i32
    %dma_wait3A_196 = tpu.memref_slice %arg6[%dma_wait3A_194, %dma_wait3A_195] : memref<512x64xf32, #tpu.memory_space<vmem_shared>> -> memref<512x64xf32, #tpu.memory_space<vmem_shared>>
    tpu.wait_indirect_dma semaphore(%arg11 : memref<!tpu.dma_semaphore, #tpu.memory_space<semaphore_mem>>) src(%dma_wait3A_196 : memref<512x64xf32, #tpu.memory_space<vmem_shared>>) dst(%dma_wait3A_191 : memref<128x64xf32, #tpu.memory_space<vmem>>)
    %add3A_197 = arith.constant 640 : i32
    %add3A_198 = arith.addi %mul3A_2, %add3A_197 : i32
    %dma_start3A_199 = arith.constant 0 : i32
    %dma_start3A_200 = arith.constant 0 : i32
    %dma_start3A_201 = tpu.memref_slice %arg8[%dma_start3A_199, %dma_start3A_200] : memref<128x64xf32, #tpu.memory_space<vmem>> -> memref<128x64xf32, #tpu.memory_space<vmem>>
    %dma_start3A_202 = arith.constant 0 : i32
    %dma_start3A_203 = tpu.memref_slice %arg4[%add3A_198, %dma_start3A_202] : memref<130816x64xf32, #tpu.memory_space<hbm>> -> memref<128x64xf32, #tpu.memory_space<hbm>>
    %dma_start3A_204 = arith.constant 0 : i32
    %dma_start3A_205 = tpu.memref_slice %arg4[%add3A_198, %dma_start3A_204] : memref<130816x64xf32, #tpu.memory_space<hbm>> -> memref<128x64xf32, #tpu.memory_space<hbm>>
    %dma_start3A_206 = arith.constant 0 : i32
    %dma_start3A_207 = arith.constant 0 : i32
    %dma_start3A_208 = tpu.memref_slice %arg8[%dma_start3A_206, %dma_start3A_207] : memref<128x64xf32, #tpu.memory_space<vmem>> -> memref<128x64xf32, #tpu.memory_space<vmem>>
    tpu.enqueue_dma source(%dma_start3A_208 : memref<128x64xf32, #tpu.memory_space<vmem>>) target(%dma_start3A_205 : memref<128x64xf32, #tpu.memory_space<hbm>>) target_semaphore(%arg12 : memref<!tpu.dma_semaphore, #tpu.memory_space<semaphore_mem>>)
    %dma_wait3A_209 = arith.constant 0 : i32
    %dma_wait3A_210 = arith.constant 0 : i32
    %dma_wait3A_211 = tpu.memref_slice %arg10[%dma_wait3A_209, %dma_wait3A_210] : memref<128x64xf32, #tpu.memory_space<vmem>> -> memref<128x64xf32, #tpu.memory_space<vmem>>
    %dma_wait3A_212 = arith.constant 0 : i32
    %dma_wait3A_213 = tpu.memref_slice %arg4[%add3A_122, %dma_wait3A_212] : memref<130816x64xf32, #tpu.memory_space<hbm>> -> memref<128x64xf32, #tpu.memory_space<hbm>>
    %dma_wait3A_214 = arith.constant 0 : i32
    %dma_wait3A_215 = tpu.memref_slice %arg4[%add3A_122, %dma_wait3A_214] : memref<130816x64xf32, #tpu.memory_space<hbm>> -> memref<128x64xf32, #tpu.memory_space<hbm>>
    %dma_wait3A_216 = arith.constant 0 : i32
    %dma_wait3A_217 = arith.constant 0 : i32
    %dma_wait3A_218 = tpu.memref_slice %arg10[%dma_wait3A_216, %dma_wait3A_217] : memref<128x64xf32, #tpu.memory_space<vmem>> -> memref<128x64xf32, #tpu.memory_space<vmem>>
    tpu.wait_dma2 semaphore(%arg12 : memref<!tpu.dma_semaphore, #tpu.memory_space<semaphore_mem>>) src(%dma_wait3A_218 : memref<128x64xf32, #tpu.memory_space<vmem>>) dst(%dma_wait3A_215 : memref<128x64xf32, #tpu.memory_space<hbm>>)
    %dma_start3A_219 = arith.constant 0 : i32
    %dma_start3A_220 = arith.constant 0 : i32
    %dma_start3A_221 = tpu.memref_slice %arg10[%dma_start3A_219, %dma_start3A_220] : memref<128x64xf32, #tpu.memory_space<vmem>> -> memref<128x64xf32, #tpu.memory_space<vmem>>
    %dma_start3A_222 = arith.constant 896 : i32
    %dma_start3A_223 = tpu.memref_slice %arg5[%dma_start3A_222] : memref<4088xi32, #tpu.memory_space<vmem>> -> memref<128xi32, #tpu.memory_space<vmem>>
    %dma_start3A_224 = arith.constant 0 : i32
    %dma_start3A_225 = arith.constant 0 : i32
    %dma_start3A_226 = tpu.memref_slice %arg6[%dma_start3A_224, %dma_start3A_225] : memref<512x64xf32, #tpu.memory_space<vmem_shared>> -> memref<512x64xf32, #tpu.memory_space<vmem_shared>>
    tpu.enqueue_indirect_dma source(%dma_start3A_226 : memref<512x64xf32, #tpu.memory_space<vmem_shared>>) target(%dma_start3A_221 : memref<128x64xf32, #tpu.memory_space<vmem>>) offsets(%dma_start3A_223 : memref<128xi32, #tpu.memory_space<vmem>>) semaphore(%arg11 : memref<!tpu.dma_semaphore, #tpu.memory_space<semaphore_mem>>)
    %dma_wait3A_227 = arith.constant 0 : i32
    %dma_wait3A_228 = arith.constant 0 : i32
    %dma_wait3A_229 = tpu.memref_slice %arg9[%dma_wait3A_227, %dma_wait3A_228] : memref<128x64xf32, #tpu.memory_space<vmem>> -> memref<128x64xf32, #tpu.memory_space<vmem>>
    %dma_wait3A_230 = arith.constant 768 : i32
    %dma_wait3A_231 = tpu.memref_slice %arg5[%dma_wait3A_230] : memref<4088xi32, #tpu.memory_space<vmem>> -> memref<128xi32, #tpu.memory_space<vmem>>
    %dma_wait3A_232 = arith.constant 0 : i32
    %dma_wait3A_233 = arith.constant 0 : i32
    %dma_wait3A_234 = tpu.memref_slice %arg6[%dma_wait3A_232, %dma_wait3A_233] : memref<512x64xf32, #tpu.memory_space<vmem_shared>> -> memref<512x64xf32, #tpu.memory_space<vmem_shared>>
    tpu.wait_indirect_dma semaphore(%arg11 : memref<!tpu.dma_semaphore, #tpu.memory_space<semaphore_mem>>) src(%dma_wait3A_234 : memref<512x64xf32, #tpu.memory_space<vmem_shared>>) dst(%dma_wait3A_229 : memref<128x64xf32, #tpu.memory_space<vmem>>)
    %add3A_235 = arith.constant 768 : i32
    %add3A_236 = arith.addi %mul3A_2, %add3A_235 : i32
    %dma_start3A_237 = arith.constant 0 : i32
    %dma_start3A_238 = arith.constant 0 : i32
    %dma_start3A_239 = tpu.memref_slice %arg9[%dma_start3A_237, %dma_start3A_238] : memref<128x64xf32, #tpu.memory_space<vmem>> -> memref<128x64xf32, #tpu.memory_space<vmem>>
    %dma_start3A_240 = arith.constant 0 : i32
    %dma_start3A_241 = tpu.memref_slice %arg4[%add3A_236, %dma_start3A_240] : memref<130816x64xf32, #tpu.memory_space<hbm>> -> memref<128x64xf32, #tpu.memory_space<hbm>>
    %dma_start3A_242 = arith.constant 0 : i32
    %dma_start3A_243 = tpu.memref_slice %arg4[%add3A_236, %dma_start3A_242] : memref<130816x64xf32, #tpu.memory_space<hbm>> -> memref<128x64xf32, #tpu.memory_space<hbm>>
    %dma_start3A_244 = arith.constant 0 : i32
    %dma_start3A_245 = arith.constant 0 : i32
    %dma_start3A_246 = tpu.memref_slice %arg9[%dma_start3A_244, %dma_start3A_245] : memref<128x64xf32, #tpu.memory_space<vmem>> -> memref<128x64xf32, #tpu.memory_space<vmem>>
    tpu.enqueue_dma source(%dma_start3A_246 : memref<128x64xf32, #tpu.memory_space<vmem>>) target(%dma_start3A_243 : memref<128x64xf32, #tpu.memory_space<hbm>>) target_semaphore(%arg12 : memref<!tpu.dma_semaphore, #tpu.memory_space<semaphore_mem>>)
    %dma_wait3A_247 = arith.constant 0 : i32
    %dma_wait3A_248 = arith.constant 0 : i32
    %dma_wait3A_249 = tpu.memref_slice %arg7[%dma_wait3A_247, %dma_wait3A_248] : memref<128x64xf32, #tpu.memory_space<vmem>> -> memref<128x64xf32, #tpu.memory_space<vmem>>
    %dma_wait3A_250 = arith.constant 0 : i32
    %dma_wait3A_251 = tpu.memref_slice %arg4[%add3A_160, %dma_wait3A_250] : memref<130816x64xf32, #tpu.memory_space<hbm>> -> memref<128x64xf32, #tpu.memory_space<hbm>>
    %dma_wait3A_252 = arith.constant 0 : i32
    %dma_wait3A_253 = tpu.memref_slice %arg4[%add3A_160, %dma_wait3A_252] : memref<130816x64xf32, #tpu.memory_space<hbm>> -> memref<128x64xf32, #tpu.memory_space<hbm>>
    %dma_wait3A_254 = arith.constant 0 : i32
    %dma_wait3A_255 = arith.constant 0 : i32
    %dma_wait3A_256 = tpu.memref_slice %arg7[%dma_wait3A_254, %dma_wait3A_255] : memref<128x64xf32, #tpu.memory_space<vmem>> -> memref<128x64xf32, #tpu.memory_space<vmem>>
    tpu.wait_dma2 semaphore(%arg12 : memref<!tpu.dma_semaphore, #tpu.memory_space<semaphore_mem>>) src(%dma_wait3A_256 : memref<128x64xf32, #tpu.memory_space<vmem>>) dst(%dma_wait3A_253 : memref<128x64xf32, #tpu.memory_space<hbm>>)
    %dma_start3A_257 = arith.constant 0 : i32
    %dma_start3A_258 = arith.constant 0 : i32
    %dma_start3A_259 = tpu.memref_slice %arg7[%dma_start3A_257, %dma_start3A_258] : memref<128x64xf32, #tpu.memory_space<vmem>> -> memref<128x64xf32, #tpu.memory_space<vmem>>
    %dma_start3A_260 = arith.constant 1024 : i32
    %dma_start3A_261 = tpu.memref_slice %arg5[%dma_start3A_260] : memref<4088xi32, #tpu.memory_space<vmem>> -> memref<128xi32, #tpu.memory_space<vmem>>
    %dma_start3A_262 = arith.constant 0 : i32
    %dma_start3A_263 = arith.constant 0 : i32
    %dma_start3A_264 = tpu.memref_slice %arg6[%dma_start3A_262, %dma_start3A_263] : memref<512x64xf32, #tpu.memory_space<vmem_shared>> -> memref<512x64xf32, #tpu.memory_space<vmem_shared>>
    tpu.enqueue_indirect_dma source(%dma_start3A_264 : memref<512x64xf32, #tpu.memory_space<vmem_shared>>) target(%dma_start3A_259 : memref<128x64xf32, #tpu.memory_space<vmem>>) offsets(%dma_start3A_261 : memref<128xi32, #tpu.memory_space<vmem>>) semaphore(%arg11 : memref<!tpu.dma_semaphore, #tpu.memory_space<semaphore_mem>>)
    %dma_wait3A_265 = arith.constant 0 : i32
    %dma_wait3A_266 = arith.constant 0 : i32
    %dma_wait3A_267 = tpu.memref_slice %arg10[%dma_wait3A_265, %dma_wait3A_266] : memref<128x64xf32, #tpu.memory_space<vmem>> -> memref<128x64xf32, #tpu.memory_space<vmem>>
    %dma_wait3A_268 = arith.constant 896 : i32
    %dma_wait3A_269 = tpu.memref_slice %arg5[%dma_wait3A_268] : memref<4088xi32, #tpu.memory_space<vmem>> -> memref<128xi32, #tpu.memory_space<vmem>>
    %dma_wait3A_270 = arith.constant 0 : i32
    %dma_wait3A_271 = arith.constant 0 : i32
    %dma_wait3A_272 = tpu.memref_slice %arg6[%dma_wait3A_270, %dma_wait3A_271] : memref<512x64xf32, #tpu.memory_space<vmem_shared>> -> memref<512x64xf32, #tpu.memory_space<vmem_shared>>
    tpu.wait_indirect_dma semaphore(%arg11 : memref<!tpu.dma_semaphore, #tpu.memory_space<semaphore_mem>>) src(%dma_wait3A_272 : memref<512x64xf32, #tpu.memory_space<vmem_shared>>) dst(%dma_wait3A_267 : memref<128x64xf32, #tpu.memory_space<vmem>>)
    %add3A_273 = arith.constant 896 : i32
    %add3A_274 = arith.addi %mul3A_2, %add3A_273 : i32
    %dma_start3A_275 = arith.constant 0 : i32
    %dma_start3A_276 = arith.constant 0 : i32
    %dma_start3A_277 = tpu.memref_slice %arg10[%dma_start3A_275, %dma_start3A_276] : memref<128x64xf32, #tpu.memory_space<vmem>> -> memref<128x64xf32, #tpu.memory_space<vmem>>
    %dma_start3A_278 = arith.constant 0 : i32
    %dma_start3A_279 = tpu.memref_slice %arg4[%add3A_274, %dma_start3A_278] : memref<130816x64xf32, #tpu.memory_space<hbm>> -> memref<128x64xf32, #tpu.memory_space<hbm>>
    %dma_start3A_280 = arith.constant 0 : i32
    %dma_start3A_281 = tpu.memref_slice %arg4[%add3A_274, %dma_start3A_280] : memref<130816x64xf32, #tpu.memory_space<hbm>> -> memref<128x64xf32, #tpu.memory_space<hbm>>
    %dma_start3A_282 = arith.constant 0 : i32
    %dma_start3A_283 = arith.constant 0 : i32
    %dma_start3A_284 = tpu.memref_slice %arg10[%dma_start3A_282, %dma_start3A_283] : memref<128x64xf32, #tpu.memory_space<vmem>> -> memref<128x64xf32, #tpu.memory_space<vmem>>
    tpu.enqueue_dma source(%dma_start3A_284 : memref<128x64xf32, #tpu.memory_space<vmem>>) target(%dma_start3A_281 : memref<128x64xf32, #tpu.memory_space<hbm>>) target_semaphore(%arg12 : memref<!tpu.dma_semaphore, #tpu.memory_space<semaphore_mem>>)
    %dma_wait3A_285 = arith.constant 0 : i32
    %dma_wait3A_286 = arith.constant 0 : i32
    %dma_wait3A_287 = tpu.memref_slice %arg8[%dma_wait3A_285, %dma_wait3A_286] : memref<128x64xf32, #tpu.memory_space<vmem>> -> memref<128x64xf32, #tpu.memory_space<vmem>>
    %dma_wait3A_288 = arith.constant 0 : i32
    %dma_wait3A_289 = tpu.memref_slice %arg4[%add3A_198, %dma_wait3A_288] : memref<130816x64xf32, #tpu.memory_space<hbm>> -> memref<128x64xf32, #tpu.memory_space<hbm>>
    %dma_wait3A_290 = arith.constant 0 : i32
    %dma_wait3A_291 = tpu.memref_slice %arg4[%add3A_198, %dma_wait3A_290] : memref<130816x64xf32, #tpu.memory_space<hbm>> -> memref<128x64xf32, #tpu.memory_space<hbm>>
    %dma_wait3A_292 = arith.constant 0 : i32
    %dma_wait3A_293 = arith.constant 0 : i32
    %dma_wait3A_294 = tpu.memref_slice %arg8[%dma_wait3A_292, %dma_wait3A_293] : memref<128x64xf32, #tpu.memory_space<vmem>> -> memref<128x64xf32, #tpu.memory_space<vmem>>
    tpu.wait_dma2 semaphore(%arg12 : memref<!tpu.dma_semaphore, #tpu.memory_space<semaphore_mem>>) src(%dma_wait3A_294 : memref<128x64xf32, #tpu.memory_space<vmem>>) dst(%dma_wait3A_291 : memref<128x64xf32, #tpu.memory_space<hbm>>)
    %dma_start3A_295 = arith.constant 0 : i32
    %dma_start3A_296 = arith.constant 0 : i32
    %dma_start3A_297 = tpu.memref_slice %arg8[%dma_start3A_295, %dma_start3A_296] : memref<128x64xf32, #tpu.memory_space<vmem>> -> memref<128x64xf32, #tpu.memory_space<vmem>>
    %dma_start3A_298 = arith.constant 1152 : i32
    %dma_start3A_299 = tpu.memref_slice %arg5[%dma_start3A_298] : memref<4088xi32, #tpu.memory_space<vmem>> -> memref<128xi32, #tpu.memory_space<vmem>>
    %dma_start3A_300 = arith.constant 0 : i32
    %dma_start3A_301 = arith.constant 0 : i32
    %dma_start3A_302 = tpu.memref_slice %arg6[%dma_start3A_300, %dma_start3A_301] : memref<512x64xf32, #tpu.memory_space<vmem_shared>> -> memref<512x64xf32, #tpu.memory_space<vmem_shared>>
    tpu.enqueue_indirect_dma source(%dma_start3A_302 : memref<512x64xf32, #tpu.memory_space<vmem_shared>>) target(%dma_start3A_297 : memref<128x64xf32, #tpu.memory_space<vmem>>) offsets(%dma_start3A_299 : memref<128xi32, #tpu.memory_space<vmem>>) semaphore(%arg11 : memref<!tpu.dma_semaphore, #tpu.memory_space<semaphore_mem>>)
    %dma_wait3A_303 = arith.constant 0 : i32
    %dma_wait3A_304 = arith.constant 0 : i32
    %dma_wait3A_305 = tpu.memref_slice %arg7[%dma_wait3A_303, %dma_wait3A_304] : memref<128x64xf32, #tpu.memory_space<vmem>> -> memref<128x64xf32, #tpu.memory_space<vmem>>
    %dma_wait3A_306 = arith.constant 1024 : i32
    %dma_wait3A_307 = tpu.memref_slice %arg5[%dma_wait3A_306] : memref<4088xi32, #tpu.memory_space<vmem>> -> memref<128xi32, #tpu.memory_space<vmem>>
    %dma_wait3A_308 = arith.constant 0 : i32
    %dma_wait3A_309 = arith.constant 0 : i32
    %dma_wait3A_310 = tpu.memref_slice %arg6[%dma_wait3A_308, %dma_wait3A_309] : memref<512x64xf32, #tpu.memory_space<vmem_shared>> -> memref<512x64xf32, #tpu.memory_space<vmem_shared>>
    tpu.wait_indirect_dma semaphore(%arg11 : memref<!tpu.dma_semaphore, #tpu.memory_space<semaphore_mem>>) src(%dma_wait3A_310 : memref<512x64xf32, #tpu.memory_space<vmem_shared>>) dst(%dma_wait3A_305 : memref<128x64xf32, #tpu.memory_space<vmem>>)
    %add3A_311 = arith.constant 1024 : i32
    %add3A_312 = arith.addi %mul3A_2, %add3A_311 : i32
    %dma_start3A_313 = arith.constant 0 : i32
    %dma_start3A_314 = arith.constant 0 : i32
    %dma_start3A_315 = tpu.memref_slice %arg7[%dma_start3A_313, %dma_start3A_314] : memref<128x64xf32, #tpu.memory_space<vmem>> -> memref<128x64xf32, #tpu.memory_space<vmem>>
    %dma_start3A_316 = arith.constant 0 : i32
    %dma_start3A_317 = tpu.memref_slice %arg4[%add3A_312, %dma_start3A_316] : memref<130816x64xf32, #tpu.memory_space<hbm>> -> memref<128x64xf32, #tpu.memory_space<hbm>>
    %dma_start3A_318 = arith.constant 0 : i32
    %dma_start3A_319 = tpu.memref_slice %arg4[%add3A_312, %dma_start3A_318] : memref<130816x64xf32, #tpu.memory_space<hbm>> -> memref<128x64xf32, #tpu.memory_space<hbm>>
    %dma_start3A_320 = arith.constant 0 : i32
    %dma_start3A_321 = arith.constant 0 : i32
    %dma_start3A_322 = tpu.memref_slice %arg7[%dma_start3A_320, %dma_start3A_321] : memref<128x64xf32, #tpu.memory_space<vmem>> -> memref<128x64xf32, #tpu.memory_space<vmem>>
    tpu.enqueue_dma source(%dma_start3A_322 : memref<128x64xf32, #tpu.memory_space<vmem>>) target(%dma_start3A_319 : memref<128x64xf32, #tpu.memory_space<hbm>>) target_semaphore(%arg12 : memref<!tpu.dma_semaphore, #tpu.memory_space<semaphore_mem>>)
    %dma_wait3A_323 = arith.constant 0 : i32
    %dma_wait3A_324 = arith.constant 0 : i32
    %dma_wait3A_325 = tpu.memref_slice %arg9[%dma_wait3A_323, %dma_wait3A_324] : memref<128x64xf32, #tpu.memory_space<vmem>> -> memref<128x64xf32, #tpu.memory_space<vmem>>
    %dma_wait3A_326 = arith.constant 0 : i32
    %dma_wait3A_327 = tpu.memref_slice %arg4[%add3A_236, %dma_wait3A_326] : memref<130816x64xf32, #tpu.memory_space<hbm>> -> memref<128x64xf32, #tpu.memory_space<hbm>>
    %dma_wait3A_328 = arith.constant 0 : i32
    %dma_wait3A_329 = tpu.memref_slice %arg4[%add3A_236, %dma_wait3A_328] : memref<130816x64xf32, #tpu.memory_space<hbm>> -> memref<128x64xf32, #tpu.memory_space<hbm>>
    %dma_wait3A_330 = arith.constant 0 : i32
    %dma_wait3A_331 = arith.constant 0 : i32
    %dma_wait3A_332 = tpu.memref_slice %arg9[%dma_wait3A_330, %dma_wait3A_331] : memref<128x64xf32, #tpu.memory_space<vmem>> -> memref<128x64xf32, #tpu.memory_space<vmem>>
    tpu.wait_dma2 semaphore(%arg12 : memref<!tpu.dma_semaphore, #tpu.memory_space<semaphore_mem>>) src(%dma_wait3A_332 : memref<128x64xf32, #tpu.memory_space<vmem>>) dst(%dma_wait3A_329 : memref<128x64xf32, #tpu.memory_space<hbm>>)
    %dma_start3A_333 = arith.constant 0 : i32
    %dma_start3A_334 = arith.constant 0 : i32
    %dma_start3A_335 = tpu.memref_slice %arg9[%dma_start3A_333, %dma_start3A_334] : memref<128x64xf32, #tpu.memory_space<vmem>> -> memref<128x64xf32, #tpu.memory_space<vmem>>
    %dma_start3A_336 = arith.constant 1280 : i32
    %dma_start3A_337 = tpu.memref_slice %arg5[%dma_start3A_336] : memref<4088xi32, #tpu.memory_space<vmem>> -> memref<128xi32, #tpu.memory_space<vmem>>
    %dma_start3A_338 = arith.constant 0 : i32
    %dma_start3A_339 = arith.constant 0 : i32
    %dma_start3A_340 = tpu.memref_slice %arg6[%dma_start3A_338, %dma_start3A_339] : memref<512x64xf32, #tpu.memory_space<vmem_shared>> -> memref<512x64xf32, #tpu.memory_space<vmem_shared>>
    tpu.enqueue_indirect_dma source(%dma_start3A_340 : memref<512x64xf32, #tpu.memory_space<vmem_shared>>) target(%dma_start3A_335 : memref<128x64xf32, #tpu.memory_space<vmem>>) offsets(%dma_start3A_337 : memref<128xi32, #tpu.memory_space<vmem>>) semaphore(%arg11 : memref<!tpu.dma_semaphore, #tpu.memory_space<semaphore_mem>>)
    %dma_wait3A_341 = arith.constant 0 : i32
    %dma_wait3A_342 = arith.constant 0 : i32
    %dma_wait3A_343 = tpu.memref_slice %arg8[%dma_wait3A_341, %dma_wait3A_342] : memref<128x64xf32, #tpu.memory_space<vmem>> -> memref<128x64xf32, #tpu.memory_space<vmem>>
    %dma_wait3A_344 = arith.constant 1152 : i32
    %dma_wait3A_345 = tpu.memref_slice %arg5[%dma_wait3A_344] : memref<4088xi32, #tpu.memory_space<vmem>> -> memref<128xi32, #tpu.memory_space<vmem>>
    %dma_wait3A_346 = arith.constant 0 : i32
    %dma_wait3A_347 = arith.constant 0 : i32
    %dma_wait3A_348 = tpu.memref_slice %arg6[%dma_wait3A_346, %dma_wait3A_347] : memref<512x64xf32, #tpu.memory_space<vmem_shared>> -> memref<512x64xf32, #tpu.memory_space<vmem_shared>>
    tpu.wait_indirect_dma semaphore(%arg11 : memref<!tpu.dma_semaphore, #tpu.memory_space<semaphore_mem>>) src(%dma_wait3A_348 : memref<512x64xf32, #tpu.memory_space<vmem_shared>>) dst(%dma_wait3A_343 : memref<128x64xf32, #tpu.memory_space<vmem>>)
    %add3A_349 = arith.constant 1152 : i32
    %add3A_350 = arith.addi %mul3A_2, %add3A_349 : i32
    %dma_start3A_351 = arith.constant 0 : i32
    %dma_start3A_352 = arith.constant 0 : i32
    %dma_start3A_353 = tpu.memref_slice %arg8[%dma_start3A_351, %dma_start3A_352] : memref<128x64xf32, #tpu.memory_space<vmem>> -> memref<128x64xf32, #tpu.memory_space<vmem>>
    %dma_start3A_354 = arith.constant 0 : i32
    %dma_start3A_355 = tpu.memref_slice %arg4[%add3A_350, %dma_start3A_354] : memref<130816x64xf32, #tpu.memory_space<hbm>> -> memref<128x64xf32, #tpu.memory_space<hbm>>
    %dma_start3A_356 = arith.constant 0 : i32
    %dma_start3A_357 = tpu.memref_slice %arg4[%add3A_350, %dma_start3A_356] : memref<130816x64xf32, #tpu.memory_space<hbm>> -> memref<128x64xf32, #tpu.memory_space<hbm>>
    %dma_start3A_358 = arith.constant 0 : i32
    %dma_start3A_359 = arith.constant 0 : i32
    %dma_start3A_360 = tpu.memref_slice %arg8[%dma_start3A_358, %dma_start3A_359] : memref<128x64xf32, #tpu.memory_space<vmem>> -> memref<128x64xf32, #tpu.memory_space<vmem>>
    tpu.enqueue_dma source(%dma_start3A_360 : memref<128x64xf32, #tpu.memory_space<vmem>>) target(%dma_start3A_357 : memref<128x64xf32, #tpu.memory_space<hbm>>) target_semaphore(%arg12 : memref<!tpu.dma_semaphore, #tpu.memory_space<semaphore_mem>>)
    %dma_wait3A_361 = arith.constant 0 : i32
    %dma_wait3A_362 = arith.constant 0 : i32
    %dma_wait3A_363 = tpu.memref_slice %arg10[%dma_wait3A_361, %dma_wait3A_362] : memref<128x64xf32, #tpu.memory_space<vmem>> -> memref<128x64xf32, #tpu.memory_space<vmem>>
    %dma_wait3A_364 = arith.constant 0 : i32
    %dma_wait3A_365 = tpu.memref_slice %arg4[%add3A_274, %dma_wait3A_364] : memref<130816x64xf32, #tpu.memory_space<hbm>> -> memref<128x64xf32, #tpu.memory_space<hbm>>
    %dma_wait3A_366 = arith.constant 0 : i32
    %dma_wait3A_367 = tpu.memref_slice %arg4[%add3A_274, %dma_wait3A_366] : memref<130816x64xf32, #tpu.memory_space<hbm>> -> memref<128x64xf32, #tpu.memory_space<hbm>>
    %dma_wait3A_368 = arith.constant 0 : i32
    %dma_wait3A_369 = arith.constant 0 : i32
    %dma_wait3A_370 = tpu.memref_slice %arg10[%dma_wait3A_368, %dma_wait3A_369] : memref<128x64xf32, #tpu.memory_space<vmem>> -> memref<128x64xf32, #tpu.memory_space<vmem>>
    tpu.wait_dma2 semaphore(%arg12 : memref<!tpu.dma_semaphore, #tpu.memory_space<semaphore_mem>>) src(%dma_wait3A_370 : memref<128x64xf32, #tpu.memory_space<vmem>>) dst(%dma_wait3A_367 : memref<128x64xf32, #tpu.memory_space<hbm>>)
    %dma_start3A_371 = arith.constant 0 : i32
    %dma_start3A_372 = arith.constant 0 : i32
    %dma_start3A_373 = tpu.memref_slice %arg10[%dma_start3A_371, %dma_start3A_372] : memref<128x64xf32, #tpu.memory_space<vmem>> -> memref<128x64xf32, #tpu.memory_space<vmem>>
    %dma_start3A_374 = arith.constant 1408 : i32
    %dma_start3A_375 = tpu.memref_slice %arg5[%dma_start3A_374] : memref<4088xi32, #tpu.memory_space<vmem>> -> memref<128xi32, #tpu.memory_space<vmem>>
    %dma_start3A_376 = arith.constant 0 : i32
    %dma_start3A_377 = arith.constant 0 : i32
    %dma_start3A_378 = tpu.memref_slice %arg6[%dma_start3A_376, %dma_start3A_377] : memref<512x64xf32, #tpu.memory_space<vmem_shared>> -> memref<512x64xf32, #tpu.memory_space<vmem_shared>>
    tpu.enqueue_indirect_dma source(%dma_start3A_378 : memref<512x64xf32, #tpu.memory_space<vmem_shared>>) target(%dma_start3A_373 : memref<128x64xf32, #tpu.memory_space<vmem>>) offsets(%dma_start3A_375 : memref<128xi32, #tpu.memory_space<vmem>>) semaphore(%arg11 : memref<!tpu.dma_semaphore, #tpu.memory_space<semaphore_mem>>)
    %dma_wait3A_379 = arith.constant 0 : i32
    %dma_wait3A_380 = arith.constant 0 : i32
    %dma_wait3A_381 = tpu.memref_slice %arg9[%dma_wait3A_379, %dma_wait3A_380] : memref<128x64xf32, #tpu.memory_space<vmem>> -> memref<128x64xf32, #tpu.memory_space<vmem>>
    %dma_wait3A_382 = arith.constant 1280 : i32
    %dma_wait3A_383 = tpu.memref_slice %arg5[%dma_wait3A_382] : memref<4088xi32, #tpu.memory_space<vmem>> -> memref<128xi32, #tpu.memory_space<vmem>>
    %dma_wait3A_384 = arith.constant 0 : i32
    %dma_wait3A_385 = arith.constant 0 : i32
    %dma_wait3A_386 = tpu.memref_slice %arg6[%dma_wait3A_384, %dma_wait3A_385] : memref<512x64xf32, #tpu.memory_space<vmem_shared>> -> memref<512x64xf32, #tpu.memory_space<vmem_shared>>
    tpu.wait_indirect_dma semaphore(%arg11 : memref<!tpu.dma_semaphore, #tpu.memory_space<semaphore_mem>>) src(%dma_wait3A_386 : memref<512x64xf32, #tpu.memory_space<vmem_shared>>) dst(%dma_wait3A_381 : memref<128x64xf32, #tpu.memory_space<vmem>>)
    %add3A_387 = arith.constant 1280 : i32
    %add3A_388 = arith.addi %mul3A_2, %add3A_387 : i32
    %dma_start3A_389 = arith.constant 0 : i32
    %dma_start3A_390 = arith.constant 0 : i32
    %dma_start3A_391 = tpu.memref_slice %arg9[%dma_start3A_389, %dma_start3A_390] : memref<128x64xf32, #tpu.memory_space<vmem>> -> memref<128x64xf32, #tpu.memory_space<vmem>>
    %dma_start3A_392 = arith.constant 0 : i32
    %dma_start3A_393 = tpu.memref_slice %arg4[%add3A_388, %dma_start3A_392] : memref<130816x64xf32, #tpu.memory_space<hbm>> -> memref<128x64xf32, #tpu.memory_space<hbm>>
    %dma_start3A_394 = arith.constant 0 : i32
    %dma_start3A_395 = tpu.memref_slice %arg4[%add3A_388, %dma_start3A_394] : memref<130816x64xf32, #tpu.memory_space<hbm>> -> memref<128x64xf32, #tpu.memory_space<hbm>>
    %dma_start3A_396 = arith.constant 0 : i32
    %dma_start3A_397 = arith.constant 0 : i32
    %dma_start3A_398 = tpu.memref_slice %arg9[%dma_start3A_396, %dma_start3A_397] : memref<128x64xf32, #tpu.memory_space<vmem>> -> memref<128x64xf32, #tpu.memory_space<vmem>>
    tpu.enqueue_dma source(%dma_start3A_398 : memref<128x64xf32, #tpu.memory_space<vmem>>) target(%dma_start3A_395 : memref<128x64xf32, #tpu.memory_space<hbm>>) target_semaphore(%arg12 : memref<!tpu.dma_semaphore, #tpu.memory_space<semaphore_mem>>)
    %dma_wait3A_399 = arith.constant 0 : i32
    %dma_wait3A_400 = arith.constant 0 : i32
    %dma_wait3A_401 = tpu.memref_slice %arg7[%dma_wait3A_399, %dma_wait3A_400] : memref<128x64xf32, #tpu.memory_space<vmem>> -> memref<128x64xf32, #tpu.memory_space<vmem>>
    %dma_wait3A_402 = arith.constant 0 : i32
    %dma_wait3A_403 = tpu.memref_slice %arg4[%add3A_312, %dma_wait3A_402] : memref<130816x64xf32, #tpu.memory_space<hbm>> -> memref<128x64xf32, #tpu.memory_space<hbm>>
    %dma_wait3A_404 = arith.constant 0 : i32
    %dma_wait3A_405 = tpu.memref_slice %arg4[%add3A_312, %dma_wait3A_404] : memref<130816x64xf32, #tpu.memory_space<hbm>> -> memref<128x64xf32, #tpu.memory_space<hbm>>
    %dma_wait3A_406 = arith.constant 0 : i32
    %dma_wait3A_407 = arith.constant 0 : i32
    %dma_wait3A_408 = tpu.memref_slice %arg7[%dma_wait3A_406, %dma_wait3A_407] : memref<128x64xf32, #tpu.memory_space<vmem>> -> memref<128x64xf32, #tpu.memory_space<vmem>>
    tpu.wait_dma2 semaphore(%arg12 : memref<!tpu.dma_semaphore, #tpu.memory_space<semaphore_mem>>) src(%dma_wait3A_408 : memref<128x64xf32, #tpu.memory_space<vmem>>) dst(%dma_wait3A_405 : memref<128x64xf32, #tpu.memory_space<hbm>>)
    %dma_start3A_409 = arith.constant 0 : i32
    %dma_start3A_410 = arith.constant 0 : i32
    %dma_start3A_411 = tpu.memref_slice %arg7[%dma_start3A_409, %dma_start3A_410] : memref<128x64xf32, #tpu.memory_space<vmem>> -> memref<128x64xf32, #tpu.memory_space<vmem>>
    %dma_start3A_412 = arith.constant 1536 : i32
    %dma_start3A_413 = tpu.memref_slice %arg5[%dma_start3A_412] : memref<4088xi32, #tpu.memory_space<vmem>> -> memref<128xi32, #tpu.memory_space<vmem>>
    %dma_start3A_414 = arith.constant 0 : i32
    %dma_start3A_415 = arith.constant 0 : i32
    %dma_start3A_416 = tpu.memref_slice %arg6[%dma_start3A_414, %dma_start3A_415] : memref<512x64xf32, #tpu.memory_space<vmem_shared>> -> memref<512x64xf32, #tpu.memory_space<vmem_shared>>
    tpu.enqueue_indirect_dma source(%dma_start3A_416 : memref<512x64xf32, #tpu.memory_space<vmem_shared>>) target(%dma_start3A_411 : memref<128x64xf32, #tpu.memory_space<vmem>>) offsets(%dma_start3A_413 : memref<128xi32, #tpu.memory_space<vmem>>) semaphore(%arg11 : memref<!tpu.dma_semaphore, #tpu.memory_space<semaphore_mem>>)
    %dma_wait3A_417 = arith.constant 0 : i32
    %dma_wait3A_418 = arith.constant 0 : i32
    %dma_wait3A_419 = tpu.memref_slice %arg10[%dma_wait3A_417, %dma_wait3A_418] : memref<128x64xf32, #tpu.memory_space<vmem>> -> memref<128x64xf32, #tpu.memory_space<vmem>>
    %dma_wait3A_420 = arith.constant 1408 : i32
    %dma_wait3A_421 = tpu.memref_slice %arg5[%dma_wait3A_420] : memref<4088xi32, #tpu.memory_space<vmem>> -> memref<128xi32, #tpu.memory_space<vmem>>
    %dma_wait3A_422 = arith.constant 0 : i32
    %dma_wait3A_423 = arith.constant 0 : i32
    %dma_wait3A_424 = tpu.memref_slice %arg6[%dma_wait3A_422, %dma_wait3A_423] : memref<512x64xf32, #tpu.memory_space<vmem_shared>> -> memref<512x64xf32, #tpu.memory_space<vmem_shared>>
    tpu.wait_indirect_dma semaphore(%arg11 : memref<!tpu.dma_semaphore, #tpu.memory_space<semaphore_mem>>) src(%dma_wait3A_424 : memref<512x64xf32, #tpu.memory_space<vmem_shared>>) dst(%dma_wait3A_419 : memref<128x64xf32, #tpu.memory_space<vmem>>)
    %add3A_425 = arith.constant 1408 : i32
    %add3A_426 = arith.addi %mul3A_2, %add3A_425 : i32
    %dma_start3A_427 = arith.constant 0 : i32
    %dma_start3A_428 = arith.constant 0 : i32
    %dma_start3A_429 = tpu.memref_slice %arg10[%dma_start3A_427, %dma_start3A_428] : memref<128x64xf32, #tpu.memory_space<vmem>> -> memref<128x64xf32, #tpu.memory_space<vmem>>
    %dma_start3A_430 = arith.constant 0 : i32
    %dma_start3A_431 = tpu.memref_slice %arg4[%add3A_426, %dma_start3A_430] : memref<130816x64xf32, #tpu.memory_space<hbm>> -> memref<128x64xf32, #tpu.memory_space<hbm>>
    %dma_start3A_432 = arith.constant 0 : i32
    %dma_start3A_433 = tpu.memref_slice %arg4[%add3A_426, %dma_start3A_432] : memref<130816x64xf32, #tpu.memory_space<hbm>> -> memref<128x64xf32, #tpu.memory_space<hbm>>
    %dma_start3A_434 = arith.constant 0 : i32
    %dma_start3A_435 = arith.constant 0 : i32
    %dma_start3A_436 = tpu.memref_slice %arg10[%dma_start3A_434, %dma_start3A_435] : memref<128x64xf32, #tpu.memory_space<vmem>> -> memref<128x64xf32, #tpu.memory_space<vmem>>
    tpu.enqueue_dma source(%dma_start3A_436 : memref<128x64xf32, #tpu.memory_space<vmem>>) target(%dma_start3A_433 : memref<128x64xf32, #tpu.memory_space<hbm>>) target_semaphore(%arg12 : memref<!tpu.dma_semaphore, #tpu.memory_space<semaphore_mem>>)
    %dma_wait3A_437 = arith.constant 0 : i32
    %dma_wait3A_438 = arith.constant 0 : i32
    %dma_wait3A_439 = tpu.memref_slice %arg8[%dma_wait3A_437, %dma_wait3A_438] : memref<128x64xf32, #tpu.memory_space<vmem>> -> memref<128x64xf32, #tpu.memory_space<vmem>>
    %dma_wait3A_440 = arith.constant 0 : i32
    %dma_wait3A_441 = tpu.memref_slice %arg4[%add3A_350, %dma_wait3A_440] : memref<130816x64xf32, #tpu.memory_space<hbm>> -> memref<128x64xf32, #tpu.memory_space<hbm>>
    %dma_wait3A_442 = arith.constant 0 : i32
    %dma_wait3A_443 = tpu.memref_slice %arg4[%add3A_350, %dma_wait3A_442] : memref<130816x64xf32, #tpu.memory_space<hbm>> -> memref<128x64xf32, #tpu.memory_space<hbm>>
    %dma_wait3A_444 = arith.constant 0 : i32
    %dma_wait3A_445 = arith.constant 0 : i32
    %dma_wait3A_446 = tpu.memref_slice %arg8[%dma_wait3A_444, %dma_wait3A_445] : memref<128x64xf32, #tpu.memory_space<vmem>> -> memref<128x64xf32, #tpu.memory_space<vmem>>
    tpu.wait_dma2 semaphore(%arg12 : memref<!tpu.dma_semaphore, #tpu.memory_space<semaphore_mem>>) src(%dma_wait3A_446 : memref<128x64xf32, #tpu.memory_space<vmem>>) dst(%dma_wait3A_443 : memref<128x64xf32, #tpu.memory_space<hbm>>)
    %dma_start3A_447 = arith.constant 0 : i32
    %dma_start3A_448 = arith.constant 0 : i32
    %dma_start3A_449 = tpu.memref_slice %arg8[%dma_start3A_447, %dma_start3A_448] : memref<128x64xf32, #tpu.memory_space<vmem>> -> memref<128x64xf32, #tpu.memory_space<vmem>>
    %dma_start3A_450 = arith.constant 1664 : i32
    %dma_start3A_451 = tpu.memref_slice %arg5[%dma_start3A_450] : memref<4088xi32, #tpu.memory_space<vmem>> -> memref<128xi32, #tpu.memory_space<vmem>>
    %dma_start3A_452 = arith.constant 0 : i32
    %dma_start3A_453 = arith.constant 0 : i32
    %dma_start3A_454 = tpu.memref_slice %arg6[%dma_start3A_452, %dma_start3A_453] : memref<512x64xf32, #tpu.memory_space<vmem_shared>> -> memref<512x64xf32, #tpu.memory_space<vmem_shared>>
    tpu.enqueue_indirect_dma source(%dma_start3A_454 : memref<512x64xf32, #tpu.memory_space<vmem_shared>>) target(%dma_start3A_449 : memref<128x64xf32, #tpu.memory_space<vmem>>) offsets(%dma_start3A_451 : memref<128xi32, #tpu.memory_space<vmem>>) semaphore(%arg11 : memref<!tpu.dma_semaphore, #tpu.memory_space<semaphore_mem>>)
    %dma_wait3A_455 = arith.constant 0 : i32
    %dma_wait3A_456 = arith.constant 0 : i32
    %dma_wait3A_457 = tpu.memref_slice %arg7[%dma_wait3A_455, %dma_wait3A_456] : memref<128x64xf32, #tpu.memory_space<vmem>> -> memref<128x64xf32, #tpu.memory_space<vmem>>
    %dma_wait3A_458 = arith.constant 1536 : i32
    %dma_wait3A_459 = tpu.memref_slice %arg5[%dma_wait3A_458] : memref<4088xi32, #tpu.memory_space<vmem>> -> memref<128xi32, #tpu.memory_space<vmem>>
    %dma_wait3A_460 = arith.constant 0 : i32
    %dma_wait3A_461 = arith.constant 0 : i32
    %dma_wait3A_462 = tpu.memref_slice %arg6[%dma_wait3A_460, %dma_wait3A_461] : memref<512x64xf32, #tpu.memory_space<vmem_shared>> -> memref<512x64xf32, #tpu.memory_space<vmem_shared>>
    tpu.wait_indirect_dma semaphore(%arg11 : memref<!tpu.dma_semaphore, #tpu.memory_space<semaphore_mem>>) src(%dma_wait3A_462 : memref<512x64xf32, #tpu.memory_space<vmem_shared>>) dst(%dma_wait3A_457 : memref<128x64xf32, #tpu.memory_space<vmem>>)
    %add3A_463 = arith.constant 1536 : i32
    %add3A_464 = arith.addi %mul3A_2, %add3A_463 : i32
    %dma_start3A_465 = arith.constant 0 : i32
    %dma_start3A_466 = arith.constant 0 : i32
    %dma_start3A_467 = tpu.memref_slice %arg7[%dma_start3A_465, %dma_start3A_466] : memref<128x64xf32, #tpu.memory_space<vmem>> -> memref<128x64xf32, #tpu.memory_space<vmem>>
    %dma_start3A_468 = arith.constant 0 : i32
    %dma_start3A_469 = tpu.memref_slice %arg4[%add3A_464, %dma_start3A_468] : memref<130816x64xf32, #tpu.memory_space<hbm>> -> memref<128x64xf32, #tpu.memory_space<hbm>>
    %dma_start3A_470 = arith.constant 0 : i32
    %dma_start3A_471 = tpu.memref_slice %arg4[%add3A_464, %dma_start3A_470] : memref<130816x64xf32, #tpu.memory_space<hbm>> -> memref<128x64xf32, #tpu.memory_space<hbm>>
    %dma_start3A_472 = arith.constant 0 : i32
    %dma_start3A_473 = arith.constant 0 : i32
    %dma_start3A_474 = tpu.memref_slice %arg7[%dma_start3A_472, %dma_start3A_473] : memref<128x64xf32, #tpu.memory_space<vmem>> -> memref<128x64xf32, #tpu.memory_space<vmem>>
    tpu.enqueue_dma source(%dma_start3A_474 : memref<128x64xf32, #tpu.memory_space<vmem>>) target(%dma_start3A_471 : memref<128x64xf32, #tpu.memory_space<hbm>>) target_semaphore(%arg12 : memref<!tpu.dma_semaphore, #tpu.memory_space<semaphore_mem>>)
    %dma_wait3A_475 = arith.constant 0 : i32
    %dma_wait3A_476 = arith.constant 0 : i32
    %dma_wait3A_477 = tpu.memref_slice %arg9[%dma_wait3A_475, %dma_wait3A_476] : memref<128x64xf32, #tpu.memory_space<vmem>> -> memref<128x64xf32, #tpu.memory_space<vmem>>
    %dma_wait3A_478 = arith.constant 0 : i32
    %dma_wait3A_479 = tpu.memref_slice %arg4[%add3A_388, %dma_wait3A_478] : memref<130816x64xf32, #tpu.memory_space<hbm>> -> memref<128x64xf32, #tpu.memory_space<hbm>>
    %dma_wait3A_480 = arith.constant 0 : i32
    %dma_wait3A_481 = tpu.memref_slice %arg4[%add3A_388, %dma_wait3A_480] : memref<130816x64xf32, #tpu.memory_space<hbm>> -> memref<128x64xf32, #tpu.memory_space<hbm>>
    %dma_wait3A_482 = arith.constant 0 : i32
    %dma_wait3A_483 = arith.constant 0 : i32
    %dma_wait3A_484 = tpu.memref_slice %arg9[%dma_wait3A_482, %dma_wait3A_483] : memref<128x64xf32, #tpu.memory_space<vmem>> -> memref<128x64xf32, #tpu.memory_space<vmem>>
    tpu.wait_dma2 semaphore(%arg12 : memref<!tpu.dma_semaphore, #tpu.memory_space<semaphore_mem>>) src(%dma_wait3A_484 : memref<128x64xf32, #tpu.memory_space<vmem>>) dst(%dma_wait3A_481 : memref<128x64xf32, #tpu.memory_space<hbm>>)
    %dma_start3A_485 = arith.constant 0 : i32
    %dma_start3A_486 = arith.constant 0 : i32
    %dma_start3A_487 = tpu.memref_slice %arg9[%dma_start3A_485, %dma_start3A_486] : memref<128x64xf32, #tpu.memory_space<vmem>> -> memref<128x64xf32, #tpu.memory_space<vmem>>
    %dma_start3A_488 = arith.constant 1792 : i32
    %dma_start3A_489 = tpu.memref_slice %arg5[%dma_start3A_488] : memref<4088xi32, #tpu.memory_space<vmem>> -> memref<128xi32, #tpu.memory_space<vmem>>
    %dma_start3A_490 = arith.constant 0 : i32
    %dma_start3A_491 = arith.constant 0 : i32
    %dma_start3A_492 = tpu.memref_slice %arg6[%dma_start3A_490, %dma_start3A_491] : memref<512x64xf32, #tpu.memory_space<vmem_shared>> -> memref<512x64xf32, #tpu.memory_space<vmem_shared>>
    tpu.enqueue_indirect_dma source(%dma_start3A_492 : memref<512x64xf32, #tpu.memory_space<vmem_shared>>) target(%dma_start3A_487 : memref<128x64xf32, #tpu.memory_space<vmem>>) offsets(%dma_start3A_489 : memref<128xi32, #tpu.memory_space<vmem>>) semaphore(%arg11 : memref<!tpu.dma_semaphore, #tpu.memory_space<semaphore_mem>>)
    %dma_wait3A_493 = arith.constant 0 : i32
    %dma_wait3A_494 = arith.constant 0 : i32
    %dma_wait3A_495 = tpu.memref_slice %arg8[%dma_wait3A_493, %dma_wait3A_494] : memref<128x64xf32, #tpu.memory_space<vmem>> -> memref<128x64xf32, #tpu.memory_space<vmem>>
    %dma_wait3A_496 = arith.constant 1664 : i32
    %dma_wait3A_497 = tpu.memref_slice %arg5[%dma_wait3A_496] : memref<4088xi32, #tpu.memory_space<vmem>> -> memref<128xi32, #tpu.memory_space<vmem>>
    %dma_wait3A_498 = arith.constant 0 : i32
    %dma_wait3A_499 = arith.constant 0 : i32
    %dma_wait3A_500 = tpu.memref_slice %arg6[%dma_wait3A_498, %dma_wait3A_499] : memref<512x64xf32, #tpu.memory_space<vmem_shared>> -> memref<512x64xf32, #tpu.memory_space<vmem_shared>>
    tpu.wait_indirect_dma semaphore(%arg11 : memref<!tpu.dma_semaphore, #tpu.memory_space<semaphore_mem>>) src(%dma_wait3A_500 : memref<512x64xf32, #tpu.memory_space<vmem_shared>>) dst(%dma_wait3A_495 : memref<128x64xf32, #tpu.memory_space<vmem>>)
    %add3A_501 = arith.constant 1664 : i32
    %add3A_502 = arith.addi %mul3A_2, %add3A_501 : i32
    %dma_start3A_503 = arith.constant 0 : i32
    %dma_start3A_504 = arith.constant 0 : i32
    %dma_start3A_505 = tpu.memref_slice %arg8[%dma_start3A_503, %dma_start3A_504] : memref<128x64xf32, #tpu.memory_space<vmem>> -> memref<128x64xf32, #tpu.memory_space<vmem>>
    %dma_start3A_506 = arith.constant 0 : i32
    %dma_start3A_507 = tpu.memref_slice %arg4[%add3A_502, %dma_start3A_506] : memref<130816x64xf32, #tpu.memory_space<hbm>> -> memref<128x64xf32, #tpu.memory_space<hbm>>
    %dma_start3A_508 = arith.constant 0 : i32
    %dma_start3A_509 = tpu.memref_slice %arg4[%add3A_502, %dma_start3A_508] : memref<130816x64xf32, #tpu.memory_space<hbm>> -> memref<128x64xf32, #tpu.memory_space<hbm>>
    %dma_start3A_510 = arith.constant 0 : i32
    %dma_start3A_511 = arith.constant 0 : i32
    %dma_start3A_512 = tpu.memref_slice %arg8[%dma_start3A_510, %dma_start3A_511] : memref<128x64xf32, #tpu.memory_space<vmem>> -> memref<128x64xf32, #tpu.memory_space<vmem>>
    tpu.enqueue_dma source(%dma_start3A_512 : memref<128x64xf32, #tpu.memory_space<vmem>>) target(%dma_start3A_509 : memref<128x64xf32, #tpu.memory_space<hbm>>) target_semaphore(%arg12 : memref<!tpu.dma_semaphore, #tpu.memory_space<semaphore_mem>>)
    %dma_wait3A_513 = arith.constant 0 : i32
    %dma_wait3A_514 = arith.constant 0 : i32
    %dma_wait3A_515 = tpu.memref_slice %arg10[%dma_wait3A_513, %dma_wait3A_514] : memref<128x64xf32, #tpu.memory_space<vmem>> -> memref<128x64xf32, #tpu.memory_space<vmem>>
    %dma_wait3A_516 = arith.constant 0 : i32
    %dma_wait3A_517 = tpu.memref_slice %arg4[%add3A_426, %dma_wait3A_516] : memref<130816x64xf32, #tpu.memory_space<hbm>> -> memref<128x64xf32, #tpu.memory_space<hbm>>
    %dma_wait3A_518 = arith.constant 0 : i32
    %dma_wait3A_519 = tpu.memref_slice %arg4[%add3A_426, %dma_wait3A_518] : memref<130816x64xf32, #tpu.memory_space<hbm>> -> memref<128x64xf32, #tpu.memory_space<hbm>>
    %dma_wait3A_520 = arith.constant 0 : i32
    %dma_wait3A_521 = arith.constant 0 : i32
    %dma_wait3A_522 = tpu.memref_slice %arg10[%dma_wait3A_520, %dma_wait3A_521] : memref<128x64xf32, #tpu.memory_space<vmem>> -> memref<128x64xf32, #tpu.memory_space<vmem>>
    tpu.wait_dma2 semaphore(%arg12 : memref<!tpu.dma_semaphore, #tpu.memory_space<semaphore_mem>>) src(%dma_wait3A_522 : memref<128x64xf32, #tpu.memory_space<vmem>>) dst(%dma_wait3A_519 : memref<128x64xf32, #tpu.memory_space<hbm>>)
    %dma_start3A_523 = arith.constant 0 : i32
    %dma_start3A_524 = arith.constant 0 : i32
    %dma_start3A_525 = tpu.memref_slice %arg10[%dma_start3A_523, %dma_start3A_524] : memref<128x64xf32, #tpu.memory_space<vmem>> -> memref<128x64xf32, #tpu.memory_space<vmem>>
    %dma_start3A_526 = arith.constant 1920 : i32
    %dma_start3A_527 = tpu.memref_slice %arg5[%dma_start3A_526] : memref<4088xi32, #tpu.memory_space<vmem>> -> memref<128xi32, #tpu.memory_space<vmem>>
    %dma_start3A_528 = arith.constant 0 : i32
    %dma_start3A_529 = arith.constant 0 : i32
    %dma_start3A_530 = tpu.memref_slice %arg6[%dma_start3A_528, %dma_start3A_529] : memref<512x64xf32, #tpu.memory_space<vmem_shared>> -> memref<512x64xf32, #tpu.memory_space<vmem_shared>>
    tpu.enqueue_indirect_dma source(%dma_start3A_530 : memref<512x64xf32, #tpu.memory_space<vmem_shared>>) target(%dma_start3A_525 : memref<128x64xf32, #tpu.memory_space<vmem>>) offsets(%dma_start3A_527 : memref<128xi32, #tpu.memory_space<vmem>>) semaphore(%arg11 : memref<!tpu.dma_semaphore, #tpu.memory_space<semaphore_mem>>)
    %dma_wait3A_531 = arith.constant 0 : i32
    %dma_wait3A_532 = arith.constant 0 : i32
    %dma_wait3A_533 = tpu.memref_slice %arg9[%dma_wait3A_531, %dma_wait3A_532] : memref<128x64xf32, #tpu.memory_space<vmem>> -> memref<128x64xf32, #tpu.memory_space<vmem>>
    %dma_wait3A_534 = arith.constant 1792 : i32
    %dma_wait3A_535 = tpu.memref_slice %arg5[%dma_wait3A_534] : memref<4088xi32, #tpu.memory_space<vmem>> -> memref<128xi32, #tpu.memory_space<vmem>>
    %dma_wait3A_536 = arith.constant 0 : i32
    %dma_wait3A_537 = arith.constant 0 : i32
    %dma_wait3A_538 = tpu.memref_slice %arg6[%dma_wait3A_536, %dma_wait3A_537] : memref<512x64xf32, #tpu.memory_space<vmem_shared>> -> memref<512x64xf32, #tpu.memory_space<vmem_shared>>
    tpu.wait_indirect_dma semaphore(%arg11 : memref<!tpu.dma_semaphore, #tpu.memory_space<semaphore_mem>>) src(%dma_wait3A_538 : memref<512x64xf32, #tpu.memory_space<vmem_shared>>) dst(%dma_wait3A_533 : memref<128x64xf32, #tpu.memory_space<vmem>>)
    %add3A_539 = arith.constant 1792 : i32
    %add3A_540 = arith.addi %mul3A_2, %add3A_539 : i32
    %dma_start3A_541 = arith.constant 0 : i32
    %dma_start3A_542 = arith.constant 0 : i32
    %dma_start3A_543 = tpu.memref_slice %arg9[%dma_start3A_541, %dma_start3A_542] : memref<128x64xf32, #tpu.memory_space<vmem>> -> memref<128x64xf32, #tpu.memory_space<vmem>>
    %dma_start3A_544 = arith.constant 0 : i32
    %dma_start3A_545 = tpu.memref_slice %arg4[%add3A_540, %dma_start3A_544] : memref<130816x64xf32, #tpu.memory_space<hbm>> -> memref<128x64xf32, #tpu.memory_space<hbm>>
    %dma_start3A_546 = arith.constant 0 : i32
    %dma_start3A_547 = tpu.memref_slice %arg4[%add3A_540, %dma_start3A_546] : memref<130816x64xf32, #tpu.memory_space<hbm>> -> memref<128x64xf32, #tpu.memory_space<hbm>>
    %dma_start3A_548 = arith.constant 0 : i32
    %dma_start3A_549 = arith.constant 0 : i32
    %dma_start3A_550 = tpu.memref_slice %arg9[%dma_start3A_548, %dma_start3A_549] : memref<128x64xf32, #tpu.memory_space<vmem>> -> memref<128x64xf32, #tpu.memory_space<vmem>>
    tpu.enqueue_dma source(%dma_start3A_550 : memref<128x64xf32, #tpu.memory_space<vmem>>) target(%dma_start3A_547 : memref<128x64xf32, #tpu.memory_space<hbm>>) target_semaphore(%arg12 : memref<!tpu.dma_semaphore, #tpu.memory_space<semaphore_mem>>)
    %dma_wait3A_551 = arith.constant 0 : i32
    %dma_wait3A_552 = arith.constant 0 : i32
    %dma_wait3A_553 = tpu.memref_slice %arg7[%dma_wait3A_551, %dma_wait3A_552] : memref<128x64xf32, #tpu.memory_space<vmem>> -> memref<128x64xf32, #tpu.memory_space<vmem>>
    %dma_wait3A_554 = arith.constant 0 : i32
    %dma_wait3A_555 = tpu.memref_slice %arg4[%add3A_464, %dma_wait3A_554] : memref<130816x64xf32, #tpu.memory_space<hbm>> -> memref<128x64xf32, #tpu.memory_space<hbm>>
    %dma_wait3A_556 = arith.constant 0 : i32
    %dma_wait3A_557 = tpu.memref_slice %arg4[%add3A_464, %dma_wait3A_556] : memref<130816x64xf32, #tpu.memory_space<hbm>> -> memref<128x64xf32, #tpu.memory_space<hbm>>
    %dma_wait3A_558 = arith.constant 0 : i32
    %dma_wait3A_559 = arith.constant 0 : i32
    %dma_wait3A_560 = tpu.memref_slice %arg7[%dma_wait3A_558, %dma_wait3A_559] : memref<128x64xf32, #tpu.memory_space<vmem>> -> memref<128x64xf32, #tpu.memory_space<vmem>>
    tpu.wait_dma2 semaphore(%arg12 : memref<!tpu.dma_semaphore, #tpu.memory_space<semaphore_mem>>) src(%dma_wait3A_560 : memref<128x64xf32, #tpu.memory_space<vmem>>) dst(%dma_wait3A_557 : memref<128x64xf32, #tpu.memory_space<hbm>>)
    %dma_start3A_561 = arith.constant 0 : i32
    %dma_start3A_562 = arith.constant 0 : i32
    %dma_start3A_563 = tpu.memref_slice %arg7[%dma_start3A_561, %dma_start3A_562] : memref<128x64xf32, #tpu.memory_space<vmem>> -> memref<128x64xf32, #tpu.memory_space<vmem>>
    %dma_start3A_564 = arith.constant 2048 : i32
    %dma_start3A_565 = tpu.memref_slice %arg5[%dma_start3A_564] : memref<4088xi32, #tpu.memory_space<vmem>> -> memref<128xi32, #tpu.memory_space<vmem>>
    %dma_start3A_566 = arith.constant 0 : i32
    %dma_start3A_567 = arith.constant 0 : i32
    %dma_start3A_568 = tpu.memref_slice %arg6[%dma_start3A_566, %dma_start3A_567] : memref<512x64xf32, #tpu.memory_space<vmem_shared>> -> memref<512x64xf32, #tpu.memory_space<vmem_shared>>
    tpu.enqueue_indirect_dma source(%dma_start3A_568 : memref<512x64xf32, #tpu.memory_space<vmem_shared>>) target(%dma_start3A_563 : memref<128x64xf32, #tpu.memory_space<vmem>>) offsets(%dma_start3A_565 : memref<128xi32, #tpu.memory_space<vmem>>) semaphore(%arg11 : memref<!tpu.dma_semaphore, #tpu.memory_space<semaphore_mem>>)
    %dma_wait3A_569 = arith.constant 0 : i32
    %dma_wait3A_570 = arith.constant 0 : i32
    %dma_wait3A_571 = tpu.memref_slice %arg10[%dma_wait3A_569, %dma_wait3A_570] : memref<128x64xf32, #tpu.memory_space<vmem>> -> memref<128x64xf32, #tpu.memory_space<vmem>>
    %dma_wait3A_572 = arith.constant 1920 : i32
    %dma_wait3A_573 = tpu.memref_slice %arg5[%dma_wait3A_572] : memref<4088xi32, #tpu.memory_space<vmem>> -> memref<128xi32, #tpu.memory_space<vmem>>
    %dma_wait3A_574 = arith.constant 0 : i32
    %dma_wait3A_575 = arith.constant 0 : i32
    %dma_wait3A_576 = tpu.memref_slice %arg6[%dma_wait3A_574, %dma_wait3A_575] : memref<512x64xf32, #tpu.memory_space<vmem_shared>> -> memref<512x64xf32, #tpu.memory_space<vmem_shared>>
    tpu.wait_indirect_dma semaphore(%arg11 : memref<!tpu.dma_semaphore, #tpu.memory_space<semaphore_mem>>) src(%dma_wait3A_576 : memref<512x64xf32, #tpu.memory_space<vmem_shared>>) dst(%dma_wait3A_571 : memref<128x64xf32, #tpu.memory_space<vmem>>)
    %add3A_577 = arith.constant 1920 : i32
    %add3A_578 = arith.addi %mul3A_2, %add3A_577 : i32
    %dma_start3A_579 = arith.constant 0 : i32
    %dma_start3A_580 = arith.constant 0 : i32
    %dma_start3A_581 = tpu.memref_slice %arg10[%dma_start3A_579, %dma_start3A_580] : memref<128x64xf32, #tpu.memory_space<vmem>> -> memref<128x64xf32, #tpu.memory_space<vmem>>
    %dma_start3A_582 = arith.constant 0 : i32
    %dma_start3A_583 = tpu.memref_slice %arg4[%add3A_578, %dma_start3A_582] : memref<130816x64xf32, #tpu.memory_space<hbm>> -> memref<128x64xf32, #tpu.memory_space<hbm>>
    %dma_start3A_584 = arith.constant 0 : i32
    %dma_start3A_585 = tpu.memref_slice %arg4[%add3A_578, %dma_start3A_584] : memref<130816x64xf32, #tpu.memory_space<hbm>> -> memref<128x64xf32, #tpu.memory_space<hbm>>
    %dma_start3A_586 = arith.constant 0 : i32
    %dma_start3A_587 = arith.constant 0 : i32
    %dma_start3A_588 = tpu.memref_slice %arg10[%dma_start3A_586, %dma_start3A_587] : memref<128x64xf32, #tpu.memory_space<vmem>> -> memref<128x64xf32, #tpu.memory_space<vmem>>
    tpu.enqueue_dma source(%dma_start3A_588 : memref<128x64xf32, #tpu.memory_space<vmem>>) target(%dma_start3A_585 : memref<128x64xf32, #tpu.memory_space<hbm>>) target_semaphore(%arg12 : memref<!tpu.dma_semaphore, #tpu.memory_space<semaphore_mem>>)
    %dma_wait3A_589 = arith.constant 0 : i32
    %dma_wait3A_590 = arith.constant 0 : i32
    %dma_wait3A_591 = tpu.memref_slice %arg8[%dma_wait3A_589, %dma_wait3A_590] : memref<128x64xf32, #tpu.memory_space<vmem>> -> memref<128x64xf32, #tpu.memory_space<vmem>>
    %dma_wait3A_592 = arith.constant 0 : i32
    %dma_wait3A_593 = tpu.memref_slice %arg4[%add3A_502, %dma_wait3A_592] : memref<130816x64xf32, #tpu.memory_space<hbm>> -> memref<128x64xf32, #tpu.memory_space<hbm>>
    %dma_wait3A_594 = arith.constant 0 : i32
    %dma_wait3A_595 = tpu.memref_slice %arg4[%add3A_502, %dma_wait3A_594] : memref<130816x64xf32, #tpu.memory_space<hbm>> -> memref<128x64xf32, #tpu.memory_space<hbm>>
    %dma_wait3A_596 = arith.constant 0 : i32
    %dma_wait3A_597 = arith.constant 0 : i32
    %dma_wait3A_598 = tpu.memref_slice %arg8[%dma_wait3A_596, %dma_wait3A_597] : memref<128x64xf32, #tpu.memory_space<vmem>> -> memref<128x64xf32, #tpu.memory_space<vmem>>
    tpu.wait_dma2 semaphore(%arg12 : memref<!tpu.dma_semaphore, #tpu.memory_space<semaphore_mem>>) src(%dma_wait3A_598 : memref<128x64xf32, #tpu.memory_space<vmem>>) dst(%dma_wait3A_595 : memref<128x64xf32, #tpu.memory_space<hbm>>)
    %dma_start3A_599 = arith.constant 0 : i32
    %dma_start3A_600 = arith.constant 0 : i32
    %dma_start3A_601 = tpu.memref_slice %arg8[%dma_start3A_599, %dma_start3A_600] : memref<128x64xf32, #tpu.memory_space<vmem>> -> memref<128x64xf32, #tpu.memory_space<vmem>>
    %dma_start3A_602 = arith.constant 2176 : i32
    %dma_start3A_603 = tpu.memref_slice %arg5[%dma_start3A_602] : memref<4088xi32, #tpu.memory_space<vmem>> -> memref<128xi32, #tpu.memory_space<vmem>>
    %dma_start3A_604 = arith.constant 0 : i32
    %dma_start3A_605 = arith.constant 0 : i32
    %dma_start3A_606 = tpu.memref_slice %arg6[%dma_start3A_604, %dma_start3A_605] : memref<512x64xf32, #tpu.memory_space<vmem_shared>> -> memref<512x64xf32, #tpu.memory_space<vmem_shared>>
    tpu.enqueue_indirect_dma source(%dma_start3A_606 : memref<512x64xf32, #tpu.memory_space<vmem_shared>>) target(%dma_start3A_601 : memref<128x64xf32, #tpu.memory_space<vmem>>) offsets(%dma_start3A_603 : memref<128xi32, #tpu.memory_space<vmem>>) semaphore(%arg11 : memref<!tpu.dma_semaphore, #tpu.memory_space<semaphore_mem>>)
    %dma_wait3A_607 = arith.constant 0 : i32
    %dma_wait3A_608 = arith.constant 0 : i32
    %dma_wait3A_609 = tpu.memref_slice %arg7[%dma_wait3A_607, %dma_wait3A_608] : memref<128x64xf32, #tpu.memory_space<vmem>> -> memref<128x64xf32, #tpu.memory_space<vmem>>
    %dma_wait3A_610 = arith.constant 2048 : i32
    %dma_wait3A_611 = tpu.memref_slice %arg5[%dma_wait3A_610] : memref<4088xi32, #tpu.memory_space<vmem>> -> memref<128xi32, #tpu.memory_space<vmem>>
    %dma_wait3A_612 = arith.constant 0 : i32
    %dma_wait3A_613 = arith.constant 0 : i32
    %dma_wait3A_614 = tpu.memref_slice %arg6[%dma_wait3A_612, %dma_wait3A_613] : memref<512x64xf32, #tpu.memory_space<vmem_shared>> -> memref<512x64xf32, #tpu.memory_space<vmem_shared>>
    tpu.wait_indirect_dma semaphore(%arg11 : memref<!tpu.dma_semaphore, #tpu.memory_space<semaphore_mem>>) src(%dma_wait3A_614 : memref<512x64xf32, #tpu.memory_space<vmem_shared>>) dst(%dma_wait3A_609 : memref<128x64xf32, #tpu.memory_space<vmem>>)
    %add3A_615 = arith.constant 2048 : i32
    %add3A_616 = arith.addi %mul3A_2, %add3A_615 : i32
    %dma_start3A_617 = arith.constant 0 : i32
    %dma_start3A_618 = arith.constant 0 : i32
    %dma_start3A_619 = tpu.memref_slice %arg7[%dma_start3A_617, %dma_start3A_618] : memref<128x64xf32, #tpu.memory_space<vmem>> -> memref<128x64xf32, #tpu.memory_space<vmem>>
    %dma_start3A_620 = arith.constant 0 : i32
    %dma_start3A_621 = tpu.memref_slice %arg4[%add3A_616, %dma_start3A_620] : memref<130816x64xf32, #tpu.memory_space<hbm>> -> memref<128x64xf32, #tpu.memory_space<hbm>>
    %dma_start3A_622 = arith.constant 0 : i32
    %dma_start3A_623 = tpu.memref_slice %arg4[%add3A_616, %dma_start3A_622] : memref<130816x64xf32, #tpu.memory_space<hbm>> -> memref<128x64xf32, #tpu.memory_space<hbm>>
    %dma_start3A_624 = arith.constant 0 : i32
    %dma_start3A_625 = arith.constant 0 : i32
    %dma_start3A_626 = tpu.memref_slice %arg7[%dma_start3A_624, %dma_start3A_625] : memref<128x64xf32, #tpu.memory_space<vmem>> -> memref<128x64xf32, #tpu.memory_space<vmem>>
    tpu.enqueue_dma source(%dma_start3A_626 : memref<128x64xf32, #tpu.memory_space<vmem>>) target(%dma_start3A_623 : memref<128x64xf32, #tpu.memory_space<hbm>>) target_semaphore(%arg12 : memref<!tpu.dma_semaphore, #tpu.memory_space<semaphore_mem>>)
    %dma_wait3A_627 = arith.constant 0 : i32
    %dma_wait3A_628 = arith.constant 0 : i32
    %dma_wait3A_629 = tpu.memref_slice %arg9[%dma_wait3A_627, %dma_wait3A_628] : memref<128x64xf32, #tpu.memory_space<vmem>> -> memref<128x64xf32, #tpu.memory_space<vmem>>
    %dma_wait3A_630 = arith.constant 0 : i32
    %dma_wait3A_631 = tpu.memref_slice %arg4[%add3A_540, %dma_wait3A_630] : memref<130816x64xf32, #tpu.memory_space<hbm>> -> memref<128x64xf32, #tpu.memory_space<hbm>>
    %dma_wait3A_632 = arith.constant 0 : i32
    %dma_wait3A_633 = tpu.memref_slice %arg4[%add3A_540, %dma_wait3A_632] : memref<130816x64xf32, #tpu.memory_space<hbm>> -> memref<128x64xf32, #tpu.memory_space<hbm>>
    %dma_wait3A_634 = arith.constant 0 : i32
    %dma_wait3A_635 = arith.constant 0 : i32
    %dma_wait3A_636 = tpu.memref_slice %arg9[%dma_wait3A_634, %dma_wait3A_635] : memref<128x64xf32, #tpu.memory_space<vmem>> -> memref<128x64xf32, #tpu.memory_space<vmem>>
    tpu.wait_dma2 semaphore(%arg12 : memref<!tpu.dma_semaphore, #tpu.memory_space<semaphore_mem>>) src(%dma_wait3A_636 : memref<128x64xf32, #tpu.memory_space<vmem>>) dst(%dma_wait3A_633 : memref<128x64xf32, #tpu.memory_space<hbm>>)
    %dma_start3A_637 = arith.constant 0 : i32
    %dma_start3A_638 = arith.constant 0 : i32
    %dma_start3A_639 = tpu.memref_slice %arg9[%dma_start3A_637, %dma_start3A_638] : memref<128x64xf32, #tpu.memory_space<vmem>> -> memref<128x64xf32, #tpu.memory_space<vmem>>
    %dma_start3A_640 = arith.constant 2304 : i32
    %dma_start3A_641 = tpu.memref_slice %arg5[%dma_start3A_640] : memref<4088xi32, #tpu.memory_space<vmem>> -> memref<128xi32, #tpu.memory_space<vmem>>
    %dma_start3A_642 = arith.constant 0 : i32
    %dma_start3A_643 = arith.constant 0 : i32
    %dma_start3A_644 = tpu.memref_slice %arg6[%dma_start3A_642, %dma_start3A_643] : memref<512x64xf32, #tpu.memory_space<vmem_shared>> -> memref<512x64xf32, #tpu.memory_space<vmem_shared>>
    tpu.enqueue_indirect_dma source(%dma_start3A_644 : memref<512x64xf32, #tpu.memory_space<vmem_shared>>) target(%dma_start3A_639 : memref<128x64xf32, #tpu.memory_space<vmem>>) offsets(%dma_start3A_641 : memref<128xi32, #tpu.memory_space<vmem>>) semaphore(%arg11 : memref<!tpu.dma_semaphore, #tpu.memory_space<semaphore_mem>>)
    %dma_wait3A_645 = arith.constant 0 : i32
    %dma_wait3A_646 = arith.constant 0 : i32
    %dma_wait3A_647 = tpu.memref_slice %arg8[%dma_wait3A_645, %dma_wait3A_646] : memref<128x64xf32, #tpu.memory_space<vmem>> -> memref<128x64xf32, #tpu.memory_space<vmem>>
    %dma_wait3A_648 = arith.constant 2176 : i32
    %dma_wait3A_649 = tpu.memref_slice %arg5[%dma_wait3A_648] : memref<4088xi32, #tpu.memory_space<vmem>> -> memref<128xi32, #tpu.memory_space<vmem>>
    %dma_wait3A_650 = arith.constant 0 : i32
    %dma_wait3A_651 = arith.constant 0 : i32
    %dma_wait3A_652 = tpu.memref_slice %arg6[%dma_wait3A_650, %dma_wait3A_651] : memref<512x64xf32, #tpu.memory_space<vmem_shared>> -> memref<512x64xf32, #tpu.memory_space<vmem_shared>>
    tpu.wait_indirect_dma semaphore(%arg11 : memref<!tpu.dma_semaphore, #tpu.memory_space<semaphore_mem>>) src(%dma_wait3A_652 : memref<512x64xf32, #tpu.memory_space<vmem_shared>>) dst(%dma_wait3A_647 : memref<128x64xf32, #tpu.memory_space<vmem>>)
    %add3A_653 = arith.constant 2176 : i32
    %add3A_654 = arith.addi %mul3A_2, %add3A_653 : i32
    %dma_start3A_655 = arith.constant 0 : i32
    %dma_start3A_656 = arith.constant 0 : i32
    %dma_start3A_657 = tpu.memref_slice %arg8[%dma_start3A_655, %dma_start3A_656] : memref<128x64xf32, #tpu.memory_space<vmem>> -> memref<128x64xf32, #tpu.memory_space<vmem>>
    %dma_start3A_658 = arith.constant 0 : i32
    %dma_start3A_659 = tpu.memref_slice %arg4[%add3A_654, %dma_start3A_658] : memref<130816x64xf32, #tpu.memory_space<hbm>> -> memref<128x64xf32, #tpu.memory_space<hbm>>
    %dma_start3A_660 = arith.constant 0 : i32
    %dma_start3A_661 = tpu.memref_slice %arg4[%add3A_654, %dma_start3A_660] : memref<130816x64xf32, #tpu.memory_space<hbm>> -> memref<128x64xf32, #tpu.memory_space<hbm>>
    %dma_start3A_662 = arith.constant 0 : i32
    %dma_start3A_663 = arith.constant 0 : i32
    %dma_start3A_664 = tpu.memref_slice %arg8[%dma_start3A_662, %dma_start3A_663] : memref<128x64xf32, #tpu.memory_space<vmem>> -> memref<128x64xf32, #tpu.memory_space<vmem>>
    tpu.enqueue_dma source(%dma_start3A_664 : memref<128x64xf32, #tpu.memory_space<vmem>>) target(%dma_start3A_661 : memref<128x64xf32, #tpu.memory_space<hbm>>) target_semaphore(%arg12 : memref<!tpu.dma_semaphore, #tpu.memory_space<semaphore_mem>>)
    %dma_wait3A_665 = arith.constant 0 : i32
    %dma_wait3A_666 = arith.constant 0 : i32
    %dma_wait3A_667 = tpu.memref_slice %arg10[%dma_wait3A_665, %dma_wait3A_666] : memref<128x64xf32, #tpu.memory_space<vmem>> -> memref<128x64xf32, #tpu.memory_space<vmem>>
    %dma_wait3A_668 = arith.constant 0 : i32
    %dma_wait3A_669 = tpu.memref_slice %arg4[%add3A_578, %dma_wait3A_668] : memref<130816x64xf32, #tpu.memory_space<hbm>> -> memref<128x64xf32, #tpu.memory_space<hbm>>
    %dma_wait3A_670 = arith.constant 0 : i32
    %dma_wait3A_671 = tpu.memref_slice %arg4[%add3A_578, %dma_wait3A_670] : memref<130816x64xf32, #tpu.memory_space<hbm>> -> memref<128x64xf32, #tpu.memory_space<hbm>>
    %dma_wait3A_672 = arith.constant 0 : i32
    %dma_wait3A_673 = arith.constant 0 : i32
    %dma_wait3A_674 = tpu.memref_slice %arg10[%dma_wait3A_672, %dma_wait3A_673] : memref<128x64xf32, #tpu.memory_space<vmem>> -> memref<128x64xf32, #tpu.memory_space<vmem>>
    tpu.wait_dma2 semaphore(%arg12 : memref<!tpu.dma_semaphore, #tpu.memory_space<semaphore_mem>>) src(%dma_wait3A_674 : memref<128x64xf32, #tpu.memory_space<vmem>>) dst(%dma_wait3A_671 : memref<128x64xf32, #tpu.memory_space<hbm>>)
    %dma_start3A_675 = arith.constant 0 : i32
    %dma_start3A_676 = arith.constant 0 : i32
    %dma_start3A_677 = tpu.memref_slice %arg10[%dma_start3A_675, %dma_start3A_676] : memref<128x64xf32, #tpu.memory_space<vmem>> -> memref<128x64xf32, #tpu.memory_space<vmem>>
    %dma_start3A_678 = arith.constant 2432 : i32
    %dma_start3A_679 = tpu.memref_slice %arg5[%dma_start3A_678] : memref<4088xi32, #tpu.memory_space<vmem>> -> memref<128xi32, #tpu.memory_space<vmem>>
    %dma_start3A_680 = arith.constant 0 : i32
    %dma_start3A_681 = arith.constant 0 : i32
    %dma_start3A_682 = tpu.memref_slice %arg6[%dma_start3A_680, %dma_start3A_681] : memref<512x64xf32, #tpu.memory_space<vmem_shared>> -> memref<512x64xf32, #tpu.memory_space<vmem_shared>>
    tpu.enqueue_indirect_dma source(%dma_start3A_682 : memref<512x64xf32, #tpu.memory_space<vmem_shared>>) target(%dma_start3A_677 : memref<128x64xf32, #tpu.memory_space<vmem>>) offsets(%dma_start3A_679 : memref<128xi32, #tpu.memory_space<vmem>>) semaphore(%arg11 : memref<!tpu.dma_semaphore, #tpu.memory_space<semaphore_mem>>)
    %dma_wait3A_683 = arith.constant 0 : i32
    %dma_wait3A_684 = arith.constant 0 : i32
    %dma_wait3A_685 = tpu.memref_slice %arg9[%dma_wait3A_683, %dma_wait3A_684] : memref<128x64xf32, #tpu.memory_space<vmem>> -> memref<128x64xf32, #tpu.memory_space<vmem>>
    %dma_wait3A_686 = arith.constant 2304 : i32
    %dma_wait3A_687 = tpu.memref_slice %arg5[%dma_wait3A_686] : memref<4088xi32, #tpu.memory_space<vmem>> -> memref<128xi32, #tpu.memory_space<vmem>>
    %dma_wait3A_688 = arith.constant 0 : i32
    %dma_wait3A_689 = arith.constant 0 : i32
    %dma_wait3A_690 = tpu.memref_slice %arg6[%dma_wait3A_688, %dma_wait3A_689] : memref<512x64xf32, #tpu.memory_space<vmem_shared>> -> memref<512x64xf32, #tpu.memory_space<vmem_shared>>
    tpu.wait_indirect_dma semaphore(%arg11 : memref<!tpu.dma_semaphore, #tpu.memory_space<semaphore_mem>>) src(%dma_wait3A_690 : memref<512x64xf32, #tpu.memory_space<vmem_shared>>) dst(%dma_wait3A_685 : memref<128x64xf32, #tpu.memory_space<vmem>>)
    %add3A_691 = arith.constant 2304 : i32
    %add3A_692 = arith.addi %mul3A_2, %add3A_691 : i32
    %dma_start3A_693 = arith.constant 0 : i32
    %dma_start3A_694 = arith.constant 0 : i32
    %dma_start3A_695 = tpu.memref_slice %arg9[%dma_start3A_693, %dma_start3A_694] : memref<128x64xf32, #tpu.memory_space<vmem>> -> memref<128x64xf32, #tpu.memory_space<vmem>>
    %dma_start3A_696 = arith.constant 0 : i32
    %dma_start3A_697 = tpu.memref_slice %arg4[%add3A_692, %dma_start3A_696] : memref<130816x64xf32, #tpu.memory_space<hbm>> -> memref<128x64xf32, #tpu.memory_space<hbm>>
    %dma_start3A_698 = arith.constant 0 : i32
    %dma_start3A_699 = tpu.memref_slice %arg4[%add3A_692, %dma_start3A_698] : memref<130816x64xf32, #tpu.memory_space<hbm>> -> memref<128x64xf32, #tpu.memory_space<hbm>>
    %dma_start3A_700 = arith.constant 0 : i32
    %dma_start3A_701 = arith.constant 0 : i32
    %dma_start3A_702 = tpu.memref_slice %arg9[%dma_start3A_700, %dma_start3A_701] : memref<128x64xf32, #tpu.memory_space<vmem>> -> memref<128x64xf32, #tpu.memory_space<vmem>>
    tpu.enqueue_dma source(%dma_start3A_702 : memref<128x64xf32, #tpu.memory_space<vmem>>) target(%dma_start3A_699 : memref<128x64xf32, #tpu.memory_space<hbm>>) target_semaphore(%arg12 : memref<!tpu.dma_semaphore, #tpu.memory_space<semaphore_mem>>)
    %dma_wait3A_703 = arith.constant 0 : i32
    %dma_wait3A_704 = arith.constant 0 : i32
    %dma_wait3A_705 = tpu.memref_slice %arg7[%dma_wait3A_703, %dma_wait3A_704] : memref<128x64xf32, #tpu.memory_space<vmem>> -> memref<128x64xf32, #tpu.memory_space<vmem>>
    %dma_wait3A_706 = arith.constant 0 : i32
    %dma_wait3A_707 = tpu.memref_slice %arg4[%add3A_616, %dma_wait3A_706] : memref<130816x64xf32, #tpu.memory_space<hbm>> -> memref<128x64xf32, #tpu.memory_space<hbm>>
    %dma_wait3A_708 = arith.constant 0 : i32
    %dma_wait3A_709 = tpu.memref_slice %arg4[%add3A_616, %dma_wait3A_708] : memref<130816x64xf32, #tpu.memory_space<hbm>> -> memref<128x64xf32, #tpu.memory_space<hbm>>
    %dma_wait3A_710 = arith.constant 0 : i32
    %dma_wait3A_711 = arith.constant 0 : i32
    %dma_wait3A_712 = tpu.memref_slice %arg7[%dma_wait3A_710, %dma_wait3A_711] : memref<128x64xf32, #tpu.memory_space<vmem>> -> memref<128x64xf32, #tpu.memory_space<vmem>>
    tpu.wait_dma2 semaphore(%arg12 : memref<!tpu.dma_semaphore, #tpu.memory_space<semaphore_mem>>) src(%dma_wait3A_712 : memref<128x64xf32, #tpu.memory_space<vmem>>) dst(%dma_wait3A_709 : memref<128x64xf32, #tpu.memory_space<hbm>>)
    %dma_start3A_713 = arith.constant 0 : i32
    %dma_start3A_714 = arith.constant 0 : i32
    %dma_start3A_715 = tpu.memref_slice %arg7[%dma_start3A_713, %dma_start3A_714] : memref<128x64xf32, #tpu.memory_space<vmem>> -> memref<128x64xf32, #tpu.memory_space<vmem>>
    %dma_start3A_716 = arith.constant 2560 : i32
    %dma_start3A_717 = tpu.memref_slice %arg5[%dma_start3A_716] : memref<4088xi32, #tpu.memory_space<vmem>> -> memref<128xi32, #tpu.memory_space<vmem>>
    %dma_start3A_718 = arith.constant 0 : i32
    %dma_start3A_719 = arith.constant 0 : i32
    %dma_start3A_720 = tpu.memref_slice %arg6[%dma_start3A_718, %dma_start3A_719] : memref<512x64xf32, #tpu.memory_space<vmem_shared>> -> memref<512x64xf32, #tpu.memory_space<vmem_shared>>
    tpu.enqueue_indirect_dma source(%dma_start3A_720 : memref<512x64xf32, #tpu.memory_space<vmem_shared>>) target(%dma_start3A_715 : memref<128x64xf32, #tpu.memory_space<vmem>>) offsets(%dma_start3A_717 : memref<128xi32, #tpu.memory_space<vmem>>) semaphore(%arg11 : memref<!tpu.dma_semaphore, #tpu.memory_space<semaphore_mem>>)
    %dma_wait3A_721 = arith.constant 0 : i32
    %dma_wait3A_722 = arith.constant 0 : i32
    %dma_wait3A_723 = tpu.memref_slice %arg10[%dma_wait3A_721, %dma_wait3A_722] : memref<128x64xf32, #tpu.memory_space<vmem>> -> memref<128x64xf32, #tpu.memory_space<vmem>>
    %dma_wait3A_724 = arith.constant 2432 : i32
    %dma_wait3A_725 = tpu.memref_slice %arg5[%dma_wait3A_724] : memref<4088xi32, #tpu.memory_space<vmem>> -> memref<128xi32, #tpu.memory_space<vmem>>
    %dma_wait3A_726 = arith.constant 0 : i32
    %dma_wait3A_727 = arith.constant 0 : i32
    %dma_wait3A_728 = tpu.memref_slice %arg6[%dma_wait3A_726, %dma_wait3A_727] : memref<512x64xf32, #tpu.memory_space<vmem_shared>> -> memref<512x64xf32, #tpu.memory_space<vmem_shared>>
    tpu.wait_indirect_dma semaphore(%arg11 : memref<!tpu.dma_semaphore, #tpu.memory_space<semaphore_mem>>) src(%dma_wait3A_728 : memref<512x64xf32, #tpu.memory_space<vmem_shared>>) dst(%dma_wait3A_723 : memref<128x64xf32, #tpu.memory_space<vmem>>)
    %add3A_729 = arith.constant 2432 : i32
    %add3A_730 = arith.addi %mul3A_2, %add3A_729 : i32
    %dma_start3A_731 = arith.constant 0 : i32
    %dma_start3A_732 = arith.constant 0 : i32
    %dma_start3A_733 = tpu.memref_slice %arg10[%dma_start3A_731, %dma_start3A_732] : memref<128x64xf32, #tpu.memory_space<vmem>> -> memref<128x64xf32, #tpu.memory_space<vmem>>
    %dma_start3A_734 = arith.constant 0 : i32
    %dma_start3A_735 = tpu.memref_slice %arg4[%add3A_730, %dma_start3A_734] : memref<130816x64xf32, #tpu.memory_space<hbm>> -> memref<128x64xf32, #tpu.memory_space<hbm>>
    %dma_start3A_736 = arith.constant 0 : i32
    %dma_start3A_737 = tpu.memref_slice %arg4[%add3A_730, %dma_start3A_736] : memref<130816x64xf32, #tpu.memory_space<hbm>> -> memref<128x64xf32, #tpu.memory_space<hbm>>
    %dma_start3A_738 = arith.constant 0 : i32
    %dma_start3A_739 = arith.constant 0 : i32
    %dma_start3A_740 = tpu.memref_slice %arg10[%dma_start3A_738, %dma_start3A_739] : memref<128x64xf32, #tpu.memory_space<vmem>> -> memref<128x64xf32, #tpu.memory_space<vmem>>
    tpu.enqueue_dma source(%dma_start3A_740 : memref<128x64xf32, #tpu.memory_space<vmem>>) target(%dma_start3A_737 : memref<128x64xf32, #tpu.memory_space<hbm>>) target_semaphore(%arg12 : memref<!tpu.dma_semaphore, #tpu.memory_space<semaphore_mem>>)
    %dma_wait3A_741 = arith.constant 0 : i32
    %dma_wait3A_742 = arith.constant 0 : i32
    %dma_wait3A_743 = tpu.memref_slice %arg8[%dma_wait3A_741, %dma_wait3A_742] : memref<128x64xf32, #tpu.memory_space<vmem>> -> memref<128x64xf32, #tpu.memory_space<vmem>>
    %dma_wait3A_744 = arith.constant 0 : i32
    %dma_wait3A_745 = tpu.memref_slice %arg4[%add3A_654, %dma_wait3A_744] : memref<130816x64xf32, #tpu.memory_space<hbm>> -> memref<128x64xf32, #tpu.memory_space<hbm>>
    %dma_wait3A_746 = arith.constant 0 : i32
    %dma_wait3A_747 = tpu.memref_slice %arg4[%add3A_654, %dma_wait3A_746] : memref<130816x64xf32, #tpu.memory_space<hbm>> -> memref<128x64xf32, #tpu.memory_space<hbm>>
    %dma_wait3A_748 = arith.constant 0 : i32
    %dma_wait3A_749 = arith.constant 0 : i32
    %dma_wait3A_750 = tpu.memref_slice %arg8[%dma_wait3A_748, %dma_wait3A_749] : memref<128x64xf32, #tpu.memory_space<vmem>> -> memref<128x64xf32, #tpu.memory_space<vmem>>
    tpu.wait_dma2 semaphore(%arg12 : memref<!tpu.dma_semaphore, #tpu.memory_space<semaphore_mem>>) src(%dma_wait3A_750 : memref<128x64xf32, #tpu.memory_space<vmem>>) dst(%dma_wait3A_747 : memref<128x64xf32, #tpu.memory_space<hbm>>)
    %dma_start3A_751 = arith.constant 0 : i32
    %dma_start3A_752 = arith.constant 0 : i32
    %dma_start3A_753 = tpu.memref_slice %arg8[%dma_start3A_751, %dma_start3A_752] : memref<128x64xf32, #tpu.memory_space<vmem>> -> memref<128x64xf32, #tpu.memory_space<vmem>>
    %dma_start3A_754 = arith.constant 2688 : i32
    %dma_start3A_755 = tpu.memref_slice %arg5[%dma_start3A_754] : memref<4088xi32, #tpu.memory_space<vmem>> -> memref<128xi32, #tpu.memory_space<vmem>>
    %dma_start3A_756 = arith.constant 0 : i32
    %dma_start3A_757 = arith.constant 0 : i32
    %dma_start3A_758 = tpu.memref_slice %arg6[%dma_start3A_756, %dma_start3A_757] : memref<512x64xf32, #tpu.memory_space<vmem_shared>> -> memref<512x64xf32, #tpu.memory_space<vmem_shared>>
    tpu.enqueue_indirect_dma source(%dma_start3A_758 : memref<512x64xf32, #tpu.memory_space<vmem_shared>>) target(%dma_start3A_753 : memref<128x64xf32, #tpu.memory_space<vmem>>) offsets(%dma_start3A_755 : memref<128xi32, #tpu.memory_space<vmem>>) semaphore(%arg11 : memref<!tpu.dma_semaphore, #tpu.memory_space<semaphore_mem>>)
    %dma_wait3A_759 = arith.constant 0 : i32
    %dma_wait3A_760 = arith.constant 0 : i32
    %dma_wait3A_761 = tpu.memref_slice %arg7[%dma_wait3A_759, %dma_wait3A_760] : memref<128x64xf32, #tpu.memory_space<vmem>> -> memref<128x64xf32, #tpu.memory_space<vmem>>
    %dma_wait3A_762 = arith.constant 2560 : i32
    %dma_wait3A_763 = tpu.memref_slice %arg5[%dma_wait3A_762] : memref<4088xi32, #tpu.memory_space<vmem>> -> memref<128xi32, #tpu.memory_space<vmem>>
    %dma_wait3A_764 = arith.constant 0 : i32
    %dma_wait3A_765 = arith.constant 0 : i32
    %dma_wait3A_766 = tpu.memref_slice %arg6[%dma_wait3A_764, %dma_wait3A_765] : memref<512x64xf32, #tpu.memory_space<vmem_shared>> -> memref<512x64xf32, #tpu.memory_space<vmem_shared>>
    tpu.wait_indirect_dma semaphore(%arg11 : memref<!tpu.dma_semaphore, #tpu.memory_space<semaphore_mem>>) src(%dma_wait3A_766 : memref<512x64xf32, #tpu.memory_space<vmem_shared>>) dst(%dma_wait3A_761 : memref<128x64xf32, #tpu.memory_space<vmem>>)
    %add3A_767 = arith.constant 2560 : i32
    %add3A_768 = arith.addi %mul3A_2, %add3A_767 : i32
    %dma_start3A_769 = arith.constant 0 : i32
    %dma_start3A_770 = arith.constant 0 : i32
    %dma_start3A_771 = tpu.memref_slice %arg7[%dma_start3A_769, %dma_start3A_770] : memref<128x64xf32, #tpu.memory_space<vmem>> -> memref<128x64xf32, #tpu.memory_space<vmem>>
    %dma_start3A_772 = arith.constant 0 : i32
    %dma_start3A_773 = tpu.memref_slice %arg4[%add3A_768, %dma_start3A_772] : memref<130816x64xf32, #tpu.memory_space<hbm>> -> memref<128x64xf32, #tpu.memory_space<hbm>>
    %dma_start3A_774 = arith.constant 0 : i32
    %dma_start3A_775 = tpu.memref_slice %arg4[%add3A_768, %dma_start3A_774] : memref<130816x64xf32, #tpu.memory_space<hbm>> -> memref<128x64xf32, #tpu.memory_space<hbm>>
    %dma_start3A_776 = arith.constant 0 : i32
    %dma_start3A_777 = arith.constant 0 : i32
    %dma_start3A_778 = tpu.memref_slice %arg7[%dma_start3A_776, %dma_start3A_777] : memref<128x64xf32, #tpu.memory_space<vmem>> -> memref<128x64xf32, #tpu.memory_space<vmem>>
    tpu.enqueue_dma source(%dma_start3A_778 : memref<128x64xf32, #tpu.memory_space<vmem>>) target(%dma_start3A_775 : memref<128x64xf32, #tpu.memory_space<hbm>>) target_semaphore(%arg12 : memref<!tpu.dma_semaphore, #tpu.memory_space<semaphore_mem>>)
    %dma_wait3A_779 = arith.constant 0 : i32
    %dma_wait3A_780 = arith.constant 0 : i32
    %dma_wait3A_781 = tpu.memref_slice %arg9[%dma_wait3A_779, %dma_wait3A_780] : memref<128x64xf32, #tpu.memory_space<vmem>> -> memref<128x64xf32, #tpu.memory_space<vmem>>
    %dma_wait3A_782 = arith.constant 0 : i32
    %dma_wait3A_783 = tpu.memref_slice %arg4[%add3A_692, %dma_wait3A_782] : memref<130816x64xf32, #tpu.memory_space<hbm>> -> memref<128x64xf32, #tpu.memory_space<hbm>>
    %dma_wait3A_784 = arith.constant 0 : i32
    %dma_wait3A_785 = tpu.memref_slice %arg4[%add3A_692, %dma_wait3A_784] : memref<130816x64xf32, #tpu.memory_space<hbm>> -> memref<128x64xf32, #tpu.memory_space<hbm>>
    %dma_wait3A_786 = arith.constant 0 : i32
    %dma_wait3A_787 = arith.constant 0 : i32
    %dma_wait3A_788 = tpu.memref_slice %arg9[%dma_wait3A_786, %dma_wait3A_787] : memref<128x64xf32, #tpu.memory_space<vmem>> -> memref<128x64xf32, #tpu.memory_space<vmem>>
    tpu.wait_dma2 semaphore(%arg12 : memref<!tpu.dma_semaphore, #tpu.memory_space<semaphore_mem>>) src(%dma_wait3A_788 : memref<128x64xf32, #tpu.memory_space<vmem>>) dst(%dma_wait3A_785 : memref<128x64xf32, #tpu.memory_space<hbm>>)
    %dma_start3A_789 = arith.constant 0 : i32
    %dma_start3A_790 = arith.constant 0 : i32
    %dma_start3A_791 = tpu.memref_slice %arg9[%dma_start3A_789, %dma_start3A_790] : memref<128x64xf32, #tpu.memory_space<vmem>> -> memref<128x64xf32, #tpu.memory_space<vmem>>
    %dma_start3A_792 = arith.constant 2816 : i32
    %dma_start3A_793 = tpu.memref_slice %arg5[%dma_start3A_792] : memref<4088xi32, #tpu.memory_space<vmem>> -> memref<128xi32, #tpu.memory_space<vmem>>
    %dma_start3A_794 = arith.constant 0 : i32
    %dma_start3A_795 = arith.constant 0 : i32
    %dma_start3A_796 = tpu.memref_slice %arg6[%dma_start3A_794, %dma_start3A_795] : memref<512x64xf32, #tpu.memory_space<vmem_shared>> -> memref<512x64xf32, #tpu.memory_space<vmem_shared>>
    tpu.enqueue_indirect_dma source(%dma_start3A_796 : memref<512x64xf32, #tpu.memory_space<vmem_shared>>) target(%dma_start3A_791 : memref<128x64xf32, #tpu.memory_space<vmem>>) offsets(%dma_start3A_793 : memref<128xi32, #tpu.memory_space<vmem>>) semaphore(%arg11 : memref<!tpu.dma_semaphore, #tpu.memory_space<semaphore_mem>>)
    %dma_wait3A_797 = arith.constant 0 : i32
    %dma_wait3A_798 = arith.constant 0 : i32
    %dma_wait3A_799 = tpu.memref_slice %arg8[%dma_wait3A_797, %dma_wait3A_798] : memref<128x64xf32, #tpu.memory_space<vmem>> -> memref<128x64xf32, #tpu.memory_space<vmem>>
    %dma_wait3A_800 = arith.constant 2688 : i32
    %dma_wait3A_801 = tpu.memref_slice %arg5[%dma_wait3A_800] : memref<4088xi32, #tpu.memory_space<vmem>> -> memref<128xi32, #tpu.memory_space<vmem>>
    %dma_wait3A_802 = arith.constant 0 : i32
    %dma_wait3A_803 = arith.constant 0 : i32
    %dma_wait3A_804 = tpu.memref_slice %arg6[%dma_wait3A_802, %dma_wait3A_803] : memref<512x64xf32, #tpu.memory_space<vmem_shared>> -> memref<512x64xf32, #tpu.memory_space<vmem_shared>>
    tpu.wait_indirect_dma semaphore(%arg11 : memref<!tpu.dma_semaphore, #tpu.memory_space<semaphore_mem>>) src(%dma_wait3A_804 : memref<512x64xf32, #tpu.memory_space<vmem_shared>>) dst(%dma_wait3A_799 : memref<128x64xf32, #tpu.memory_space<vmem>>)
    %add3A_805 = arith.constant 2688 : i32
    %add3A_806 = arith.addi %mul3A_2, %add3A_805 : i32
    %dma_start3A_807 = arith.constant 0 : i32
    %dma_start3A_808 = arith.constant 0 : i32
    %dma_start3A_809 = tpu.memref_slice %arg8[%dma_start3A_807, %dma_start3A_808] : memref<128x64xf32, #tpu.memory_space<vmem>> -> memref<128x64xf32, #tpu.memory_space<vmem>>
    %dma_start3A_810 = arith.constant 0 : i32
    %dma_start3A_811 = tpu.memref_slice %arg4[%add3A_806, %dma_start3A_810] : memref<130816x64xf32, #tpu.memory_space<hbm>> -> memref<128x64xf32, #tpu.memory_space<hbm>>
    %dma_start3A_812 = arith.constant 0 : i32
    %dma_start3A_813 = tpu.memref_slice %arg4[%add3A_806, %dma_start3A_812] : memref<130816x64xf32, #tpu.memory_space<hbm>> -> memref<128x64xf32, #tpu.memory_space<hbm>>
    %dma_start3A_814 = arith.constant 0 : i32
    %dma_start3A_815 = arith.constant 0 : i32
    %dma_start3A_816 = tpu.memref_slice %arg8[%dma_start3A_814, %dma_start3A_815] : memref<128x64xf32, #tpu.memory_space<vmem>> -> memref<128x64xf32, #tpu.memory_space<vmem>>
    tpu.enqueue_dma source(%dma_start3A_816 : memref<128x64xf32, #tpu.memory_space<vmem>>) target(%dma_start3A_813 : memref<128x64xf32, #tpu.memory_space<hbm>>) target_semaphore(%arg12 : memref<!tpu.dma_semaphore, #tpu.memory_space<semaphore_mem>>)
    %dma_wait3A_817 = arith.constant 0 : i32
    %dma_wait3A_818 = arith.constant 0 : i32
    %dma_wait3A_819 = tpu.memref_slice %arg10[%dma_wait3A_817, %dma_wait3A_818] : memref<128x64xf32, #tpu.memory_space<vmem>> -> memref<128x64xf32, #tpu.memory_space<vmem>>
    %dma_wait3A_820 = arith.constant 0 : i32
    %dma_wait3A_821 = tpu.memref_slice %arg4[%add3A_730, %dma_wait3A_820] : memref<130816x64xf32, #tpu.memory_space<hbm>> -> memref<128x64xf32, #tpu.memory_space<hbm>>
    %dma_wait3A_822 = arith.constant 0 : i32
    %dma_wait3A_823 = tpu.memref_slice %arg4[%add3A_730, %dma_wait3A_822] : memref<130816x64xf32, #tpu.memory_space<hbm>> -> memref<128x64xf32, #tpu.memory_space<hbm>>
    %dma_wait3A_824 = arith.constant 0 : i32
    %dma_wait3A_825 = arith.constant 0 : i32
    %dma_wait3A_826 = tpu.memref_slice %arg10[%dma_wait3A_824, %dma_wait3A_825] : memref<128x64xf32, #tpu.memory_space<vmem>> -> memref<128x64xf32, #tpu.memory_space<vmem>>
    tpu.wait_dma2 semaphore(%arg12 : memref<!tpu.dma_semaphore, #tpu.memory_space<semaphore_mem>>) src(%dma_wait3A_826 : memref<128x64xf32, #tpu.memory_space<vmem>>) dst(%dma_wait3A_823 : memref<128x64xf32, #tpu.memory_space<hbm>>)
    %dma_start3A_827 = arith.constant 0 : i32
    %dma_start3A_828 = arith.constant 0 : i32
    %dma_start3A_829 = tpu.memref_slice %arg10[%dma_start3A_827, %dma_start3A_828] : memref<128x64xf32, #tpu.memory_space<vmem>> -> memref<128x64xf32, #tpu.memory_space<vmem>>
    %dma_start3A_830 = arith.constant 2944 : i32
    %dma_start3A_831 = tpu.memref_slice %arg5[%dma_start3A_830] : memref<4088xi32, #tpu.memory_space<vmem>> -> memref<128xi32, #tpu.memory_space<vmem>>
    %dma_start3A_832 = arith.constant 0 : i32
    %dma_start3A_833 = arith.constant 0 : i32
    %dma_start3A_834 = tpu.memref_slice %arg6[%dma_start3A_832, %dma_start3A_833] : memref<512x64xf32, #tpu.memory_space<vmem_shared>> -> memref<512x64xf32, #tpu.memory_space<vmem_shared>>
    tpu.enqueue_indirect_dma source(%dma_start3A_834 : memref<512x64xf32, #tpu.memory_space<vmem_shared>>) target(%dma_start3A_829 : memref<128x64xf32, #tpu.memory_space<vmem>>) offsets(%dma_start3A_831 : memref<128xi32, #tpu.memory_space<vmem>>) semaphore(%arg11 : memref<!tpu.dma_semaphore, #tpu.memory_space<semaphore_mem>>)
    %dma_wait3A_835 = arith.constant 0 : i32
    %dma_wait3A_836 = arith.constant 0 : i32
    %dma_wait3A_837 = tpu.memref_slice %arg9[%dma_wait3A_835, %dma_wait3A_836] : memref<128x64xf32, #tpu.memory_space<vmem>> -> memref<128x64xf32, #tpu.memory_space<vmem>>
    %dma_wait3A_838 = arith.constant 2816 : i32
    %dma_wait3A_839 = tpu.memref_slice %arg5[%dma_wait3A_838] : memref<4088xi32, #tpu.memory_space<vmem>> -> memref<128xi32, #tpu.memory_space<vmem>>
    %dma_wait3A_840 = arith.constant 0 : i32
    %dma_wait3A_841 = arith.constant 0 : i32
    %dma_wait3A_842 = tpu.memref_slice %arg6[%dma_wait3A_840, %dma_wait3A_841] : memref<512x64xf32, #tpu.memory_space<vmem_shared>> -> memref<512x64xf32, #tpu.memory_space<vmem_shared>>
    tpu.wait_indirect_dma semaphore(%arg11 : memref<!tpu.dma_semaphore, #tpu.memory_space<semaphore_mem>>) src(%dma_wait3A_842 : memref<512x64xf32, #tpu.memory_space<vmem_shared>>) dst(%dma_wait3A_837 : memref<128x64xf32, #tpu.memory_space<vmem>>)
    %add3A_843 = arith.constant 2816 : i32
    %add3A_844 = arith.addi %mul3A_2, %add3A_843 : i32
    %dma_start3A_845 = arith.constant 0 : i32
    %dma_start3A_846 = arith.constant 0 : i32
    %dma_start3A_847 = tpu.memref_slice %arg9[%dma_start3A_845, %dma_start3A_846] : memref<128x64xf32, #tpu.memory_space<vmem>> -> memref<128x64xf32, #tpu.memory_space<vmem>>
    %dma_start3A_848 = arith.constant 0 : i32
    %dma_start3A_849 = tpu.memref_slice %arg4[%add3A_844, %dma_start3A_848] : memref<130816x64xf32, #tpu.memory_space<hbm>> -> memref<128x64xf32, #tpu.memory_space<hbm>>
    %dma_start3A_850 = arith.constant 0 : i32
    %dma_start3A_851 = tpu.memref_slice %arg4[%add3A_844, %dma_start3A_850] : memref<130816x64xf32, #tpu.memory_space<hbm>> -> memref<128x64xf32, #tpu.memory_space<hbm>>
    %dma_start3A_852 = arith.constant 0 : i32
    %dma_start3A_853 = arith.constant 0 : i32
    %dma_start3A_854 = tpu.memref_slice %arg9[%dma_start3A_852, %dma_start3A_853] : memref<128x64xf32, #tpu.memory_space<vmem>> -> memref<128x64xf32, #tpu.memory_space<vmem>>
    tpu.enqueue_dma source(%dma_start3A_854 : memref<128x64xf32, #tpu.memory_space<vmem>>) target(%dma_start3A_851 : memref<128x64xf32, #tpu.memory_space<hbm>>) target_semaphore(%arg12 : memref<!tpu.dma_semaphore, #tpu.memory_space<semaphore_mem>>)
    %dma_wait3A_855 = arith.constant 0 : i32
    %dma_wait3A_856 = arith.constant 0 : i32
    %dma_wait3A_857 = tpu.memref_slice %arg7[%dma_wait3A_855, %dma_wait3A_856] : memref<128x64xf32, #tpu.memory_space<vmem>> -> memref<128x64xf32, #tpu.memory_space<vmem>>
    %dma_wait3A_858 = arith.constant 0 : i32
    %dma_wait3A_859 = tpu.memref_slice %arg4[%add3A_768, %dma_wait3A_858] : memref<130816x64xf32, #tpu.memory_space<hbm>> -> memref<128x64xf32, #tpu.memory_space<hbm>>
    %dma_wait3A_860 = arith.constant 0 : i32
    %dma_wait3A_861 = tpu.memref_slice %arg4[%add3A_768, %dma_wait3A_860] : memref<130816x64xf32, #tpu.memory_space<hbm>> -> memref<128x64xf32, #tpu.memory_space<hbm>>
    %dma_wait3A_862 = arith.constant 0 : i32
    %dma_wait3A_863 = arith.constant 0 : i32
    %dma_wait3A_864 = tpu.memref_slice %arg7[%dma_wait3A_862, %dma_wait3A_863] : memref<128x64xf32, #tpu.memory_space<vmem>> -> memref<128x64xf32, #tpu.memory_space<vmem>>
    tpu.wait_dma2 semaphore(%arg12 : memref<!tpu.dma_semaphore, #tpu.memory_space<semaphore_mem>>) src(%dma_wait3A_864 : memref<128x64xf32, #tpu.memory_space<vmem>>) dst(%dma_wait3A_861 : memref<128x64xf32, #tpu.memory_space<hbm>>)
    %dma_start3A_865 = arith.constant 0 : i32
    %dma_start3A_866 = arith.constant 0 : i32
    %dma_start3A_867 = tpu.memref_slice %arg7[%dma_start3A_865, %dma_start3A_866] : memref<128x64xf32, #tpu.memory_space<vmem>> -> memref<128x64xf32, #tpu.memory_space<vmem>>
    %dma_start3A_868 = arith.constant 3072 : i32
    %dma_start3A_869 = tpu.memref_slice %arg5[%dma_start3A_868] : memref<4088xi32, #tpu.memory_space<vmem>> -> memref<128xi32, #tpu.memory_space<vmem>>
    %dma_start3A_870 = arith.constant 0 : i32
    %dma_start3A_871 = arith.constant 0 : i32
    %dma_start3A_872 = tpu.memref_slice %arg6[%dma_start3A_870, %dma_start3A_871] : memref<512x64xf32, #tpu.memory_space<vmem_shared>> -> memref<512x64xf32, #tpu.memory_space<vmem_shared>>
    tpu.enqueue_indirect_dma source(%dma_start3A_872 : memref<512x64xf32, #tpu.memory_space<vmem_shared>>) target(%dma_start3A_867 : memref<128x64xf32, #tpu.memory_space<vmem>>) offsets(%dma_start3A_869 : memref<128xi32, #tpu.memory_space<vmem>>) semaphore(%arg11 : memref<!tpu.dma_semaphore, #tpu.memory_space<semaphore_mem>>)
    %dma_wait3A_873 = arith.constant 0 : i32
    %dma_wait3A_874 = arith.constant 0 : i32
    %dma_wait3A_875 = tpu.memref_slice %arg10[%dma_wait3A_873, %dma_wait3A_874] : memref<128x64xf32, #tpu.memory_space<vmem>> -> memref<128x64xf32, #tpu.memory_space<vmem>>
    %dma_wait3A_876 = arith.constant 2944 : i32
    %dma_wait3A_877 = tpu.memref_slice %arg5[%dma_wait3A_876] : memref<4088xi32, #tpu.memory_space<vmem>> -> memref<128xi32, #tpu.memory_space<vmem>>
    %dma_wait3A_878 = arith.constant 0 : i32
    %dma_wait3A_879 = arith.constant 0 : i32
    %dma_wait3A_880 = tpu.memref_slice %arg6[%dma_wait3A_878, %dma_wait3A_879] : memref<512x64xf32, #tpu.memory_space<vmem_shared>> -> memref<512x64xf32, #tpu.memory_space<vmem_shared>>
    tpu.wait_indirect_dma semaphore(%arg11 : memref<!tpu.dma_semaphore, #tpu.memory_space<semaphore_mem>>) src(%dma_wait3A_880 : memref<512x64xf32, #tpu.memory_space<vmem_shared>>) dst(%dma_wait3A_875 : memref<128x64xf32, #tpu.memory_space<vmem>>)
    %add3A_881 = arith.constant 2944 : i32
    %add3A_882 = arith.addi %mul3A_2, %add3A_881 : i32
    %dma_start3A_883 = arith.constant 0 : i32
    %dma_start3A_884 = arith.constant 0 : i32
    %dma_start3A_885 = tpu.memref_slice %arg10[%dma_start3A_883, %dma_start3A_884] : memref<128x64xf32, #tpu.memory_space<vmem>> -> memref<128x64xf32, #tpu.memory_space<vmem>>
    %dma_start3A_886 = arith.constant 0 : i32
    %dma_start3A_887 = tpu.memref_slice %arg4[%add3A_882, %dma_start3A_886] : memref<130816x64xf32, #tpu.memory_space<hbm>> -> memref<128x64xf32, #tpu.memory_space<hbm>>
    %dma_start3A_888 = arith.constant 0 : i32
    %dma_start3A_889 = tpu.memref_slice %arg4[%add3A_882, %dma_start3A_888] : memref<130816x64xf32, #tpu.memory_space<hbm>> -> memref<128x64xf32, #tpu.memory_space<hbm>>
    %dma_start3A_890 = arith.constant 0 : i32
    %dma_start3A_891 = arith.constant 0 : i32
    %dma_start3A_892 = tpu.memref_slice %arg10[%dma_start3A_890, %dma_start3A_891] : memref<128x64xf32, #tpu.memory_space<vmem>> -> memref<128x64xf32, #tpu.memory_space<vmem>>
    tpu.enqueue_dma source(%dma_start3A_892 : memref<128x64xf32, #tpu.memory_space<vmem>>) target(%dma_start3A_889 : memref<128x64xf32, #tpu.memory_space<hbm>>) target_semaphore(%arg12 : memref<!tpu.dma_semaphore, #tpu.memory_space<semaphore_mem>>)
    %dma_wait3A_893 = arith.constant 0 : i32
    %dma_wait3A_894 = arith.constant 0 : i32
    %dma_wait3A_895 = tpu.memref_slice %arg8[%dma_wait3A_893, %dma_wait3A_894] : memref<128x64xf32, #tpu.memory_space<vmem>> -> memref<128x64xf32, #tpu.memory_space<vmem>>
    %dma_wait3A_896 = arith.constant 0 : i32
    %dma_wait3A_897 = tpu.memref_slice %arg4[%add3A_806, %dma_wait3A_896] : memref<130816x64xf32, #tpu.memory_space<hbm>> -> memref<128x64xf32, #tpu.memory_space<hbm>>
    %dma_wait3A_898 = arith.constant 0 : i32
    %dma_wait3A_899 = tpu.memref_slice %arg4[%add3A_806, %dma_wait3A_898] : memref<130816x64xf32, #tpu.memory_space<hbm>> -> memref<128x64xf32, #tpu.memory_space<hbm>>
    %dma_wait3A_900 = arith.constant 0 : i32
    %dma_wait3A_901 = arith.constant 0 : i32
    %dma_wait3A_902 = tpu.memref_slice %arg8[%dma_wait3A_900, %dma_wait3A_901] : memref<128x64xf32, #tpu.memory_space<vmem>> -> memref<128x64xf32, #tpu.memory_space<vmem>>
    tpu.wait_dma2 semaphore(%arg12 : memref<!tpu.dma_semaphore, #tpu.memory_space<semaphore_mem>>) src(%dma_wait3A_902 : memref<128x64xf32, #tpu.memory_space<vmem>>) dst(%dma_wait3A_899 : memref<128x64xf32, #tpu.memory_space<hbm>>)
    %dma_start3A_903 = arith.constant 0 : i32
    %dma_start3A_904 = arith.constant 0 : i32
    %dma_start3A_905 = tpu.memref_slice %arg8[%dma_start3A_903, %dma_start3A_904] : memref<128x64xf32, #tpu.memory_space<vmem>> -> memref<128x64xf32, #tpu.memory_space<vmem>>
    %dma_start3A_906 = arith.constant 3200 : i32
    %dma_start3A_907 = tpu.memref_slice %arg5[%dma_start3A_906] : memref<4088xi32, #tpu.memory_space<vmem>> -> memref<128xi32, #tpu.memory_space<vmem>>
    %dma_start3A_908 = arith.constant 0 : i32
    %dma_start3A_909 = arith.constant 0 : i32
    %dma_start3A_910 = tpu.memref_slice %arg6[%dma_start3A_908, %dma_start3A_909] : memref<512x64xf32, #tpu.memory_space<vmem_shared>> -> memref<512x64xf32, #tpu.memory_space<vmem_shared>>
    tpu.enqueue_indirect_dma source(%dma_start3A_910 : memref<512x64xf32, #tpu.memory_space<vmem_shared>>) target(%dma_start3A_905 : memref<128x64xf32, #tpu.memory_space<vmem>>) offsets(%dma_start3A_907 : memref<128xi32, #tpu.memory_space<vmem>>) semaphore(%arg11 : memref<!tpu.dma_semaphore, #tpu.memory_space<semaphore_mem>>)
    %dma_wait3A_911 = arith.constant 0 : i32
    %dma_wait3A_912 = arith.constant 0 : i32
    %dma_wait3A_913 = tpu.memref_slice %arg7[%dma_wait3A_911, %dma_wait3A_912] : memref<128x64xf32, #tpu.memory_space<vmem>> -> memref<128x64xf32, #tpu.memory_space<vmem>>
    %dma_wait3A_914 = arith.constant 3072 : i32
    %dma_wait3A_915 = tpu.memref_slice %arg5[%dma_wait3A_914] : memref<4088xi32, #tpu.memory_space<vmem>> -> memref<128xi32, #tpu.memory_space<vmem>>
    %dma_wait3A_916 = arith.constant 0 : i32
    %dma_wait3A_917 = arith.constant 0 : i32
    %dma_wait3A_918 = tpu.memref_slice %arg6[%dma_wait3A_916, %dma_wait3A_917] : memref<512x64xf32, #tpu.memory_space<vmem_shared>> -> memref<512x64xf32, #tpu.memory_space<vmem_shared>>
    tpu.wait_indirect_dma semaphore(%arg11 : memref<!tpu.dma_semaphore, #tpu.memory_space<semaphore_mem>>) src(%dma_wait3A_918 : memref<512x64xf32, #tpu.memory_space<vmem_shared>>) dst(%dma_wait3A_913 : memref<128x64xf32, #tpu.memory_space<vmem>>)
    %add3A_919 = arith.constant 3072 : i32
    %add3A_920 = arith.addi %mul3A_2, %add3A_919 : i32
    %dma_start3A_921 = arith.constant 0 : i32
    %dma_start3A_922 = arith.constant 0 : i32
    %dma_start3A_923 = tpu.memref_slice %arg7[%dma_start3A_921, %dma_start3A_922] : memref<128x64xf32, #tpu.memory_space<vmem>> -> memref<128x64xf32, #tpu.memory_space<vmem>>
    %dma_start3A_924 = arith.constant 0 : i32
    %dma_start3A_925 = tpu.memref_slice %arg4[%add3A_920, %dma_start3A_924] : memref<130816x64xf32, #tpu.memory_space<hbm>> -> memref<128x64xf32, #tpu.memory_space<hbm>>
    %dma_start3A_926 = arith.constant 0 : i32
    %dma_start3A_927 = tpu.memref_slice %arg4[%add3A_920, %dma_start3A_926] : memref<130816x64xf32, #tpu.memory_space<hbm>> -> memref<128x64xf32, #tpu.memory_space<hbm>>
    %dma_start3A_928 = arith.constant 0 : i32
    %dma_start3A_929 = arith.constant 0 : i32
    %dma_start3A_930 = tpu.memref_slice %arg7[%dma_start3A_928, %dma_start3A_929] : memref<128x64xf32, #tpu.memory_space<vmem>> -> memref<128x64xf32, #tpu.memory_space<vmem>>
    tpu.enqueue_dma source(%dma_start3A_930 : memref<128x64xf32, #tpu.memory_space<vmem>>) target(%dma_start3A_927 : memref<128x64xf32, #tpu.memory_space<hbm>>) target_semaphore(%arg12 : memref<!tpu.dma_semaphore, #tpu.memory_space<semaphore_mem>>)
    %dma_wait3A_931 = arith.constant 0 : i32
    %dma_wait3A_932 = arith.constant 0 : i32
    %dma_wait3A_933 = tpu.memref_slice %arg9[%dma_wait3A_931, %dma_wait3A_932] : memref<128x64xf32, #tpu.memory_space<vmem>> -> memref<128x64xf32, #tpu.memory_space<vmem>>
    %dma_wait3A_934 = arith.constant 0 : i32
    %dma_wait3A_935 = tpu.memref_slice %arg4[%add3A_844, %dma_wait3A_934] : memref<130816x64xf32, #tpu.memory_space<hbm>> -> memref<128x64xf32, #tpu.memory_space<hbm>>
    %dma_wait3A_936 = arith.constant 0 : i32
    %dma_wait3A_937 = tpu.memref_slice %arg4[%add3A_844, %dma_wait3A_936] : memref<130816x64xf32, #tpu.memory_space<hbm>> -> memref<128x64xf32, #tpu.memory_space<hbm>>
    %dma_wait3A_938 = arith.constant 0 : i32
    %dma_wait3A_939 = arith.constant 0 : i32
    %dma_wait3A_940 = tpu.memref_slice %arg9[%dma_wait3A_938, %dma_wait3A_939] : memref<128x64xf32, #tpu.memory_space<vmem>> -> memref<128x64xf32, #tpu.memory_space<vmem>>
    tpu.wait_dma2 semaphore(%arg12 : memref<!tpu.dma_semaphore, #tpu.memory_space<semaphore_mem>>) src(%dma_wait3A_940 : memref<128x64xf32, #tpu.memory_space<vmem>>) dst(%dma_wait3A_937 : memref<128x64xf32, #tpu.memory_space<hbm>>)
    %dma_start3A_941 = arith.constant 0 : i32
    %dma_start3A_942 = arith.constant 0 : i32
    %dma_start3A_943 = tpu.memref_slice %arg9[%dma_start3A_941, %dma_start3A_942] : memref<128x64xf32, #tpu.memory_space<vmem>> -> memref<128x64xf32, #tpu.memory_space<vmem>>
    %dma_start3A_944 = arith.constant 3328 : i32
    %dma_start3A_945 = tpu.memref_slice %arg5[%dma_start3A_944] : memref<4088xi32, #tpu.memory_space<vmem>> -> memref<128xi32, #tpu.memory_space<vmem>>
    %dma_start3A_946 = arith.constant 0 : i32
    %dma_start3A_947 = arith.constant 0 : i32
    %dma_start3A_948 = tpu.memref_slice %arg6[%dma_start3A_946, %dma_start3A_947] : memref<512x64xf32, #tpu.memory_space<vmem_shared>> -> memref<512x64xf32, #tpu.memory_space<vmem_shared>>
    tpu.enqueue_indirect_dma source(%dma_start3A_948 : memref<512x64xf32, #tpu.memory_space<vmem_shared>>) target(%dma_start3A_943 : memref<128x64xf32, #tpu.memory_space<vmem>>) offsets(%dma_start3A_945 : memref<128xi32, #tpu.memory_space<vmem>>) semaphore(%arg11 : memref<!tpu.dma_semaphore, #tpu.memory_space<semaphore_mem>>)
    %dma_wait3A_949 = arith.constant 0 : i32
    %dma_wait3A_950 = arith.constant 0 : i32
    %dma_wait3A_951 = tpu.memref_slice %arg8[%dma_wait3A_949, %dma_wait3A_950] : memref<128x64xf32, #tpu.memory_space<vmem>> -> memref<128x64xf32, #tpu.memory_space<vmem>>
    %dma_wait3A_952 = arith.constant 3200 : i32
    %dma_wait3A_953 = tpu.memref_slice %arg5[%dma_wait3A_952] : memref<4088xi32, #tpu.memory_space<vmem>> -> memref<128xi32, #tpu.memory_space<vmem>>
    %dma_wait3A_954 = arith.constant 0 : i32
    %dma_wait3A_955 = arith.constant 0 : i32
    %dma_wait3A_956 = tpu.memref_slice %arg6[%dma_wait3A_954, %dma_wait3A_955] : memref<512x64xf32, #tpu.memory_space<vmem_shared>> -> memref<512x64xf32, #tpu.memory_space<vmem_shared>>
    tpu.wait_indirect_dma semaphore(%arg11 : memref<!tpu.dma_semaphore, #tpu.memory_space<semaphore_mem>>) src(%dma_wait3A_956 : memref<512x64xf32, #tpu.memory_space<vmem_shared>>) dst(%dma_wait3A_951 : memref<128x64xf32, #tpu.memory_space<vmem>>)
    %add3A_957 = arith.constant 3200 : i32
    %add3A_958 = arith.addi %mul3A_2, %add3A_957 : i32
    %dma_start3A_959 = arith.constant 0 : i32
    %dma_start3A_960 = arith.constant 0 : i32
    %dma_start3A_961 = tpu.memref_slice %arg8[%dma_start3A_959, %dma_start3A_960] : memref<128x64xf32, #tpu.memory_space<vmem>> -> memref<128x64xf32, #tpu.memory_space<vmem>>
    %dma_start3A_962 = arith.constant 0 : i32
    %dma_start3A_963 = tpu.memref_slice %arg4[%add3A_958, %dma_start3A_962] : memref<130816x64xf32, #tpu.memory_space<hbm>> -> memref<128x64xf32, #tpu.memory_space<hbm>>
    %dma_start3A_964 = arith.constant 0 : i32
    %dma_start3A_965 = tpu.memref_slice %arg4[%add3A_958, %dma_start3A_964] : memref<130816x64xf32, #tpu.memory_space<hbm>> -> memref<128x64xf32, #tpu.memory_space<hbm>>
    %dma_start3A_966 = arith.constant 0 : i32
    %dma_start3A_967 = arith.constant 0 : i32
    %dma_start3A_968 = tpu.memref_slice %arg8[%dma_start3A_966, %dma_start3A_967] : memref<128x64xf32, #tpu.memory_space<vmem>> -> memref<128x64xf32, #tpu.memory_space<vmem>>
    tpu.enqueue_dma source(%dma_start3A_968 : memref<128x64xf32, #tpu.memory_space<vmem>>) target(%dma_start3A_965 : memref<128x64xf32, #tpu.memory_space<hbm>>) target_semaphore(%arg12 : memref<!tpu.dma_semaphore, #tpu.memory_space<semaphore_mem>>)
    %dma_wait3A_969 = arith.constant 0 : i32
    %dma_wait3A_970 = arith.constant 0 : i32
    %dma_wait3A_971 = tpu.memref_slice %arg10[%dma_wait3A_969, %dma_wait3A_970] : memref<128x64xf32, #tpu.memory_space<vmem>> -> memref<128x64xf32, #tpu.memory_space<vmem>>
    %dma_wait3A_972 = arith.constant 0 : i32
    %dma_wait3A_973 = tpu.memref_slice %arg4[%add3A_882, %dma_wait3A_972] : memref<130816x64xf32, #tpu.memory_space<hbm>> -> memref<128x64xf32, #tpu.memory_space<hbm>>
    %dma_wait3A_974 = arith.constant 0 : i32
    %dma_wait3A_975 = tpu.memref_slice %arg4[%add3A_882, %dma_wait3A_974] : memref<130816x64xf32, #tpu.memory_space<hbm>> -> memref<128x64xf32, #tpu.memory_space<hbm>>
    %dma_wait3A_976 = arith.constant 0 : i32
    %dma_wait3A_977 = arith.constant 0 : i32
    %dma_wait3A_978 = tpu.memref_slice %arg10[%dma_wait3A_976, %dma_wait3A_977] : memref<128x64xf32, #tpu.memory_space<vmem>> -> memref<128x64xf32, #tpu.memory_space<vmem>>
    tpu.wait_dma2 semaphore(%arg12 : memref<!tpu.dma_semaphore, #tpu.memory_space<semaphore_mem>>) src(%dma_wait3A_978 : memref<128x64xf32, #tpu.memory_space<vmem>>) dst(%dma_wait3A_975 : memref<128x64xf32, #tpu.memory_space<hbm>>)
    %dma_start3A_979 = arith.constant 0 : i32
    %dma_start3A_980 = arith.constant 0 : i32
    %dma_start3A_981 = tpu.memref_slice %arg10[%dma_start3A_979, %dma_start3A_980] : memref<128x64xf32, #tpu.memory_space<vmem>> -> memref<128x64xf32, #tpu.memory_space<vmem>>
    %dma_start3A_982 = arith.constant 3456 : i32
    %dma_start3A_983 = tpu.memref_slice %arg5[%dma_start3A_982] : memref<4088xi32, #tpu.memory_space<vmem>> -> memref<128xi32, #tpu.memory_space<vmem>>
    %dma_start3A_984 = arith.constant 0 : i32
    %dma_start3A_985 = arith.constant 0 : i32
    %dma_start3A_986 = tpu.memref_slice %arg6[%dma_start3A_984, %dma_start3A_985] : memref<512x64xf32, #tpu.memory_space<vmem_shared>> -> memref<512x64xf32, #tpu.memory_space<vmem_shared>>
    tpu.enqueue_indirect_dma source(%dma_start3A_986 : memref<512x64xf32, #tpu.memory_space<vmem_shared>>) target(%dma_start3A_981 : memref<128x64xf32, #tpu.memory_space<vmem>>) offsets(%dma_start3A_983 : memref<128xi32, #tpu.memory_space<vmem>>) semaphore(%arg11 : memref<!tpu.dma_semaphore, #tpu.memory_space<semaphore_mem>>)
    %dma_wait3A_987 = arith.constant 0 : i32
    %dma_wait3A_988 = arith.constant 0 : i32
    %dma_wait3A_989 = tpu.memref_slice %arg9[%dma_wait3A_987, %dma_wait3A_988] : memref<128x64xf32, #tpu.memory_space<vmem>> -> memref<128x64xf32, #tpu.memory_space<vmem>>
    %dma_wait3A_990 = arith.constant 3328 : i32
    %dma_wait3A_991 = tpu.memref_slice %arg5[%dma_wait3A_990] : memref<4088xi32, #tpu.memory_space<vmem>> -> memref<128xi32, #tpu.memory_space<vmem>>
    %dma_wait3A_992 = arith.constant 0 : i32
    %dma_wait3A_993 = arith.constant 0 : i32
    %dma_wait3A_994 = tpu.memref_slice %arg6[%dma_wait3A_992, %dma_wait3A_993] : memref<512x64xf32, #tpu.memory_space<vmem_shared>> -> memref<512x64xf32, #tpu.memory_space<vmem_shared>>
    tpu.wait_indirect_dma semaphore(%arg11 : memref<!tpu.dma_semaphore, #tpu.memory_space<semaphore_mem>>) src(%dma_wait3A_994 : memref<512x64xf32, #tpu.memory_space<vmem_shared>>) dst(%dma_wait3A_989 : memref<128x64xf32, #tpu.memory_space<vmem>>)
    %add3A_995 = arith.constant 3328 : i32
    %add3A_996 = arith.addi %mul3A_2, %add3A_995 : i32
    %dma_start3A_997 = arith.constant 0 : i32
    %dma_start3A_998 = arith.constant 0 : i32
    %dma_start3A_999 = tpu.memref_slice %arg9[%dma_start3A_997, %dma_start3A_998] : memref<128x64xf32, #tpu.memory_space<vmem>> -> memref<128x64xf32, #tpu.memory_space<vmem>>
    %dma_start3A_1000 = arith.constant 0 : i32
    %dma_start3A_1001 = tpu.memref_slice %arg4[%add3A_996, %dma_start3A_1000] : memref<130816x64xf32, #tpu.memory_space<hbm>> -> memref<128x64xf32, #tpu.memory_space<hbm>>
    %dma_start3A_1002 = arith.constant 0 : i32
    %dma_start3A_1003 = tpu.memref_slice %arg4[%add3A_996, %dma_start3A_1002] : memref<130816x64xf32, #tpu.memory_space<hbm>> -> memref<128x64xf32, #tpu.memory_space<hbm>>
    %dma_start3A_1004 = arith.constant 0 : i32
    %dma_start3A_1005 = arith.constant 0 : i32
    %dma_start3A_1006 = tpu.memref_slice %arg9[%dma_start3A_1004, %dma_start3A_1005] : memref<128x64xf32, #tpu.memory_space<vmem>> -> memref<128x64xf32, #tpu.memory_space<vmem>>
    tpu.enqueue_dma source(%dma_start3A_1006 : memref<128x64xf32, #tpu.memory_space<vmem>>) target(%dma_start3A_1003 : memref<128x64xf32, #tpu.memory_space<hbm>>) target_semaphore(%arg12 : memref<!tpu.dma_semaphore, #tpu.memory_space<semaphore_mem>>)
    %dma_wait3A_1007 = arith.constant 0 : i32
    %dma_wait3A_1008 = arith.constant 0 : i32
    %dma_wait3A_1009 = tpu.memref_slice %arg7[%dma_wait3A_1007, %dma_wait3A_1008] : memref<128x64xf32, #tpu.memory_space<vmem>> -> memref<128x64xf32, #tpu.memory_space<vmem>>
    %dma_wait3A_1010 = arith.constant 0 : i32
    %dma_wait3A_1011 = tpu.memref_slice %arg4[%add3A_920, %dma_wait3A_1010] : memref<130816x64xf32, #tpu.memory_space<hbm>> -> memref<128x64xf32, #tpu.memory_space<hbm>>
    %dma_wait3A_1012 = arith.constant 0 : i32
    %dma_wait3A_1013 = tpu.memref_slice %arg4[%add3A_920, %dma_wait3A_1012] : memref<130816x64xf32, #tpu.memory_space<hbm>> -> memref<128x64xf32, #tpu.memory_space<hbm>>
    %dma_wait3A_1014 = arith.constant 0 : i32
    %dma_wait3A_1015 = arith.constant 0 : i32
    %dma_wait3A_1016 = tpu.memref_slice %arg7[%dma_wait3A_1014, %dma_wait3A_1015] : memref<128x64xf32, #tpu.memory_space<vmem>> -> memref<128x64xf32, #tpu.memory_space<vmem>>
    tpu.wait_dma2 semaphore(%arg12 : memref<!tpu.dma_semaphore, #tpu.memory_space<semaphore_mem>>) src(%dma_wait3A_1016 : memref<128x64xf32, #tpu.memory_space<vmem>>) dst(%dma_wait3A_1013 : memref<128x64xf32, #tpu.memory_space<hbm>>)
    %dma_start3A_1017 = arith.constant 0 : i32
    %dma_start3A_1018 = arith.constant 0 : i32
    %dma_start3A_1019 = tpu.memref_slice %arg7[%dma_start3A_1017, %dma_start3A_1018] : memref<128x64xf32, #tpu.memory_space<vmem>> -> memref<128x64xf32, #tpu.memory_space<vmem>>
    %dma_start3A_1020 = arith.constant 3584 : i32
    %dma_start3A_1021 = tpu.memref_slice %arg5[%dma_start3A_1020] : memref<4088xi32, #tpu.memory_space<vmem>> -> memref<128xi32, #tpu.memory_space<vmem>>
    %dma_start3A_1022 = arith.constant 0 : i32
    %dma_start3A_1023 = arith.constant 0 : i32
    %dma_start3A_1024 = tpu.memref_slice %arg6[%dma_start3A_1022, %dma_start3A_1023] : memref<512x64xf32, #tpu.memory_space<vmem_shared>> -> memref<512x64xf32, #tpu.memory_space<vmem_shared>>
    tpu.enqueue_indirect_dma source(%dma_start3A_1024 : memref<512x64xf32, #tpu.memory_space<vmem_shared>>) target(%dma_start3A_1019 : memref<128x64xf32, #tpu.memory_space<vmem>>) offsets(%dma_start3A_1021 : memref<128xi32, #tpu.memory_space<vmem>>) semaphore(%arg11 : memref<!tpu.dma_semaphore, #tpu.memory_space<semaphore_mem>>)
    %dma_wait3A_1025 = arith.constant 0 : i32
    %dma_wait3A_1026 = arith.constant 0 : i32
    %dma_wait3A_1027 = tpu.memref_slice %arg10[%dma_wait3A_1025, %dma_wait3A_1026] : memref<128x64xf32, #tpu.memory_space<vmem>> -> memref<128x64xf32, #tpu.memory_space<vmem>>
    %dma_wait3A_1028 = arith.constant 3456 : i32
    %dma_wait3A_1029 = tpu.memref_slice %arg5[%dma_wait3A_1028] : memref<4088xi32, #tpu.memory_space<vmem>> -> memref<128xi32, #tpu.memory_space<vmem>>
    %dma_wait3A_1030 = arith.constant 0 : i32
    %dma_wait3A_1031 = arith.constant 0 : i32
    %dma_wait3A_1032 = tpu.memref_slice %arg6[%dma_wait3A_1030, %dma_wait3A_1031] : memref<512x64xf32, #tpu.memory_space<vmem_shared>> -> memref<512x64xf32, #tpu.memory_space<vmem_shared>>
    tpu.wait_indirect_dma semaphore(%arg11 : memref<!tpu.dma_semaphore, #tpu.memory_space<semaphore_mem>>) src(%dma_wait3A_1032 : memref<512x64xf32, #tpu.memory_space<vmem_shared>>) dst(%dma_wait3A_1027 : memref<128x64xf32, #tpu.memory_space<vmem>>)
    %add3A_1033 = arith.constant 3456 : i32
    %add3A_1034 = arith.addi %mul3A_2, %add3A_1033 : i32
    %dma_start3A_1035 = arith.constant 0 : i32
    %dma_start3A_1036 = arith.constant 0 : i32
    %dma_start3A_1037 = tpu.memref_slice %arg10[%dma_start3A_1035, %dma_start3A_1036] : memref<128x64xf32, #tpu.memory_space<vmem>> -> memref<128x64xf32, #tpu.memory_space<vmem>>
    %dma_start3A_1038 = arith.constant 0 : i32
    %dma_start3A_1039 = tpu.memref_slice %arg4[%add3A_1034, %dma_start3A_1038] : memref<130816x64xf32, #tpu.memory_space<hbm>> -> memref<128x64xf32, #tpu.memory_space<hbm>>
    %dma_start3A_1040 = arith.constant 0 : i32
    %dma_start3A_1041 = tpu.memref_slice %arg4[%add3A_1034, %dma_start3A_1040] : memref<130816x64xf32, #tpu.memory_space<hbm>> -> memref<128x64xf32, #tpu.memory_space<hbm>>
    %dma_start3A_1042 = arith.constant 0 : i32
    %dma_start3A_1043 = arith.constant 0 : i32
    %dma_start3A_1044 = tpu.memref_slice %arg10[%dma_start3A_1042, %dma_start3A_1043] : memref<128x64xf32, #tpu.memory_space<vmem>> -> memref<128x64xf32, #tpu.memory_space<vmem>>
    tpu.enqueue_dma source(%dma_start3A_1044 : memref<128x64xf32, #tpu.memory_space<vmem>>) target(%dma_start3A_1041 : memref<128x64xf32, #tpu.memory_space<hbm>>) target_semaphore(%arg12 : memref<!tpu.dma_semaphore, #tpu.memory_space<semaphore_mem>>)
    %dma_wait3A_1045 = arith.constant 0 : i32
    %dma_wait3A_1046 = arith.constant 0 : i32
    %dma_wait3A_1047 = tpu.memref_slice %arg8[%dma_wait3A_1045, %dma_wait3A_1046] : memref<128x64xf32, #tpu.memory_space<vmem>> -> memref<128x64xf32, #tpu.memory_space<vmem>>
    %dma_wait3A_1048 = arith.constant 0 : i32
    %dma_wait3A_1049 = tpu.memref_slice %arg4[%add3A_958, %dma_wait3A_1048] : memref<130816x64xf32, #tpu.memory_space<hbm>> -> memref<128x64xf32, #tpu.memory_space<hbm>>
    %dma_wait3A_1050 = arith.constant 0 : i32
    %dma_wait3A_1051 = tpu.memref_slice %arg4[%add3A_958, %dma_wait3A_1050] : memref<130816x64xf32, #tpu.memory_space<hbm>> -> memref<128x64xf32, #tpu.memory_space<hbm>>
    %dma_wait3A_1052 = arith.constant 0 : i32
    %dma_wait3A_1053 = arith.constant 0 : i32
    %dma_wait3A_1054 = tpu.memref_slice %arg8[%dma_wait3A_1052, %dma_wait3A_1053] : memref<128x64xf32, #tpu.memory_space<vmem>> -> memref<128x64xf32, #tpu.memory_space<vmem>>
    tpu.wait_dma2 semaphore(%arg12 : memref<!tpu.dma_semaphore, #tpu.memory_space<semaphore_mem>>) src(%dma_wait3A_1054 : memref<128x64xf32, #tpu.memory_space<vmem>>) dst(%dma_wait3A_1051 : memref<128x64xf32, #tpu.memory_space<hbm>>)
    %dma_start3A_1055 = arith.constant 0 : i32
    %dma_start3A_1056 = arith.constant 0 : i32
    %dma_start3A_1057 = tpu.memref_slice %arg8[%dma_start3A_1055, %dma_start3A_1056] : memref<128x64xf32, #tpu.memory_space<vmem>> -> memref<128x64xf32, #tpu.memory_space<vmem>>
    %dma_start3A_1058 = arith.constant 3712 : i32
    %dma_start3A_1059 = tpu.memref_slice %arg5[%dma_start3A_1058] : memref<4088xi32, #tpu.memory_space<vmem>> -> memref<128xi32, #tpu.memory_space<vmem>>
    %dma_start3A_1060 = arith.constant 0 : i32
    %dma_start3A_1061 = arith.constant 0 : i32
    %dma_start3A_1062 = tpu.memref_slice %arg6[%dma_start3A_1060, %dma_start3A_1061] : memref<512x64xf32, #tpu.memory_space<vmem_shared>> -> memref<512x64xf32, #tpu.memory_space<vmem_shared>>
    tpu.enqueue_indirect_dma source(%dma_start3A_1062 : memref<512x64xf32, #tpu.memory_space<vmem_shared>>) target(%dma_start3A_1057 : memref<128x64xf32, #tpu.memory_space<vmem>>) offsets(%dma_start3A_1059 : memref<128xi32, #tpu.memory_space<vmem>>) semaphore(%arg11 : memref<!tpu.dma_semaphore, #tpu.memory_space<semaphore_mem>>)
    %dma_wait3A_1063 = arith.constant 0 : i32
    %dma_wait3A_1064 = arith.constant 0 : i32
    %dma_wait3A_1065 = tpu.memref_slice %arg7[%dma_wait3A_1063, %dma_wait3A_1064] : memref<128x64xf32, #tpu.memory_space<vmem>> -> memref<128x64xf32, #tpu.memory_space<vmem>>
    %dma_wait3A_1066 = arith.constant 3584 : i32
    %dma_wait3A_1067 = tpu.memref_slice %arg5[%dma_wait3A_1066] : memref<4088xi32, #tpu.memory_space<vmem>> -> memref<128xi32, #tpu.memory_space<vmem>>
    %dma_wait3A_1068 = arith.constant 0 : i32
    %dma_wait3A_1069 = arith.constant 0 : i32
    %dma_wait3A_1070 = tpu.memref_slice %arg6[%dma_wait3A_1068, %dma_wait3A_1069] : memref<512x64xf32, #tpu.memory_space<vmem_shared>> -> memref<512x64xf32, #tpu.memory_space<vmem_shared>>
    tpu.wait_indirect_dma semaphore(%arg11 : memref<!tpu.dma_semaphore, #tpu.memory_space<semaphore_mem>>) src(%dma_wait3A_1070 : memref<512x64xf32, #tpu.memory_space<vmem_shared>>) dst(%dma_wait3A_1065 : memref<128x64xf32, #tpu.memory_space<vmem>>)
    %add3A_1071 = arith.constant 3584 : i32
    %add3A_1072 = arith.addi %mul3A_2, %add3A_1071 : i32
    %dma_start3A_1073 = arith.constant 0 : i32
    %dma_start3A_1074 = arith.constant 0 : i32
    %dma_start3A_1075 = tpu.memref_slice %arg7[%dma_start3A_1073, %dma_start3A_1074] : memref<128x64xf32, #tpu.memory_space<vmem>> -> memref<128x64xf32, #tpu.memory_space<vmem>>
    %dma_start3A_1076 = arith.constant 0 : i32
    %dma_start3A_1077 = tpu.memref_slice %arg4[%add3A_1072, %dma_start3A_1076] : memref<130816x64xf32, #tpu.memory_space<hbm>> -> memref<128x64xf32, #tpu.memory_space<hbm>>
    %dma_start3A_1078 = arith.constant 0 : i32
    %dma_start3A_1079 = tpu.memref_slice %arg4[%add3A_1072, %dma_start3A_1078] : memref<130816x64xf32, #tpu.memory_space<hbm>> -> memref<128x64xf32, #tpu.memory_space<hbm>>
    %dma_start3A_1080 = arith.constant 0 : i32
    %dma_start3A_1081 = arith.constant 0 : i32
    %dma_start3A_1082 = tpu.memref_slice %arg7[%dma_start3A_1080, %dma_start3A_1081] : memref<128x64xf32, #tpu.memory_space<vmem>> -> memref<128x64xf32, #tpu.memory_space<vmem>>
    tpu.enqueue_dma source(%dma_start3A_1082 : memref<128x64xf32, #tpu.memory_space<vmem>>) target(%dma_start3A_1079 : memref<128x64xf32, #tpu.memory_space<hbm>>) target_semaphore(%arg12 : memref<!tpu.dma_semaphore, #tpu.memory_space<semaphore_mem>>)
    %dma_wait3A_1083 = arith.constant 0 : i32
    %dma_wait3A_1084 = arith.constant 0 : i32
    %dma_wait3A_1085 = tpu.memref_slice %arg9[%dma_wait3A_1083, %dma_wait3A_1084] : memref<128x64xf32, #tpu.memory_space<vmem>> -> memref<128x64xf32, #tpu.memory_space<vmem>>
    %dma_wait3A_1086 = arith.constant 0 : i32
    %dma_wait3A_1087 = tpu.memref_slice %arg4[%add3A_996, %dma_wait3A_1086] : memref<130816x64xf32, #tpu.memory_space<hbm>> -> memref<128x64xf32, #tpu.memory_space<hbm>>
    %dma_wait3A_1088 = arith.constant 0 : i32
    %dma_wait3A_1089 = tpu.memref_slice %arg4[%add3A_996, %dma_wait3A_1088] : memref<130816x64xf32, #tpu.memory_space<hbm>> -> memref<128x64xf32, #tpu.memory_space<hbm>>
    %dma_wait3A_1090 = arith.constant 0 : i32
    %dma_wait3A_1091 = arith.constant 0 : i32
    %dma_wait3A_1092 = tpu.memref_slice %arg9[%dma_wait3A_1090, %dma_wait3A_1091] : memref<128x64xf32, #tpu.memory_space<vmem>> -> memref<128x64xf32, #tpu.memory_space<vmem>>
    tpu.wait_dma2 semaphore(%arg12 : memref<!tpu.dma_semaphore, #tpu.memory_space<semaphore_mem>>) src(%dma_wait3A_1092 : memref<128x64xf32, #tpu.memory_space<vmem>>) dst(%dma_wait3A_1089 : memref<128x64xf32, #tpu.memory_space<hbm>>)
    %dma_start3A_1093 = arith.constant 0 : i32
    %dma_start3A_1094 = arith.constant 0 : i32
    %dma_start3A_1095 = tpu.memref_slice %arg9[%dma_start3A_1093, %dma_start3A_1094] : memref<128x64xf32, #tpu.memory_space<vmem>> -> memref<128x64xf32, #tpu.memory_space<vmem>>
    %dma_start3A_1096 = arith.constant 3840 : i32
    %dma_start3A_1097 = tpu.memref_slice %arg5[%dma_start3A_1096] : memref<4088xi32, #tpu.memory_space<vmem>> -> memref<128xi32, #tpu.memory_space<vmem>>
    %dma_start3A_1098 = arith.constant 0 : i32
    %dma_start3A_1099 = arith.constant 0 : i32
    %dma_start3A_1100 = tpu.memref_slice %arg6[%dma_start3A_1098, %dma_start3A_1099] : memref<512x64xf32, #tpu.memory_space<vmem_shared>> -> memref<512x64xf32, #tpu.memory_space<vmem_shared>>
    tpu.enqueue_indirect_dma source(%dma_start3A_1100 : memref<512x64xf32, #tpu.memory_space<vmem_shared>>) target(%dma_start3A_1095 : memref<128x64xf32, #tpu.memory_space<vmem>>) offsets(%dma_start3A_1097 : memref<128xi32, #tpu.memory_space<vmem>>) semaphore(%arg11 : memref<!tpu.dma_semaphore, #tpu.memory_space<semaphore_mem>>)
    %dma_wait3A_1101 = arith.constant 0 : i32
    %dma_wait3A_1102 = arith.constant 0 : i32
    %dma_wait3A_1103 = tpu.memref_slice %arg8[%dma_wait3A_1101, %dma_wait3A_1102] : memref<128x64xf32, #tpu.memory_space<vmem>> -> memref<128x64xf32, #tpu.memory_space<vmem>>
    %dma_wait3A_1104 = arith.constant 3712 : i32
    %dma_wait3A_1105 = tpu.memref_slice %arg5[%dma_wait3A_1104] : memref<4088xi32, #tpu.memory_space<vmem>> -> memref<128xi32, #tpu.memory_space<vmem>>
    %dma_wait3A_1106 = arith.constant 0 : i32
    %dma_wait3A_1107 = arith.constant 0 : i32
    %dma_wait3A_1108 = tpu.memref_slice %arg6[%dma_wait3A_1106, %dma_wait3A_1107] : memref<512x64xf32, #tpu.memory_space<vmem_shared>> -> memref<512x64xf32, #tpu.memory_space<vmem_shared>>
    tpu.wait_indirect_dma semaphore(%arg11 : memref<!tpu.dma_semaphore, #tpu.memory_space<semaphore_mem>>) src(%dma_wait3A_1108 : memref<512x64xf32, #tpu.memory_space<vmem_shared>>) dst(%dma_wait3A_1103 : memref<128x64xf32, #tpu.memory_space<vmem>>)
    %add3A_1109 = arith.constant 3712 : i32
    %add3A_1110 = arith.addi %mul3A_2, %add3A_1109 : i32
    %dma_start3A_1111 = arith.constant 0 : i32
    %dma_start3A_1112 = arith.constant 0 : i32
    %dma_start3A_1113 = tpu.memref_slice %arg8[%dma_start3A_1111, %dma_start3A_1112] : memref<128x64xf32, #tpu.memory_space<vmem>> -> memref<128x64xf32, #tpu.memory_space<vmem>>
    %dma_start3A_1114 = arith.constant 0 : i32
    %dma_start3A_1115 = tpu.memref_slice %arg4[%add3A_1110, %dma_start3A_1114] : memref<130816x64xf32, #tpu.memory_space<hbm>> -> memref<128x64xf32, #tpu.memory_space<hbm>>
    %dma_start3A_1116 = arith.constant 0 : i32
    %dma_start3A_1117 = tpu.memref_slice %arg4[%add3A_1110, %dma_start3A_1116] : memref<130816x64xf32, #tpu.memory_space<hbm>> -> memref<128x64xf32, #tpu.memory_space<hbm>>
    %dma_start3A_1118 = arith.constant 0 : i32
    %dma_start3A_1119 = arith.constant 0 : i32
    %dma_start3A_1120 = tpu.memref_slice %arg8[%dma_start3A_1118, %dma_start3A_1119] : memref<128x64xf32, #tpu.memory_space<vmem>> -> memref<128x64xf32, #tpu.memory_space<vmem>>
    tpu.enqueue_dma source(%dma_start3A_1120 : memref<128x64xf32, #tpu.memory_space<vmem>>) target(%dma_start3A_1117 : memref<128x64xf32, #tpu.memory_space<hbm>>) target_semaphore(%arg12 : memref<!tpu.dma_semaphore, #tpu.memory_space<semaphore_mem>>)
    %dma_wait3A_1121 = arith.constant 0 : i32
    %dma_wait3A_1122 = arith.constant 0 : i32
    %dma_wait3A_1123 = tpu.memref_slice %arg10[%dma_wait3A_1121, %dma_wait3A_1122] : memref<128x64xf32, #tpu.memory_space<vmem>> -> memref<128x64xf32, #tpu.memory_space<vmem>>
    %dma_wait3A_1124 = arith.constant 0 : i32
    %dma_wait3A_1125 = tpu.memref_slice %arg4[%add3A_1034, %dma_wait3A_1124] : memref<130816x64xf32, #tpu.memory_space<hbm>> -> memref<128x64xf32, #tpu.memory_space<hbm>>
    %dma_wait3A_1126 = arith.constant 0 : i32
    %dma_wait3A_1127 = tpu.memref_slice %arg4[%add3A_1034, %dma_wait3A_1126] : memref<130816x64xf32, #tpu.memory_space<hbm>> -> memref<128x64xf32, #tpu.memory_space<hbm>>
    %dma_wait3A_1128 = arith.constant 0 : i32
    %dma_wait3A_1129 = arith.constant 0 : i32
    %dma_wait3A_1130 = tpu.memref_slice %arg10[%dma_wait3A_1128, %dma_wait3A_1129] : memref<128x64xf32, #tpu.memory_space<vmem>> -> memref<128x64xf32, #tpu.memory_space<vmem>>
    tpu.wait_dma2 semaphore(%arg12 : memref<!tpu.dma_semaphore, #tpu.memory_space<semaphore_mem>>) src(%dma_wait3A_1130 : memref<128x64xf32, #tpu.memory_space<vmem>>) dst(%dma_wait3A_1127 : memref<128x64xf32, #tpu.memory_space<hbm>>)
    %dma_start3A_1131 = arith.constant 0 : i32
    %dma_start3A_1132 = arith.constant 0 : i32
    %dma_start3A_1133 = tpu.memref_slice %arg10[%dma_start3A_1131, %dma_start3A_1132] : memref<128x64xf32, #tpu.memory_space<vmem>> -> memref<120x64xf32, #tpu.memory_space<vmem>>
    %dma_start3A_1134 = arith.constant 3968 : i32
    %dma_start3A_1135 = tpu.memref_slice %arg5[%dma_start3A_1134] : memref<4088xi32, #tpu.memory_space<vmem>> -> memref<120xi32, #tpu.memory_space<vmem>>
    %dma_start3A_1136 = arith.constant 0 : i32
    %dma_start3A_1137 = arith.constant 0 : i32
    %dma_start3A_1138 = tpu.memref_slice %arg6[%dma_start3A_1136, %dma_start3A_1137] : memref<512x64xf32, #tpu.memory_space<vmem_shared>> -> memref<512x64xf32, #tpu.memory_space<vmem_shared>>
    tpu.enqueue_indirect_dma source(%dma_start3A_1138 : memref<512x64xf32, #tpu.memory_space<vmem_shared>>) target(%dma_start3A_1133 : memref<120x64xf32, #tpu.memory_space<vmem>>) offsets(%dma_start3A_1135 : memref<120xi32, #tpu.memory_space<vmem>>) semaphore(%arg11 : memref<!tpu.dma_semaphore, #tpu.memory_space<semaphore_mem>>)
    %dma_wait3A_1139 = arith.constant 0 : i32
    %dma_wait3A_1140 = arith.constant 0 : i32
    %dma_wait3A_1141 = tpu.memref_slice %arg9[%dma_wait3A_1139, %dma_wait3A_1140] : memref<128x64xf32, #tpu.memory_space<vmem>> -> memref<128x64xf32, #tpu.memory_space<vmem>>
    %dma_wait3A_1142 = arith.constant 3840 : i32
    %dma_wait3A_1143 = tpu.memref_slice %arg5[%dma_wait3A_1142] : memref<4088xi32, #tpu.memory_space<vmem>> -> memref<128xi32, #tpu.memory_space<vmem>>
    %dma_wait3A_1144 = arith.constant 0 : i32
    %dma_wait3A_1145 = arith.constant 0 : i32
    %dma_wait3A_1146 = tpu.memref_slice %arg6[%dma_wait3A_1144, %dma_wait3A_1145] : memref<512x64xf32, #tpu.memory_space<vmem_shared>> -> memref<512x64xf32, #tpu.memory_space<vmem_shared>>
    tpu.wait_indirect_dma semaphore(%arg11 : memref<!tpu.dma_semaphore, #tpu.memory_space<semaphore_mem>>) src(%dma_wait3A_1146 : memref<512x64xf32, #tpu.memory_space<vmem_shared>>) dst(%dma_wait3A_1141 : memref<128x64xf32, #tpu.memory_space<vmem>>)
    %add3A_1147 = arith.constant 3840 : i32
    %add3A_1148 = arith.addi %mul3A_2, %add3A_1147 : i32
    %dma_start3A_1149 = arith.constant 0 : i32
    %dma_start3A_1150 = arith.constant 0 : i32
    %dma_start3A_1151 = tpu.memref_slice %arg9[%dma_start3A_1149, %dma_start3A_1150] : memref<128x64xf32, #tpu.memory_space<vmem>> -> memref<128x64xf32, #tpu.memory_space<vmem>>
    %dma_start3A_1152 = arith.constant 0 : i32
    %dma_start3A_1153 = tpu.memref_slice %arg4[%add3A_1148, %dma_start3A_1152] : memref<130816x64xf32, #tpu.memory_space<hbm>> -> memref<128x64xf32, #tpu.memory_space<hbm>>
    %dma_start3A_1154 = arith.constant 0 : i32
    %dma_start3A_1155 = tpu.memref_slice %arg4[%add3A_1148, %dma_start3A_1154] : memref<130816x64xf32, #tpu.memory_space<hbm>> -> memref<128x64xf32, #tpu.memory_space<hbm>>
    %dma_start3A_1156 = arith.constant 0 : i32
    %dma_start3A_1157 = arith.constant 0 : i32
    %dma_start3A_1158 = tpu.memref_slice %arg9[%dma_start3A_1156, %dma_start3A_1157] : memref<128x64xf32, #tpu.memory_space<vmem>> -> memref<128x64xf32, #tpu.memory_space<vmem>>
    tpu.enqueue_dma source(%dma_start3A_1158 : memref<128x64xf32, #tpu.memory_space<vmem>>) target(%dma_start3A_1155 : memref<128x64xf32, #tpu.memory_space<hbm>>) target_semaphore(%arg12 : memref<!tpu.dma_semaphore, #tpu.memory_space<semaphore_mem>>)
    %dma_wait3A_1159 = arith.constant 0 : i32
    %dma_wait3A_1160 = arith.constant 0 : i32
    %dma_wait3A_1161 = tpu.memref_slice %arg10[%dma_wait3A_1159, %dma_wait3A_1160] : memref<128x64xf32, #tpu.memory_space<vmem>> -> memref<120x64xf32, #tpu.memory_space<vmem>>
    %dma_wait3A_1162 = arith.constant 3968 : i32
    %dma_wait3A_1163 = tpu.memref_slice %arg5[%dma_wait3A_1162] : memref<4088xi32, #tpu.memory_space<vmem>> -> memref<120xi32, #tpu.memory_space<vmem>>
    %dma_wait3A_1164 = arith.constant 0 : i32
    %dma_wait3A_1165 = arith.constant 0 : i32
    %dma_wait3A_1166 = tpu.memref_slice %arg6[%dma_wait3A_1164, %dma_wait3A_1165] : memref<512x64xf32, #tpu.memory_space<vmem_shared>> -> memref<512x64xf32, #tpu.memory_space<vmem_shared>>
    tpu.wait_indirect_dma semaphore(%arg11 : memref<!tpu.dma_semaphore, #tpu.memory_space<semaphore_mem>>) src(%dma_wait3A_1166 : memref<512x64xf32, #tpu.memory_space<vmem_shared>>) dst(%dma_wait3A_1161 : memref<120x64xf32, #tpu.memory_space<vmem>>)
    %add3A_1167 = arith.constant 3968 : i32
    %add3A_1168 = arith.addi %mul3A_2, %add3A_1167 : i32
    %dma_start3A_1169 = arith.constant 0 : i32
    %dma_start3A_1170 = arith.constant 0 : i32
    %dma_start3A_1171 = tpu.memref_slice %arg10[%dma_start3A_1169, %dma_start3A_1170] : memref<128x64xf32, #tpu.memory_space<vmem>> -> memref<120x64xf32, #tpu.memory_space<vmem>>
    %dma_start3A_1172 = arith.constant 0 : i32
    %dma_start3A_1173 = tpu.memref_slice %arg4[%add3A_1168, %dma_start3A_1172] : memref<130816x64xf32, #tpu.memory_space<hbm>> -> memref<120x64xf32, #tpu.memory_space<hbm>>
    %dma_start3A_1174 = arith.constant 0 : i32
    %dma_start3A_1175 = tpu.memref_slice %arg4[%add3A_1168, %dma_start3A_1174] : memref<130816x64xf32, #tpu.memory_space<hbm>> -> memref<120x64xf32, #tpu.memory_space<hbm>>
    %dma_start3A_1176 = arith.constant 0 : i32
    %dma_start3A_1177 = arith.constant 0 : i32
    %dma_start3A_1178 = tpu.memref_slice %arg10[%dma_start3A_1176, %dma_start3A_1177] : memref<128x64xf32, #tpu.memory_space<vmem>> -> memref<120x64xf32, #tpu.memory_space<vmem>>
    tpu.enqueue_dma source(%dma_start3A_1178 : memref<120x64xf32, #tpu.memory_space<vmem>>) target(%dma_start3A_1175 : memref<120x64xf32, #tpu.memory_space<hbm>>) target_semaphore(%arg12 : memref<!tpu.dma_semaphore, #tpu.memory_space<semaphore_mem>>)
    %dma_wait3A_1179 = arith.constant 0 : i32
    %dma_wait3A_1180 = arith.constant 0 : i32
    %dma_wait3A_1181 = tpu.memref_slice %arg7[%dma_wait3A_1179, %dma_wait3A_1180] : memref<128x64xf32, #tpu.memory_space<vmem>> -> memref<128x64xf32, #tpu.memory_space<vmem>>
    %dma_wait3A_1182 = arith.constant 0 : i32
    %dma_wait3A_1183 = tpu.memref_slice %arg4[%add3A_1072, %dma_wait3A_1182] : memref<130816x64xf32, #tpu.memory_space<hbm>> -> memref<128x64xf32, #tpu.memory_space<hbm>>
    %dma_wait3A_1184 = arith.constant 0 : i32
    %dma_wait3A_1185 = tpu.memref_slice %arg4[%add3A_1072, %dma_wait3A_1184] : memref<130816x64xf32, #tpu.memory_space<hbm>> -> memref<128x64xf32, #tpu.memory_space<hbm>>
    %dma_wait3A_1186 = arith.constant 0 : i32
    %dma_wait3A_1187 = arith.constant 0 : i32
    %dma_wait3A_1188 = tpu.memref_slice %arg7[%dma_wait3A_1186, %dma_wait3A_1187] : memref<128x64xf32, #tpu.memory_space<vmem>> -> memref<128x64xf32, #tpu.memory_space<vmem>>
    tpu.wait_dma2 semaphore(%arg12 : memref<!tpu.dma_semaphore, #tpu.memory_space<semaphore_mem>>) src(%dma_wait3A_1188 : memref<128x64xf32, #tpu.memory_space<vmem>>) dst(%dma_wait3A_1185 : memref<128x64xf32, #tpu.memory_space<hbm>>)
    %dma_wait3A_1189 = arith.constant 0 : i32
    %dma_wait3A_1190 = arith.constant 0 : i32
    %dma_wait3A_1191 = tpu.memref_slice %arg8[%dma_wait3A_1189, %dma_wait3A_1190] : memref<128x64xf32, #tpu.memory_space<vmem>> -> memref<128x64xf32, #tpu.memory_space<vmem>>
    %dma_wait3A_1192 = arith.constant 0 : i32
    %dma_wait3A_1193 = tpu.memref_slice %arg4[%add3A_1110, %dma_wait3A_1192] : memref<130816x64xf32, #tpu.memory_space<hbm>> -> memref<128x64xf32, #tpu.memory_space<hbm>>
    %dma_wait3A_1194 = arith.constant 0 : i32
    %dma_wait3A_1195 = tpu.memref_slice %arg4[%add3A_1110, %dma_wait3A_1194] : memref<130816x64xf32, #tpu.memory_space<hbm>> -> memref<128x64xf32, #tpu.memory_space<hbm>>
    %dma_wait3A_1196 = arith.constant 0 : i32
    %dma_wait3A_1197 = arith.constant 0 : i32
    %dma_wait3A_1198 = tpu.memref_slice %arg8[%dma_wait3A_1196, %dma_wait3A_1197] : memref<128x64xf32, #tpu.memory_space<vmem>> -> memref<128x64xf32, #tpu.memory_space<vmem>>
    tpu.wait_dma2 semaphore(%arg12 : memref<!tpu.dma_semaphore, #tpu.memory_space<semaphore_mem>>) src(%dma_wait3A_1198 : memref<128x64xf32, #tpu.memory_space<vmem>>) dst(%dma_wait3A_1195 : memref<128x64xf32, #tpu.memory_space<hbm>>)
    %dma_wait3A_1199 = arith.constant 0 : i32
    %dma_wait3A_1200 = arith.constant 0 : i32
    %dma_wait3A_1201 = tpu.memref_slice %arg9[%dma_wait3A_1199, %dma_wait3A_1200] : memref<128x64xf32, #tpu.memory_space<vmem>> -> memref<128x64xf32, #tpu.memory_space<vmem>>
    %dma_wait3A_1202 = arith.constant 0 : i32
    %dma_wait3A_1203 = tpu.memref_slice %arg4[%add3A_1148, %dma_wait3A_1202] : memref<130816x64xf32, #tpu.memory_space<hbm>> -> memref<128x64xf32, #tpu.memory_space<hbm>>
    %dma_wait3A_1204 = arith.constant 0 : i32
    %dma_wait3A_1205 = tpu.memref_slice %arg4[%add3A_1148, %dma_wait3A_1204] : memref<130816x64xf32, #tpu.memory_space<hbm>> -> memref<128x64xf32, #tpu.memory_space<hbm>>
    %dma_wait3A_1206 = arith.constant 0 : i32
    %dma_wait3A_1207 = arith.constant 0 : i32
    %dma_wait3A_1208 = tpu.memref_slice %arg9[%dma_wait3A_1206, %dma_wait3A_1207] : memref<128x64xf32, #tpu.memory_space<vmem>> -> memref<128x64xf32, #tpu.memory_space<vmem>>
    tpu.wait_dma2 semaphore(%arg12 : memref<!tpu.dma_semaphore, #tpu.memory_space<semaphore_mem>>) src(%dma_wait3A_1208 : memref<128x64xf32, #tpu.memory_space<vmem>>) dst(%dma_wait3A_1205 : memref<128x64xf32, #tpu.memory_space<hbm>>)
    %dma_wait3A_1209 = arith.constant 0 : i32
    %dma_wait3A_1210 = arith.constant 0 : i32
    %dma_wait3A_1211 = tpu.memref_slice %arg10[%dma_wait3A_1209, %dma_wait3A_1210] : memref<128x64xf32, #tpu.memory_space<vmem>> -> memref<120x64xf32, #tpu.memory_space<vmem>>
    %dma_wait3A_1212 = arith.constant 0 : i32
    %dma_wait3A_1213 = tpu.memref_slice %arg4[%add3A_1168, %dma_wait3A_1212] : memref<130816x64xf32, #tpu.memory_space<hbm>> -> memref<120x64xf32, #tpu.memory_space<hbm>>
    %dma_wait3A_1214 = arith.constant 0 : i32
    %dma_wait3A_1215 = tpu.memref_slice %arg4[%add3A_1168, %dma_wait3A_1214] : memref<130816x64xf32, #tpu.memory_space<hbm>> -> memref<120x64xf32, #tpu.memory_space<hbm>>
    %dma_wait3A_1216 = arith.constant 0 : i32
    %dma_wait3A_1217 = arith.constant 0 : i32
    %dma_wait3A_1218 = tpu.memref_slice %arg10[%dma_wait3A_1216, %dma_wait3A_1217] : memref<128x64xf32, #tpu.memory_space<vmem>> -> memref<120x64xf32, #tpu.memory_space<vmem>>
    tpu.wait_dma2 semaphore(%arg12 : memref<!tpu.dma_semaphore, #tpu.memory_space<semaphore_mem>>) src(%dma_wait3A_1218 : memref<120x64xf32, #tpu.memory_space<vmem>>) dst(%dma_wait3A_1215 : memref<120x64xf32, #tpu.memory_space<hbm>>)
    return
  }
}

module attributes {stable_mosaic.version = 14 : i64} {
  func.func @_phi_segsum_body(%arg0: i32, %arg1: memref<64x1792xf32, #tpu.memory_space<vmem>>, %arg2: memref<64x64xf32, #tpu.memory_space<vmem>>, %arg3: memref<64x1xf32, #tpu.memory_space<vmem>>, %arg4: memref<64x1xf32, #tpu.memory_space<vmem>>, %arg5: memref<64x1xf32, #tpu.memory_space<vmem>>, %arg6: memref<64x64xf32, #tpu.memory_space<vmem>>, %arg7: memref<64x1xf32, #tpu.memory_space<vmem>>, %arg8: memref<64x64xf32, #tpu.memory_space<vmem>>, %arg9: memref<512x1xi32, #tpu.memory_space<vmem>>, %arg10: memref<512x1xi32, #tpu.memory_space<vmem>>, %arg11: memref<512x64xf32, #tpu.memory_space<vmem>>, %arg12: memref<1x1x1792xi32, #tpu.memory_space<vmem>>, %arg13: memref<512x64xf32, #tpu.memory_space<vmem>>) attributes {dimension_semantics = [#tpu.dimension_semantics<arbitrary>], iteration_bounds = array<i64: 73>, scalar_prefetch = 0 : i64, scratch_operands = 1 : i64, tpu.core_type = #tpu.core_type<tc>, window_params = [{transform_indices = @transform_0, window_bounds = array<i64: 64, 1792>}, {pipeline_mode = #tpu.pipeline_mode<synchronous>, transform_indices = @transform_1, window_bounds = array<i64: 64, 64>}, {pipeline_mode = #tpu.pipeline_mode<synchronous>, transform_indices = @transform_2, window_bounds = array<i64: 64, 1>}, {pipeline_mode = #tpu.pipeline_mode<synchronous>, transform_indices = @transform_3, window_bounds = array<i64: 64, 1>}, {pipeline_mode = #tpu.pipeline_mode<synchronous>, transform_indices = @transform_4, window_bounds = array<i64: 64, 1>}, {pipeline_mode = #tpu.pipeline_mode<synchronous>, transform_indices = @transform_5, window_bounds = array<i64: 64, 64>}, {pipeline_mode = #tpu.pipeline_mode<synchronous>, transform_indices = @transform_6, window_bounds = array<i64: 64, 1>}, {pipeline_mode = #tpu.pipeline_mode<synchronous>, transform_indices = @transform_7, window_bounds = array<i64: 64, 64>}, {pipeline_mode = #tpu.pipeline_mode<synchronous>, transform_indices = @transform_8, window_bounds = array<i64: 512, 1>}, {pipeline_mode = #tpu.pipeline_mode<synchronous>, transform_indices = @transform_9, window_bounds = array<i64: 512, 1>}, {pipeline_mode = #tpu.pipeline_mode<synchronous>, transform_indices = @transform_10, window_bounds = array<i64: 512, 64>}, {transform_indices = @transform_11, window_bounds = array<i64: 1, 1, 1792>}]} {
    %eq3A = arith.constant 0 : i32
    %eq3A_0 = arith.cmpi eq, %arg0, %eq3A : i32
    %convert_element_type3A = arith.extui %eq3A_0 : i1 to i32
    %cond3A = arith.constant 0 : i32
    %cond3A_1 = arith.cmpi ne, %convert_element_type3A, %cond3A : i32
    scf.if %cond3A_1 {
      %broadcast_in_dim3A = arith.constant 0.000000e+00 : f32
      %broadcast_in_dim3A_124 = vector.broadcast %broadcast_in_dim3A : f32 to vector<512x64xf32>
      %swap3A_125 = arith.constant 0 : index
      %swap3A_126 = arith.constant 0 : index
      %swap3A_127 = vector.load %arg13[%swap3A_125, %swap3A_126] : memref<512x64xf32, #tpu.memory_space<vmem>>, vector<512x64xf32>
      tpu.vector_store %arg13[%swap3A_125, %swap3A_126], %broadcast_in_dim3A_124 {strides = array<i32>} : memref<512x64xf32, #tpu.memory_space<vmem>>, vector<512x64xf32>,
    } else {
    }
    %get3A = arith.constant 0 : index
    %get3A_2 = arith.constant 0 : index
    %get3A_3 = vector.load %arg1[%get3A, %get3A_2] : memref<64x1792xf32, #tpu.memory_space<vmem>>, vector<64x1792xf32>
    %get3A_4 = arith.constant 0 : index
    %get3A_5 = arith.constant 0 : index
    %get3A_6 = vector.load %arg2[%get3A_4, %get3A_5] : memref<64x64xf32, #tpu.memory_space<vmem>>, vector<64x64xf32>
    %dot_general3A = arith.constant dense<0.000000e+00> : vector<64x1792xf32>
    %dot_general3A_7 = tpu.matmul %get3A_6, %get3A_3, %dot_general3A {dimension_numbers = #tpu.dot_dimension_numbers<[1], [0], [0], [1], [0, 0, 1, 1], [], []>, transpose_lhs_hint = false} : vector<64x64xf32>, vector<64x1792xf32>, vector<64x1792xf32> -> vector<64x1792xf32>
    %get3A_8 = arith.constant 0 : index
    %get3A_9 = arith.constant 0 : index
    %get3A_10 = vector.load %arg3[%get3A_8, %get3A_9] : memref<64x1xf32, #tpu.memory_space<vmem>>, vector<64x1xf32>
    %add3A = vector.broadcast %get3A_10 : vector<64x1xf32> to vector<64x1792xf32>
    %add3A_11 = arith.addf %dot_general3A_7, %add3A : vector<64x1792xf32>
    %get3A_12 = arith.constant 0 : index
    %get3A_13 = arith.constant 0 : index
    %get3A_14 = vector.load %arg8[%get3A_12, %get3A_13] : memref<64x64xf32, #tpu.memory_space<vmem>>, vector<64x64xf32>
    %dot_general3A_15 = arith.constant dense<0.000000e+00> : vector<64x1792xf32>
    %dot_general3A_16 = tpu.matmul %get3A_14, %add3A_11, %dot_general3A_15 {dimension_numbers = #tpu.dot_dimension_numbers<[1], [0], [0], [1], [0, 0, 1, 1], [], []>, transpose_lhs_hint = false} : vector<64x64xf32>, vector<64x1792xf32>, vector<64x1792xf32> -> vector<64x1792xf32>
    %sub3A = arith.subf %add3A_11, %dot_general3A_16 : vector<64x1792xf32>
    %get3A_17 = arith.constant 0 : index
    %get3A_18 = arith.constant 0 : index
    %get3A_19 = vector.load %arg8[%get3A_17, %get3A_18] : memref<64x64xf32, #tpu.memory_space<vmem>>, vector<64x64xf32>
    %mul3A = arith.mulf %sub3A, %sub3A : vector<64x1792xf32>
    %dot_general3A_20 = arith.constant dense<0.000000e+00> : vector<64x1792xf32>
    %dot_general3A_21 = tpu.matmul %get3A_19, %mul3A, %dot_general3A_20 {dimension_numbers = #tpu.dot_dimension_numbers<[1], [0], [0], [1], [0, 0, 1, 1], [], []>, transpose_lhs_hint = false} : vector<64x64xf32>, vector<64x1792xf32>, vector<64x1792xf32> -> vector<64x1792xf32>
    %add3A_22 = arith.constant 9.99999974E-6 : f32
    %add3A_23 = vector.broadcast %add3A_22 : f32 to vector<64x1792xf32>
    %add3A_24 = arith.addf %dot_general3A_21, %add3A_23 : vector<64x1792xf32>
    %rsqrt3A = math.rsqrt %add3A_24 : vector<64x1792xf32>
    %mul3A_25 = arith.mulf %sub3A, %rsqrt3A : vector<64x1792xf32>
    %get3A_26 = arith.constant 0 : index
    %get3A_27 = arith.constant 0 : index
    %get3A_28 = vector.load %arg4[%get3A_26, %get3A_27] : memref<64x1xf32, #tpu.memory_space<vmem>>, vector<64x1xf32>
    %mul3A_29 = vector.broadcast %get3A_28 : vector<64x1xf32> to vector<64x1792xf32>
    %mul3A_30 = arith.mulf %mul3A_25, %mul3A_29 : vector<64x1792xf32>
    %get3A_31 = arith.constant 0 : index
    %get3A_32 = arith.constant 0 : index
    %get3A_33 = vector.load %arg5[%get3A_31, %get3A_32] : memref<64x1xf32, #tpu.memory_space<vmem>>, vector<64x1xf32>
    %add3A_34 = vector.broadcast %get3A_33 : vector<64x1xf32> to vector<64x1792xf32>
    %add3A_35 = arith.addf %mul3A_30, %add3A_34 : vector<64x1792xf32>
    %max3A = arith.constant 0.000000e+00 : f32
    %max3A_36 = vector.broadcast %max3A : f32 to vector<64x1792xf32>
    %max3A_37 = arith.maximumf %add3A_35, %max3A_36 : vector<64x1792xf32>
    %get3A_38 = arith.constant 0 : index
    %get3A_39 = arith.constant 0 : index
    %get3A_40 = vector.load %arg6[%get3A_38, %get3A_39] : memref<64x64xf32, #tpu.memory_space<vmem>>, vector<64x64xf32>
    %dot_general3A_41 = arith.constant dense<0.000000e+00> : vector<64x1792xf32>
    %dot_general3A_42 = tpu.matmul %get3A_40, %max3A_37, %dot_general3A_41 {dimension_numbers = #tpu.dot_dimension_numbers<[1], [0], [0], [1], [0, 0, 1, 1], [], []>, transpose_lhs_hint = false} : vector<64x64xf32>, vector<64x1792xf32>, vector<64x1792xf32> -> vector<64x1792xf32>
    %get3A_43 = arith.constant 0 : index
    %get3A_44 = arith.constant 0 : index
    %get3A_45 = vector.load %arg7[%get3A_43, %get3A_44] : memref<64x1xf32, #tpu.memory_space<vmem>>, vector<64x1xf32>
    %add3A_46 = vector.broadcast %get3A_45 : vector<64x1xf32> to vector<64x1792xf32>
    %add3A_47 = arith.addf %dot_general3A_42, %add3A_46 : vector<64x1792xf32>
    %mul3A_48 = arith.constant 1792 : i32
    %mul3A_49 = arith.muli %arg0, %mul3A_48 : i32
    %iota3A = tpu.iota {dimensions = array<i32: 1>} : vector<1x1792xi32>
    %add3A_50 = vector.broadcast %mul3A_49 : i32 to vector<1x1792xi32>
    %add3A_51 = arith.addi %add3A_50, %iota3A : vector<1x1792xi32>
    %get3A_52 = arith.constant 0 : index
    %get3A_53 = arith.constant 0 : index
    %get3A_54 = vector.load %arg10[%get3A_52, %get3A_53] : memref<512x1xi32, #tpu.memory_space<vmem>>, vector<512x1xi32>
    %mul3A_55 = arith.constant 1792 : i32
    %mul3A_56 = arith.muli %arg0, %mul3A_55 : i32
    %le3A = vector.broadcast %mul3A_56 : i32 to vector<512x1xi32>
    %le3A_57 = arith.cmpi sle, %get3A_54, %le3A : vector<512x1xi32>
    %convert_element_type3A_58 = arith.extui %le3A_57 : vector<512x1xi1> to vector<512x1xi32>
    %reduce_sum3A = vector.shape_cast %convert_element_type3A_58 : vector<512x1xi32> to vector<1x512x1xi32>
    %reduce_sum3A_59 = arith.constant dense<0> : vector<1xi32>
    %reduce_sum3A_60 = vector.multi_reduction <add>, %reduce_sum3A, %reduce_sum3A_59 [1, 2] : vector<1x512x1xi32> to vector<1xi32>
    %reduce_sum3A_61 = vector.shape_cast %reduce_sum3A_60 : vector<1xi32> to vector<1x1x1xi32>
    %reduce_sum3A_62 = vector.extract %reduce_sum3A_61[0, 0, 0] : i32 from vector<1x1x1xi32>
    %jit3A = arith.constant 8 : i32
    %div3A = arith.divsi %reduce_sum3A_62, %jit3A : i32
    %sign3A = arith.constant 0 : i32
    %sign3A_63 = arith.cmpi sgt, %reduce_sum3A_62, %sign3A : i32
    %sign3A_64 = arith.extui %sign3A_63 : i1 to i32
    %sign3A_65 = arith.constant 0 : i32
    %sign3A_66 = arith.cmpi slt, %reduce_sum3A_62, %sign3A_65 : i32
    %sign3A_67 = arith.extui %sign3A_66 : i1 to i32
    %sign3A_68 = arith.subi %sign3A_64, %sign3A_67 : i32
    %sign3A_69 = arith.constant 0 : i32
    %sign3A_70 = arith.cmpi sgt, %jit3A, %sign3A_69 : i32
    %sign3A_71 = arith.extui %sign3A_70 : i1 to i32
    %sign3A_72 = arith.constant 0 : i32
    %sign3A_73 = arith.cmpi slt, %jit3A, %sign3A_72 : i32
    %sign3A_74 = arith.extui %sign3A_73 : i1 to i32
    %sign3A_75 = arith.subi %sign3A_71, %sign3A_74 : i32
    %ne3A = arith.cmpi ne, %sign3A_68, %sign3A_75 : i32
    %rem3A = arith.remsi %reduce_sum3A_62, %jit3A : i32
    %ne3A_76 = arith.constant 0 : i32
    %ne3A_77 = arith.cmpi ne, %rem3A, %ne3A_76 : i32
    %and3A = arith.andi %ne3A, %ne3A_77 : i1
    %sub3A_78 = arith.constant 1 : i32
    %sub3A_79 = arith.subi %div3A, %sub3A_78 : i32
    %select_n3A = arith.select %and3A, %sub3A_79, %div3A : i32
    %mul3A_80 = arith.constant 8 : i32
    %mul3A_81 = arith.muli %select_n3A, %mul3A_80 : i32
    %min3A = arith.constant 448 : i32
    %min3A_82 = arith.minsi %mul3A_81, %min3A : i32
    %get3A_83 = arith.index_cast %min3A_82 : i32 to index
    %get3A_84 = arith.constant 0 : index
    %get3A_85 = vector.load %arg9[%get3A_83, %get3A_84] : memref<512x1xi32, #tpu.memory_space<vmem>>, vector<64x1xi32>
    %get3A_86 = arith.index_cast %min3A_82 : i32 to index
    %get3A_87 = arith.constant 0 : index
    %get3A_88 = vector.load %arg10[%get3A_86, %get3A_87] : memref<512x1xi32, #tpu.memory_space<vmem>>, vector<64x1xi32>
    %ge3A = vector.broadcast %add3A_51 : vector<1x1792xi32> to vector<64x1792xi32>
    %ge3A_89 = vector.broadcast %get3A_85 : vector<64x1xi32> to vector<64x1792xi32>
    %ge3A_90 = arith.cmpi sge, %ge3A, %ge3A_89 : vector<64x1792xi32>
    %convert_element_type3A_91 = arith.extui %ge3A_90 : vector<64x1792xi1> to vector<64x1792xi32>
    %convert_element_type3A_92 = arith.sitofp %convert_element_type3A_91 : vector<64x1792xi32> to vector<64x1792xf32>
    %ge3A_93 = vector.broadcast %add3A_51 : vector<1x1792xi32> to vector<64x1792xi32>
    %ge3A_94 = vector.broadcast %get3A_88 : vector<64x1xi32> to vector<64x1792xi32>
    %ge3A_95 = arith.cmpi sge, %ge3A_93, %ge3A_94 : vector<64x1792xi32>
    %convert_element_type3A_96 = arith.extui %ge3A_95 : vector<64x1792xi1> to vector<64x1792xi32>
    %convert_element_type3A_97 = arith.sitofp %convert_element_type3A_96 : vector<64x1792xi32> to vector<64x1792xf32>
    %sub3A_98 = arith.subf %convert_element_type3A_92, %convert_element_type3A_97 : vector<64x1792xf32>
    %dot_general3A_99 = arith.constant dense<0.000000e+00> : vector<64x64xf32>
    %dot_general3A_100 = tpu.matmul %sub3A_98, %add3A_47, %dot_general3A_99 {dimension_numbers = #tpu.dot_dimension_numbers<[1], [1], [0], [0], [0, 0, 1, 0], [], []>, transpose_lhs_hint = false} : vector<64x1792xf32>, vector<64x1792xf32>, vector<64x64xf32> -> vector<64x64xf32>
    %get3A_101 = arith.index_cast %min3A_82 : i32 to index
    %get3A_102 = arith.constant 0 : index
    %get3A_103 = vector.load %arg13[%get3A_101, %get3A_102] : memref<512x64xf32, #tpu.memory_space<vmem>>, vector<64x64xf32>
    %add3A_104 = arith.addf %get3A_103, %dot_general3A_100 : vector<64x64xf32>
    %swap3A = arith.index_cast %min3A_82 : i32 to index
    %swap3A_105 = arith.constant 0 : index
    %swap3A_106 = vector.load %arg13[%swap3A, %swap3A_105] : memref<512x64xf32, #tpu.memory_space<vmem>>, vector<64x64xf32>
    tpu.vector_store %arg13[%swap3A, %swap3A_105], %add3A_104 {strides = array<i32>} : memref<512x64xf32, #tpu.memory_space<vmem>>, vector<64x64xf32>,
    %iota3A_107 = tpu.iota {dimensions = array<i32: 1>} : vector<1x64xi32>
    %convert_element_type3A_108 = arith.sitofp %iota3A_107 : vector<1x64xi32> to vector<1x64xf32>
    %dot_general3A_109 = arith.constant dense<0.000000e+00> : vector<1x1792xf32>
    %dot_general3A_110 = tpu.matmul %convert_element_type3A_108, %sub3A_98, %dot_general3A_109 {dimension_numbers = #tpu.dot_dimension_numbers<[1], [0], [0], [1], [0, 0, 1, 1], [], []>, transpose_lhs_hint = false} : vector<1x64xf32>, vector<64x1792xf32>, vector<1x1792xf32> -> vector<1x1792xf32>
    %convert_element_type3A_111 = arith.sitofp %min3A_82 : i32 to f32
    %add3A_112 = vector.broadcast %convert_element_type3A_111 : f32 to vector<1x1792xf32>
    %add3A_113 = arith.addf %add3A_112, %dot_general3A_110 : vector<1x1792xf32>
    %convert_element_type3A_114 = arith.fptosi %add3A_113 : vector<1x1792xf32> to vector<1x1792xi32>
    %reshape3A = vector.shape_cast %convert_element_type3A_114 : vector<1x1792xi32> to vector<1x1x1792xi32>
    %swap3A_115 = arith.constant 0 : index
    %swap3A_116 = arith.constant 0 : index
    %swap3A_117 = arith.constant 0 : index
    %swap3A_118 = vector.load %arg12[%swap3A_115, %swap3A_116, %swap3A_117] : memref<1x1x1792xi32, #tpu.memory_space<vmem>>, vector<1x1x1792xi32>
    tpu.vector_store %arg12[%swap3A_115, %swap3A_116, %swap3A_117], %reshape3A {strides = array<i32>} : memref<1x1x1792xi32, #tpu.memory_space<vmem>>, vector<1x1x1792xi32>,
    %eq3A_119 = arith.constant 72 : i32
    %eq3A_120 = arith.cmpi eq, %arg0, %eq3A_119 : i32
    %convert_element_type3A_121 = arith.extui %eq3A_120 : i1 to i32
    %cond3A_122 = arith.constant 0 : i32
    %cond3A_123 = arith.cmpi ne, %convert_element_type3A_121, %cond3A_122 : i32
    scf.if %cond3A_123 {
      %get3A_124 = arith.constant 0 : index
      %get3A_125 = arith.constant 0 : index
      %get3A_126 = vector.load %arg10[%get3A_124, %get3A_125] : memref<512x1xi32, #tpu.memory_space<vmem>>, vector<512x1xi32>
      %get3A_127 = arith.constant 0 : index
      %get3A_128 = arith.constant 0 : index
      %get3A_129 = vector.load %arg9[%get3A_127, %get3A_128] : memref<512x1xi32, #tpu.memory_space<vmem>>, vector<512x1xi32>
      %sub3A_130 = arith.subi %get3A_126, %get3A_129 : vector<512x1xi32>
      %convert_element_type3A_131 = arith.sitofp %sub3A_130 : vector<512x1xi32> to vector<512x1xf32>
      %get3A_132 = arith.constant 0 : index
      %get3A_133 = arith.constant 0 : index
      %get3A_134 = vector.load %arg13[%get3A_132, %get3A_133] : memref<512x64xf32, #tpu.memory_space<vmem>>, vector<512x64xf32>
      %max3A_135 = arith.constant 1.000000e+00 : f32
      %max3A_136 = vector.broadcast %max3A_135 : f32 to vector<512x1xf32>
      %max3A_137 = arith.maximumf %convert_element_type3A_131, %max3A_136 : vector<512x1xf32>
      %div3A_138 = vector.broadcast %max3A_137 : vector<512x1xf32> to vector<512x64xf32>
      %div3A_139 = arith.divf %get3A_134, %div3A_138 : vector<512x64xf32>
      %swap3A_140 = arith.constant 0 : index
      %swap3A_141 = arith.constant 0 : index
      %swap3A_142 = vector.load %arg11[%swap3A_140, %swap3A_141] : memref<512x64xf32, #tpu.memory_space<vmem>>, vector<512x64xf32>
      tpu.vector_store %arg11[%swap3A_140, %swap3A_141], %div3A_139 {strides = array<i32>} : memref<512x64xf32, #tpu.memory_space<vmem>>, vector<512x64xf32>,
    } else {
    }
    return
  }
  func.func @transform_0(%arg0: i32) -> (i32, i32) {
    %c0_i32 = arith.constant 0 : i32
    %c0_i32_0 = arith.constant 0 : i32
    return %c0_i32, %arg0 : i32, i32
  }
  func.func @transform_1(%arg0: i32) -> (i32, i32) {
    %c0_i32 = arith.constant 0 : i32
    %c0_i32_0 = arith.constant 0 : i32
    %c0_i32_1 = arith.constant 0 : i32
    return %c0_i32, %c0_i32_0 : i32, i32
  }
  func.func @transform_2(%arg0: i32) -> (i32, i32) {
    %c0_i32 = arith.constant 0 : i32
    %c0_i32_0 = arith.constant 0 : i32
    %c0_i32_1 = arith.constant 0 : i32
    return %c0_i32, %c0_i32_0 : i32, i32
  }
  func.func @transform_3(%arg0: i32) -> (i32, i32) {
    %c0_i32 = arith.constant 0 : i32
    %c0_i32_0 = arith.constant 0 : i32
    %c0_i32_1 = arith.constant 0 : i32
    return %c0_i32, %c0_i32_0 : i32, i32
  }
  func.func @transform_4(%arg0: i32) -> (i32, i32) {
    %c0_i32 = arith.constant 0 : i32
    %c0_i32_0 = arith.constant 0 : i32
    %c0_i32_1 = arith.constant 0 : i32
    return %c0_i32, %c0_i32_0 : i32, i32
  }
  func.func @transform_5(%arg0: i32) -> (i32, i32) {
    %c0_i32 = arith.constant 0 : i32
    %c0_i32_0 = arith.constant 0 : i32
    %c0_i32_1 = arith.constant 0 : i32
    return %c0_i32, %c0_i32_0 : i32, i32
  }
  func.func @transform_6(%arg0: i32) -> (i32, i32) {
    %c0_i32 = arith.constant 0 : i32
    %c0_i32_0 = arith.constant 0 : i32
    %c0_i32_1 = arith.constant 0 : i32
    return %c0_i32, %c0_i32_0 : i32, i32
  }
  func.func @transform_7(%arg0: i32) -> (i32, i32) {
    %c0_i32 = arith.constant 0 : i32
    %c0_i32_0 = arith.constant 0 : i32
    %c0_i32_1 = arith.constant 0 : i32
    return %c0_i32, %c0_i32_0 : i32, i32
  }
  func.func @transform_8(%arg0: i32) -> (i32, i32) {
    %c0_i32 = arith.constant 0 : i32
    %c0_i32_0 = arith.constant 0 : i32
    %c0_i32_1 = arith.constant 0 : i32
    return %c0_i32, %c0_i32_0 : i32, i32
  }
  func.func @transform_9(%arg0: i32) -> (i32, i32) {
    %c0_i32 = arith.constant 0 : i32
    %c0_i32_0 = arith.constant 0 : i32
    %c0_i32_1 = arith.constant 0 : i32
    return %c0_i32, %c0_i32_0 : i32, i32
  }
  func.func @transform_10(%arg0: i32) -> (i32, i32) {
    %c0_i32 = arith.constant 0 : i32
    %c0_i32_0 = arith.constant 0 : i32
    %c0_i32_1 = arith.constant 0 : i32
    return %c0_i32, %c0_i32_0 : i32, i32
  }
  func.func @transform_11(%arg0: i32) -> (i32, i32, i32) {
    %c0_i32 = arith.constant 0 : i32
    %c0_i32_0 = arith.constant 0 : i32
    %c0_i32_1 = arith.constant 0 : i32
    return %arg0, %c0_i32, %c0_i32_0 : i32, i32, i32
  }
}

</mosaic_0001>

<sc_bundles>
// kernel: kernel.4.cloned.1.call-start
scs
__scs_entry_jumppad:
0x0: {  	(pc) =	sbr.rel $0x88, $3  }
0x1: {  	(tag) =	ssettag $0x0;
	lr =	simm.s32 $0x1  }
0x2: {  	[smem:$0x3F99] =	sst lr;
	_ =	strace $0xD0000000  }
0x3: {  	_ = 	snop  }
0x4: {  	_ = 	snop  }
0x5: {  	_ = 	snop  }
0x6: {  	_ = 	snop  }
0x7: {  	_ = 	snop  }
__scs_overlays_trampoline_lowered:
0x8: {  	[smem:$0x3FA8] =	sst s0  }
0x9: {  	[smem:$0x3FA9] =	sst s1  }
0xa: {  	[smem:$0x3FAA] =	sst s2  }
0xb: {  	[smem:$0x3FAB] =	sst s3  }
0xc: {  	[smem:$0x3FAC] =	sst s4  }
0xd: {  	[smem:$0x3FAD] =	sst s5  }
0xe: {  	[smem:$0x3FAE] =	sst s6  }
0xf: {  	[smem:$0x3FAF] =	sst s7  }
0x10: {  	[smem:$0x3FB0] =	sst s8  }
0x11: {  	[smem:$0x3FB1] =	sst s9;
	s0 =	simm.s32 @!p0 $0x0  }
0x12: {  	s1 =	sld [smem:$0x3F97];
	s0 =	simm.s32 @p0 $0x1  }
0x13: {  	[smem:$0x3FB2] =	sst s0;
	s0 =	simm.s32 @!p1 $0x0  }
0x14: {  	s2 =	sld [smem:$0x3F96];
	s0 =	simm.s32 @p1 $0x1  }
0x15: {  	[smem:$0x3FB3] =	sst s0;
	s0 =	simm.s32 @!p2 $0x0  }
0x16: {  	s3 =	sld [smem:$0x3FDB];
	s0 =	simm.s32 @p2 $0x1  }
0x17: {  	s4 =	simm.s32 $0x1BF5;
	[smem:$0x3FB5] =	sst s0  }
0x18: {  	s0 =	sld [smem:$0x3F98];
	_ =	swait.ge [sflag:s4], $0x0  }
0x19: {  	s7 =	sld [smem:$0x3F99]  }
0x1a: {  	s8 =	sadd.s32 $0xFFFFE003, lr  }
0x1b: {  	s9 =	sadd.s32 $0xFFFFFEF7, lr;
	s5 =	simm.s32 $0xFFFFFFFF;
	p2 =	slt.u32 s8, $0xFFFFF086  }
0x1c: {  	p1 =	slt.u32 s9, $0xF7A;
	s5 =	simm.s32 @!p2 $0x0  }
0x1d: {  	s5 =	simm.s32 @p1 $0x1;
	p0 =	seq.s32 s7, s2  }
0x1e: {  	s7 =	smul.u32 @!p0 $0xF7A, s2;
	p2 =	seq.s32 @!p0 s5, $0x0  }
0x1f: {  	s9 =	smul.u32 $0xF7A, s1;
	s8 =	simm.s32 @!p0 $0x1BF5;
	p2 =	por !p2, p0  }
0x20: {  	[sflag:s8] =	ssyncset.s32 @!p0 $0xFFFFF086;
	s6 =	sadd.s32 @!p0 s3, s7;
	s7 =	simm.s32 @!p0 $0x108  }
0x21: {  	s3 =	sadd.s32 s3, s9;
	s6 =	sadd.s32 @!p0 $0x88, s6;
	s7 =	simm.s32 @p2 $0x1082  }
0x22: {  	[simem:s7], [sflag:s8] =	dma.local @!p0 [hbm:s6], $0xF7A  }
0x23: {  	s9 =	sor.u32 $0xD0000000, s2;
	s6 =	simm.s32 $0x108;
	_ =	swait.ge @!p0 [sflag:s8], $0x0  }
0x24: {  	s3 =	sadd.s32 $0x88, s3;
	s6 =	simm.s32 @!p1 $0x1082;
	[sflag:s4] =	ssyncset.s32 $0xFFFFF086  }
0x25: {  	[simem:s6], [sflag:s4] =	dma.local [hbm:s3], $0xF7A  }
0x26: {  	[smem:$0x3F99] =	sst s1;
	(tag) =	ssettag s2;
	_ =	strace s9  }
0x27: {  	s1 =	sld [smem:$0x3FA9]  }
0x28: {  	s2 =	sld [smem:$0x3FAA]  }
0x29: {  	s4 =	sld [smem:$0x3FAC]  }
0x2a: {  	p0 =	seq.s32 s5, $0x0;
	s5 =	sld [smem:$0x3FAD]  }
0x2b: {  	s6 =	sld [smem:$0x3FAE]  }
0x2c: {  	s7 =	sld [smem:$0x3FAF]  }
0x2d: {  	s3 =	simm.s32 $0x108;
	s8 =	sld [smem:$0x3FB0]  }
0x2e: {  	s3 =	simm.s32 @!p0 $0x1082;
	s9 =	sld [smem:$0x3FB1]  }
0x2f: {  	lr =	sadd.s32 s0, s3;
	s0 =	sld [smem:$0x3FA8]  }
0x30: {  	s3 =	sld [smem:$0x3FAB]  }
0x31: {  	[smem:$0x3FB4] =	sst s10  }
0x32: {  	s10 =	sld [smem:$0x3FB2];
	_ =	sdelay $0x3  }
0x33: {  	p0 =	seq.s32 s10, $0x1;
	s10 =	sld [smem:$0x3FB4];
	_ =	sdelay $0x3  }
0x34: {  	[smem:$0x3FB4] =	sst s10  }
0x35: {  	s10 =	sld [smem:$0x3FB3];
	_ =	sdelay $0x3  }
0x36: {  	p1 =	seq.s32 s10, $0x1;
	s10 =	sld [smem:$0x3FB4];
	_ =	sdelay $0x3  }
0x37: {  	[smem:$0x3FB4] =	sst s10  }
0x38: {  	s10 =	sld [smem:$0x3FB5]  }
0x39: {  	_ = 	snop;
	(pc) =	sbr.ind lr, $3  }
0x3a: {  	_ = 	snop  }
0x3b: {  	_ = 	snop  }
0x3c: {  	p2 =	seq.s32 s10, $0x1;
	s10 =	sld [smem:$0x3FB4]  }
0x3d: {  	_ =	shalt  }
0x3e: {  	_ =	shalt  }
0x3f: {  	_ =	shalt  }
0x40: {  	_ =	shalt  }
0x41: {  	_ =	shalt  }
0x42: {  	_ =	shalt  }
0x43: {  	_ =	shalt  }
0x44: {  	_ =	shalt  }
0x45: {  	_ =	shalt  }
0x46: {  	_ =	shalt  }
0x47: {  	_ =	shalt  }
0x48: {  	_ =	shalt  }
0x49: {  	_ =	shalt  }
0x4a: {  	_ =	shalt  }
0x4b: {  	_ =	shalt  }
0x4c: {  	_ =	shalt  }
0x4d: {  	_ =	shalt  }
0x4e: {  	_ =	shalt  }
0x4f: {  	_ =	shalt  }
0x50: {  	_ =	shalt  }
0x51: {  	_ =	shalt  }
0x52: {  	_ =	shalt  }
0x53: {  	_ =	shalt  }
0x54: {  	_ =	shalt  }
0x55: {  	_ =	shalt  }
0x56: {  	_ =	shalt  }
0x57: {  	_ =	shalt  }
0x58: {  	_ =	shalt  }
0x59: {  	_ =	shalt  }
0x5a: {  	_ =	shalt  }
0x5b: {  	_ =	shalt  }
0x5c: {  	_ =	shalt  }
0x5d: {  	_ =	shalt  }
0x5e: {  	_ =	shalt  }
0x5f: {  	_ =	shalt  }
0x60: {  	_ =	shalt  }
0x61: {  	_ =	shalt  }
0x62: {  	_ =	shalt  }
0x63: {  	_ =	shalt  }
0x64: {  	_ =	shalt  }
0x65: {  	_ =	shalt  }
0x66: {  	_ =	shalt  }
0x67: {  	_ =	shalt  }
0x68: {  	_ =	shalt  }
0x69: {  	_ =	shalt  }
0x6a: {  	_ =	shalt  }
0x6b: {  	_ =	shalt  }
0x6c: {  	_ =	shalt  }
0x6d: {  	_ =	shalt  }
0x6e: {  	_ =	shalt  }
0x6f: {  	_ =	shalt  }
0x70: {  	_ =	shalt  }
0x71: {  	_ =	shalt  }
0x72: {  	_ =	shalt  }
0x73: {  	_ =	shalt  }
0x74: {  	_ =	shalt  }
0x75: {  	_ =	shalt  }
0x76: {  	_ =	shalt  }
0x77: {  	_ =	shalt  }
0x78: {  	_ =	shalt  }
0x79: {  	_ =	shalt  }
0x7a: {  	_ =	shalt  }
0x7b: {  	_ =	shalt  }
0x7c: {  	_ =	shalt  }
0x7d: {  	_ =	shalt  }
0x7e: {  	_ =	shalt  }
0x7f: {  	_ =	shalt  }
0x80: {  	_ =	shalt  }
0x81: {  	_ =	shalt  }
0x82: {  	_ =	shalt  }
0x83: {  	_ =	shalt  }
0x84: {  	_ =	shalt  }
0x85: {  	_ =	shalt  }
0x86: {  	_ =	shalt  }
0x87: {  	_ =	shalt  }
.Lfunc_end0:
.L_simem_size_0:
called_computation.1_lowered:
.L_overlay_start_0:
0x88: {  	s2 =	sld [smem:$0x3FD9]  }
0x89: {  	s3 =	sld [smem:$0x3FFE];
	_ =	sdelay $0x1  }
0x8a: {  	s1 =	srdreg.scid  }
0x8b: {  	s0 =	sand.u32 $0x1, s1  }
0x8c: {  	s17 =	sshll.u32 s0, $0xA;
	s2 =	sadd.s32 s3, s2  }
0x8d: {  	s2 =	sadd.s32 s2, s17  }
0x8e: {  	[smem:$0x3FC0] =	sst s2  }
0x8f: {  	_ = 	snop  }
0x90: {  	s2 =	sld [smem:$0x3FD0];
	(tm) =	ssettm $0x1  }
0x91: {  	s18 =	sld [smem:$0x3FFB];
	_ =	sdelay $0x3  }
0x92: {  	_ =	strace s18  }
0x93: {  	s3 =	sld [smem:$0x3FFC];
	_ =	sdelay $0x3  }
0x94: {  	_ =	strace s3  }
0x95: {  	s3 =	sld [smem:$0x3FFD];
	_ =	sdelay $0x3  }
0x96: {  	_ =	strace s3  }
0x97: {  	_ =	strace $0x8FFFFFFF  }
0x98: {  	s19 =	sld [smem:$0x3FDB];
	_ =	sdelay $0x1  }
0x99: {  	s4 =	simm.s32 $_scs_section_size  }
0x9a: {  	s5 =	simm.s32 $_size__tile_overlayer_lowered;
	s6 =	simm.s32 $_tile_overlayer_lowered  }
0x9b: {  	s22 =	simm.s32 $0x1BFF;
	s21 =	sshll.u32 s6, $0x1;
	s3 =	sadd.s32 s4, s19  }
0x9c: {  	s7 =	simm.s32 $0x0;
	s20 =	sshll.u32 s5, $0x1;
	s5 =	sadd.s32 s21, s3  }
0x9d: {  	[timem:s7], [sflag:s22] =	dma.local [hbm:s5], s20  }
0x9e: {  	_ =	swait.ge [sflag:s22], s20  }
0x9f: {  	s4 =	ssub.s32 $0x0, s20;
	[sflag:s22] =	ssyncset.done $0x0  }
0xa0: {  	[sflag:s22] =	ssyncadd.s32 s4;
	_ =	sdelay $0x1  }
0xa1: {  	s23 =	simm.s32 $0x1B8B  }
0xa2: {  	_ =	swait.ge [sflag:s23], $0x1  }
0xa3: {  	[sflag:s23] =	ssyncset.done $0x0  }
0xa4: {  	s25 =	simm.s32 $0x1B8E;
	s24 =	sld [smem:$0x3FFE];
	[sflag:s23] =	ssyncadd.s32 $0xFFFFFFFF  }
0xa5: {  	s26 =	simm.s32 $execute0_lowered;
	[smem:$0x3FD2] =	sst s25  }
0xa6: {  	s5 =	sshll.u32 s26, $0x1;
	_ =	strace $0x80000046;
	[dreg:$0x1] =	wrdreg $0xFFFFFFFF  }
0xa7: {  	s28 =	simm.s32 $_size_execute0_lowered;
	s3 =	sadd.s32 s3, s5;
	[dreg:$0x0] =	wrdreg $0x0  }
0xa8: {  	s5 =	sshll.u32 s28, $0x1;
	[dreg:$0x2] =	wrdreg s3  }
0xa9: {  	[dreg:$0x3] =	wrdreg s5  }
0xaa: {  	[dreg:$0x4] =	wrdreg $0xC0  }
0xab: {  	_ =	task [dreg:s7], $0x5FFFF  }
0xac: {  	[dreg:$0x1] =	wrdreg $0xFFFFFFFF  }
0xad: {  	[dreg:$0x0] =	wrdreg $0x60  }
0xae: {  	[dreg:$0x2] =	wrdreg s24  }
0xaf: {  	[dreg:$0x3] =	wrdreg s2  }
0xb0: {  	[dreg:$0x4] =	wrdreg $0xFF80  }
0xb1: {  	[dreg:$0x5] =	wrdreg $0x9  }
0xb2: {  	_ =	task.clear_ibuf [dreg:s7], $0x6FFFF;
	_ =	strace $0x90000046  }
0xb3: {  	s29 =	simm.s32 $0x9;
	_ =	strace $0x80000048  }
0xb4: {  	_ =	swait.ge [sflag:s29], $0x1  }
0xb5: {  	[sflag:s29] =	ssyncadd.s32 $0xFFFFFFFF  }
0xb6: {  	_ =	strace $0x90000048  }
0xb7: {  	_ =	sfence  }
0xb8: {  	s30 =	sld [smem:$0x0];
	_ =	sdelay $0x2  }
0xb9: {  	s31 =	sshll.u32 s1, $0xD;
	s1 =	sshrl.u32 s1, $0x2  }
0xba: {  	s3 =	sand.u32 $0x4000, s31;
	s1 =	sadd.s32 s1, s30  }
0xbb: {  	s0 =	sor.u32 s3, s0;
	s1 =	sshll.u32 s1, $0x11  }
0xbc: {  	s0 =	sor.u32 s1, s0  }
0xbd: {  	s0 =	sadd.s32 $0x8F2B, s0  }
0xbe: {  	[sflag:s0] =	ssyncadd.remote.s32 $0x1  }
0xbf: {  	_ =	sfence.sel $0xFFFF  }
0xc0: {  	[dreg:$0x0] =	wrdreg $0xFFFFFFFF;
	(pc) =	sbr.abs _section_cstart, $3  }
0xc1: {  	[dreg:$0x1] =	wrdreg $0xFFFFFFFF  }
0xc2: {  	_ =	task.clear_ibuf [dreg:s7], $0x2FFFF;
	_ =	strace $0x9FFFFFFF  }
0xc3: {  	(tm) =	ssettm $0x7FFFFFFF  }
tec
execute0_lowered:
.L_overlay_start_1:
0x0: {  	(tag) =	ssettag $0x1  }
0x1: {  	s1 =	srdreg.scid;
	s0 =	stileid.u32  }
0x2: {  	s3 =	sand.u32 $0x1, s1;
	s21 =	sshll.u32 s0, $0x1  }
0x3: {  	s29 =	rddreg [dreg:$0x0];
	s5 =	sor.u32 s3, s21  }
0x4: {  	s4 =	rddreg [dreg:$0x1];
	s6 =	smul.u32 $0x1FF, s5  }
0x5: {  	s2 =	rddreg [dreg:$0x2];
	s1 =	simm.s32 $0x0;
	s7 =	smul.u32 $0x3FE00, s5  }
0x6: {  	[smem:$0x7FF] =	sst s1;
	s5 =	smul.u32 $0x7FC0, s5  }
0x7: {  	s11 =	rddreg [dreg:$0x3];
	_ =	strace $0x80000047  }
0x8: {  	s6 =	sadd.s32 s6, s29;
	s7 =	sshrl.u32 s7, $0x3;
	s5 =	sadd.s32 s4, s5  }
0x9: {  	s6 =	sadd.s32 $0x1000, s6;
	s4 =	sadd.s32 s4, s7;
	[dreg:$0x5] =	wrdreg s5  }
0xa: {  	[dreg:$0x4] =	wrdreg s6;
	s22 =	sadd.s32 $0x400, s4  }
0xb: {  	s23 =	sadd.s32 $0x800, s4;
	[dreg:$0x6] =	wrdreg s22  }
0xc: {  	s24 =	sadd.s32 $0xC00, s4;
	[dreg:$0x7] =	wrdreg s23  }
0xd: {  	s25 =	sadd.s32 $0x1000, s4;
	[dreg:$0x8] =	wrdreg s24  }
0xe: {  	s26 =	sadd.s32 $0x1400, s4;
	[dreg:$0x9] =	wrdreg s25  }
0xf: {  	s31 =	sadd.s32 $0x1800, s4;
	[dreg:$0xa] =	wrdreg s26  }
0x10: {  	s6 =	sadd.s32 $0x1C00, s4;
	[dreg:$0xb] =	wrdreg s31  }
0x11: {  	s7 =	sadd.s32 $0x2000, s4;
	[dreg:$0xc] =	wrdreg s6  }
0x12: {  	s8 =	sadd.s32 $0x2400, s4;
	[dreg:$0xd] =	wrdreg s7  }
0x13: {  	s9 =	sadd.s32 $0x2800, s4;
	[dreg:$0xe] =	wrdreg s8  }
0x14: {  	s10 =	sadd.s32 $0x2C00, s4;
	[dreg:$0xf] =	wrdreg s9  }
0x15: {  	s12 =	sadd.s32 $0x3000, s4;
	[dreg:$0x10] =	wrdreg s10  }
0x16: {  	s13 =	sadd.s32 $0x3400, s4;
	[dreg:$0x11] =	wrdreg s12  }
0x17: {  	s14 =	sadd.s32 $0x3800, s4;
	[dreg:$0x12] =	wrdreg s13  }
0x18: {  	s15 =	sadd.s32 $0x3C00, s4;
	[dreg:$0x13] =	wrdreg s14  }
0x19: {  	s16 =	sadd.s32 $0x4000, s4;
	[dreg:$0x14] =	wrdreg s15  }
0x1a: {  	s17 =	sadd.s32 $0x4400, s4;
	[dreg:$0x15] =	wrdreg s16  }
0x1b: {  	s18 =	sadd.s32 $0x4800, s4;
	[dreg:$0x16] =	wrdreg s17  }
0x1c: {  	s19 =	sadd.s32 $0x4C00, s4;
	[dreg:$0x17] =	wrdreg s18  }
0x1d: {  	s20 =	sadd.s32 $0x5000, s4;
	[dreg:$0x18] =	wrdreg s19  }
0x1e: {  	s21 =	sadd.s32 $0x5400, s4;
	[dreg:$0x19] =	wrdreg s20  }
0x1f: {  	[dreg:$0x1a] =	wrdreg s21;
	s22 =	sadd.s32 $0x5800, s4  }
0x20: {  	s23 =	sadd.s32 $0x5C00, s4;
	[dreg:$0x1b] =	wrdreg s22  }
0x21: {  	s24 =	sadd.s32 $0x6000, s4;
	[dreg:$0x1c] =	wrdreg s23  }
0x22: {  	s25 =	sadd.s32 $0x6400, s4;
	[dreg:$0x1d] =	wrdreg s24  }
0x23: {  	s26 =	sadd.s32 $0x6800, s4;
	[dreg:$0x1e] =	wrdreg s25  }
0x24: {  	s31 =	sadd.s32 $0x6C00, s4;
	[dreg:$0x1f] =	wrdreg s26  }
0x25: {  	s6 =	sadd.s32 $0x7000, s4;
	[smem:$0x7E9] =	sst s31  }
0x26: {  	s7 =	sadd.s32 $0x7400, s4;
	[smem:$0x7EA] =	sst s6  }
0x27: {  	s8 =	sadd.s32 $0x7800, s4;
	[smem:$0x7EB] =	sst s7  }
0x28: {  	p1 =	por $0x0, $0x0;
	s4 =	sadd.s32 $0x7C00, s4;
	[smem:$0x7EC] =	sst s8  }
0x29: {  	p0 =	sne.s32 s0, $0x0;
	s9 =	simm.s32 $0x100;
	[smem:$0x7ED] =	sst s4  }
0x2a: {  	s3 =	ssub.s32 $0x2, s3;
	s10 =	simm.s32 $0x180;
	[smem:$0x7EE] =	sst s9  }
0x2b: {  	s0 =	sshrl.u32 @!p0 s2, $0x3;
	s12 =	simm.s32 $0x200;
	[smem:$0x7EF] =	sst s10  }
0x2c: {  	s28 =	simm.s32 @!p0 $0x3;
	s13 =	simm.s32 $0x280;
	[smem:$0x7F0] =	sst s12  }
0x2d: {  	s5 =	simm.s32 $0x77F8;
	s15 =	simm.s32 $0x300;
	[smem:$0x7F1] =	sst s13  }
0x2e: {  	s14 =	sshrl.u32 s3, $0x1;
	s16 =	simm.s32 $0x380;
	[smem:$0x7F2] =	sst s15  }
0x2f: {  	s17 =	simm.s32 $0x400;
	s18 =	simm.s32 $0x480;
	[smem:$0x7F3] =	sst s16  }
0x30: {  	s19 =	simm.s32 $0x500;
	s20 =	simm.s32 $0x580;
	[smem:$0x7F4] =	sst s17  }
0x31: {  	s21 =	simm.s32 $0x600;
	s3 =	ssub.s32 s3, s14;
	[smem:$0x7F5] =	sst s18  }
0x32: {  	s26 =	simm.s32 $0x3;
	s7 =	simm.s32 $0x80;
	[smem:$0x7F6] =	sst s19  }
0x33: {  	s9 =	simm.s32 $0x17F8;
	[smem:$0x7F7] =	sst s20;
	s8 =	simm.s32 $0x37F8  }
0x34: {  	[smem:$0x7F8] =	sst s21;
	s22 =	simm.s32 $0x680;
	s4 =	simm.s32 $0x1  }
0x35: {  	s23 =	simm.s32 $0x700;
	s6 =	simm.s32 $0x57F8;
	s24 =	simm.s32 $0x780  }
0x36: {  	s25 =	simm.s32 $0x800;
	s31 =	simm.s32 $0x880;
	s21 =	simm.s32 $0xB00  }
0x37: {  	s20 =	simm.s32 $0xB80;
	s19 =	simm.s32 $0xC00;
	s10 =	smax.u32 s3, $0x1  }
0x38: {  	s18 =	simm.s32 $0xC80;
	s17 =	simm.s32 $0xD00;
	s30 =	sadd.s32 $0xFFFFFFFF, s10  }
0x39: {  	s16 =	simm.s32 $0xD80;
	[smem:$0x7F9] =	sst s22;
	p2 =	sne.s32 s30, $0x0  }
.Ltmp0:
0x3a: {  	s15 =	simm.s32 $0xE00;
	[smem:$0x7FA] =	sst s23;
	(pc) =	sbr.rel @!p2 .LBB2_1-.Ltmp0, $4  }
0x3b: {  	s14 =	simm.s32 $0xE80;
	s13 =	simm.s32 $0xF00;
	[smem:$0x7FB] =	sst s24  }
0x3c: {  	s12 =	simm.s32 $0xF80;
	s3 =	simm.s32 $0x2;
	[smem:$0x7FC] =	sst s25  }
0x3d: {  	[smem:$0x7FD] =	sst s31;
	s25 =	simm.s32 $0x900;
	s24 =	simm.s32 $0x980  }
0x3e: {  	s23 =	simm.s32 $0xA00;
	s22 =	simm.s32 $0xA80;
	s10 =	simm.s32 $0x78  }
0x3f: {  	s11 =	simm.s32 @!p0 $0x1C03  }
0x40: {  	[spmem:s0], [sflag:s11] =	dma.local @!p0 [hbm:s29], $0x1000  }
0x41: {  	_ =	swait.ge @!p0 [sflag:s28], $0x1000  }
0x42: {  	[sflag:s28] =	ssyncset.done @!p0 $0x0  }
0x43: {  	s31 =	rddreg [dreg:$0x4];
	[sflag:s28] =	ssyncadd.s32 @!p0 $0xFFFFF000  }
0x44: {  	[tilespmem:s1], [sflag:$0x3] =	stream.linear.gather [hbm4b:s31+s1], $0xFF8, $0x38;
	[tilespmem:$0x97F8] =	vst v63  }
0x45: {  	_ =	swait.ge [sflag:s26], $0xFF8  }
0x46: {  	[sflag:s26] =	ssyncset.done $0x0  }
0x47: {  	[sflag:s26] =	ssyncadd.s32 $0xFFFFF008  }
0x48: {  	[bflag:$0x0] =	sbarrier.arrive $0xFFFF  }
0x49: {  	[tilespmem:s9], [sflag:$0x1] =	stream.indirect.gather [spmem:s2], $0x40, s1, s7, $0xb8;
	[tilespmem:$0x97F8] =	vst v63  }
0x4a: {  	_ = 	snop  }
0x4b: {  	[tilespmem:s8], [sflag:$0x1] =	stream.indirect.gather [spmem:s2], $0x40, s7, s7, $0xb8;
	[tilespmem:$0x97F8] =	vst v63  }
0x4c: {  	_ =	swait.ge [sflag:s4], $0x2000  }
0x4d: {  	s31 =	rddreg [dreg:$0x5];
	[sflag:s4] =	ssyncset.done $0x0  }
0x4e: {  	s11 =	sld [smem:$0x7EE];
	[sflag:s4] =	ssyncadd.s32 $0xFFFFE000  }
0x4f: {  	[hbm4b:s31+s1] =	stream.linear.scatter [tilespmem:s9], [sflag:$0x2], $0x2000, $0x38;
	[tilespmem:$0x97F8] =	vst v63  }
0x50: {  	_ = 	snop  }
0x51: {  	[tilespmem:s6], [sflag:$0x1] =	stream.indirect.gather [spmem:s2], $0x40, s11, s7, $0xb8;
	[tilespmem:$0x97F8] =	vst v63  }
0x52: {  	_ =	swait.ge [sflag:s4], $0x2000  }
0x53: {  	s11 =	rddreg [dreg:$0x6];
	[sflag:s4] =	ssyncset.done $0x0  }
0x54: {  	s31 =	sld [smem:$0x7EF];
	[sflag:s4] =	ssyncadd.s32 $0xFFFFE000  }
0x55: {  	[hbm4b:s11+s1] =	stream.linear.scatter [tilespmem:s8], [sflag:$0x2], $0x2000, $0x38;
	[tilespmem:$0x97F8] =	vst v63  }
0x56: {  	_ = 	snop  }
0x57: {  	[tilespmem:s5], [sflag:$0x1] =	stream.indirect.gather [spmem:s2], $0x40, s31, s7, $0xb8;
	[tilespmem:$0x97F8] =	vst v63  }
0x58: {  	_ =	swait.ge [sflag:s4], $0x2000  }
0x59: {  	[sflag:s4] =	ssyncset.done $0x0  }
0x5a: {  	s11 =	rddreg [dreg:$0x7];
	[sflag:s4] =	ssyncadd.s32 $0xFFFFE000  }
0x5b: {  	[hbm4b:s11+s1] =	stream.linear.scatter [tilespmem:s6], [sflag:$0x2], $0x2000, $0x38;
	[tilespmem:$0x97F8] =	vst v63  }
0x5c: {  	_ =	swait.ge [sflag:s3], $0x2000  }
0x5d: {  	s11 =	sld [smem:$0x7F0]  }
0x5e: {  	[sflag:s3] =	ssyncset.done $0x0  }
0x5f: {  	[sflag:s3] =	ssyncadd.s32 $0xFFFFE000  }
0x60: {  	[tilespmem:s9], [sflag:$0x1] =	stream.indirect.gather [spmem:s2], $0x40, s11, s7, $0xb8;
	[tilespmem:$0x97F8] =	vst v63  }
0x61: {  	_ =	swait.ge [sflag:s4], $0x2000  }
0x62: {  	[sflag:s4] =	ssyncset.done $0x0  }
0x63: {  	s11 =	rddreg [dreg:$0x8];
	[sflag:s4] =	ssyncadd.s32 $0xFFFFE000  }
0x64: {  	[hbm4b:s11+s1] =	stream.linear.scatter [tilespmem:s5], [sflag:$0x2], $0x2000, $0x38;
	[tilespmem:$0x97F8] =	vst v63  }
0x65: {  	_ =	swait.ge [sflag:s3], $0x2000  }
0x66: {  	s11 =	sld [smem:$0x7F1]  }
0x67: {  	[sflag:s3] =	ssyncset.done $0x0  }
0x68: {  	[sflag:s3] =	ssyncadd.s32 $0xFFFFE000  }
0x69: {  	[tilespmem:s8], [sflag:$0x1] =	stream.indirect.gather [spmem:s2], $0x40, s11, s7, $0xb8;
	[tilespmem:$0x97F8] =	vst v63  }
0x6a: {  	_ =	swait.ge [sflag:s4], $0x2000  }
0x6b: {  	[sflag:s4] =	ssyncset.done $0x0  }
0x6c: {  	s11 =	rddreg [dreg:$0x9];
	[sflag:s4] =	ssyncadd.s32 $0xFFFFE000  }
0x6d: {  	[hbm4b:s11+s1] =	stream.linear.scatter [tilespmem:s9], [sflag:$0x2], $0x2000, $0x38;
	[tilespmem:$0x97F8] =	vst v63  }
0x6e: {  	_ =	swait.ge [sflag:s3], $0x2000  }
0x6f: {  	s11 =	sld [smem:$0x7F2]  }
0x70: {  	[sflag:s3] =	ssyncset.done $0x0  }
0x71: {  	[sflag:s3] =	ssyncadd.s32 $0xFFFFE000  }
0x72: {  	[tilespmem:s6], [sflag:$0x1] =	stream.indirect.gather [spmem:s2], $0x40, s11, s7, $0xb8;
	[tilespmem:$0x97F8] =	vst v63  }
0x73: {  	_ =	swait.ge [sflag:s4], $0x2000  }
0x74: {  	[sflag:s4] =	ssyncset.done $0x0  }
0x75: {  	s11 =	rddreg [dreg:$0xa];
	[sflag:s4] =	ssyncadd.s32 $0xFFFFE000  }
0x76: {  	[hbm4b:s11+s1] =	stream.linear.scatter [tilespmem:s8], [sflag:$0x2], $0x2000, $0x38;
	[tilespmem:$0x97F8] =	vst v63  }
0x77: {  	_ =	swait.ge [sflag:s3], $0x2000  }
0x78: {  	s11 =	sld [smem:$0x7F3]  }
0x79: {  	[sflag:s3] =	ssyncset.done $0x0  }
0x7a: {  	[sflag:s3] =	ssyncadd.s32 $0xFFFFE000  }
0x7b: {  	[tilespmem:s5], [sflag:$0x1] =	stream.indirect.gather [spmem:s2], $0x40, s11, s7, $0xb8;
	[tilespmem:$0x97F8] =	vst v63  }
0x7c: {  	_ =	swait.ge [sflag:s4], $0x2000  }
0x7d: {  	[sflag:s4] =	ssyncset.done $0x0  }
0x7e: {  	s11 =	rddreg [dreg:$0xb];
	[sflag:s4] =	ssyncadd.s32 $0xFFFFE000  }
0x7f: {  	[hbm4b:s11+s1] =	stream.linear.scatter [tilespmem:s6], [sflag:$0x2], $0x2000, $0x38;
	[tilespmem:$0x97F8] =	vst v63  }
0x80: {  	_ =	swait.ge [sflag:s3], $0x2000  }
0x81: {  	s11 =	sld [smem:$0x7F4]  }
0x82: {  	[sflag:s3] =	ssyncset.done $0x0  }
0x83: {  	[sflag:s3] =	ssyncadd.s32 $0xFFFFE000  }
0x84: {  	[tilespmem:s9], [sflag:$0x1] =	stream.indirect.gather [spmem:s2], $0x40, s11, s7, $0xb8;
	[tilespmem:$0x97F8] =	vst v63  }
0x85: {  	_ =	swait.ge [sflag:s4], $0x2000  }
0x86: {  	[sflag:s4] =	ssyncset.done $0x0  }
0x87: {  	s11 =	rddreg [dreg:$0xc];
	[sflag:s4] =	ssyncadd.s32 $0xFFFFE000  }
0x88: {  	[hbm4b:s11+s1] =	stream.linear.scatter [tilespmem:s5], [sflag:$0x2], $0x2000, $0x38;
	[tilespmem:$0x97F8] =	vst v63  }
0x89: {  	_ =	swait.ge [sflag:s3], $0x2000  }
0x8a: {  	s11 =	sld [smem:$0x7F5]  }
0x8b: {  	[sflag:s3] =	ssyncset.done $0x0  }
0x8c: {  	[sflag:s3] =	ssyncadd.s32 $0xFFFFE000  }
0x8d: {  	[tilespmem:s8], [sflag:$0x1] =	stream.indirect.gather [spmem:s2], $0x40, s11, s7, $0xb8;
	[tilespmem:$0x97F8] =	vst v63  }
0x8e: {  	_ =	swait.ge [sflag:s4], $0x2000  }
0x8f: {  	[sflag:s4] =	ssyncset.done $0x0  }
0x90: {  	s11 =	rddreg [dreg:$0xd];
	[sflag:s4] =	ssyncadd.s32 $0xFFFFE000  }
0x91: {  	[hbm4b:s11+s1] =	stream.linear.scatter [tilespmem:s9], [sflag:$0x2], $0x2000, $0x38;
	[tilespmem:$0x97F8] =	vst v63  }
0x92: {  	_ =	swait.ge [sflag:s3], $0x2000  }
0x93: {  	s11 =	sld [smem:$0x7F6]  }
0x94: {  	[sflag:s3] =	ssyncset.done $0x0  }
0x95: {  	[sflag:s3] =	ssyncadd.s32 $0xFFFFE000  }
0x96: {  	[tilespmem:s6], [sflag:$0x1] =	stream.indirect.gather [spmem:s2], $0x40, s11, s7, $0xb8;
	[tilespmem:$0x97F8] =	vst v63  }
0x97: {  	_ =	swait.ge [sflag:s4], $0x2000  }
0x98: {  	[sflag:s4] =	ssyncset.done $0x0  }
0x99: {  	s11 =	rddreg [dreg:$0xe];
	[sflag:s4] =	ssyncadd.s32 $0xFFFFE000  }
0x9a: {  	[hbm4b:s11+s1] =	stream.linear.scatter [tilespmem:s8], [sflag:$0x2], $0x2000, $0x38;
	[tilespmem:$0x97F8] =	vst v63  }
0x9b: {  	_ =	swait.ge [sflag:s3], $0x2000  }
0x9c: {  	s11 =	sld [smem:$0x7F7]  }
0x9d: {  	[sflag:s3] =	ssyncset.done $0x0  }
0x9e: {  	[sflag:s3] =	ssyncadd.s32 $0xFFFFE000  }
0x9f: {  	[tilespmem:s5], [sflag:$0x1] =	stream.indirect.gather [spmem:s2], $0x40, s11, s7, $0xb8;
	[tilespmem:$0x97F8] =	vst v63  }
0xa0: {  	_ =	swait.ge [sflag:s4], $0x2000  }
0xa1: {  	[sflag:s4] =	ssyncset.done $0x0  }
0xa2: {  	s11 =	rddreg [dreg:$0xf];
	[sflag:s4] =	ssyncadd.s32 $0xFFFFE000  }
0xa3: {  	[hbm4b:s11+s1] =	stream.linear.scatter [tilespmem:s6], [sflag:$0x2], $0x2000, $0x38;
	[tilespmem:$0x97F8] =	vst v63  }
0xa4: {  	_ =	swait.ge [sflag:s3], $0x2000  }
0xa5: {  	s11 =	sld [smem:$0x7F8]  }
0xa6: {  	[sflag:s3] =	ssyncset.done $0x0  }
0xa7: {  	[sflag:s3] =	ssyncadd.s32 $0xFFFFE000  }
0xa8: {  	[tilespmem:s9], [sflag:$0x1] =	stream.indirect.gather [spmem:s2], $0x40, s11, s7, $0xb8;
	[tilespmem:$0x97F8] =	vst v63  }
0xa9: {  	_ =	swait.ge [sflag:s4], $0x2000  }
0xaa: {  	[sflag:s4] =	ssyncset.done $0x0  }
0xab: {  	s11 =	rddreg [dreg:$0x10];
	[sflag:s4] =	ssyncadd.s32 $0xFFFFE000  }
0xac: {  	[hbm4b:s11+s1] =	stream.linear.scatter [tilespmem:s5], [sflag:$0x2], $0x2000, $0x38;
	[tilespmem:$0x97F8] =	vst v63  }
0xad: {  	_ =	swait.ge [sflag:s3], $0x2000  }
0xae: {  	s11 =	sld [smem:$0x7F9]  }
0xaf: {  	[sflag:s3] =	ssyncset.done $0x0  }
0xb0: {  	[sflag:s3] =	ssyncadd.s32 $0xFFFFE000  }
0xb1: {  	[tilespmem:s8], [sflag:$0x1] =	stream.indirect.gather [spmem:s2], $0x40, s11, s7, $0xb8;
	[tilespmem:$0x97F8] =	vst v63  }
0xb2: {  	_ =	swait.ge [sflag:s4], $0x2000  }
0xb3: {  	[sflag:s4] =	ssyncset.done $0x0  }
0xb4: {  	s11 =	rddreg [dreg:$0x11];
	[sflag:s4] =	ssyncadd.s32 $0xFFFFE000  }
0xb5: {  	[hbm4b:s11+s1] =	stream.linear.scatter [tilespmem:s9], [sflag:$0x2], $0x2000, $0x38;
	[tilespmem:$0x97F8] =	vst v63  }
0xb6: {  	_ =	swait.ge [sflag:s3], $0x2000  }
0xb7: {  	s11 =	sld [smem:$0x7FA]  }
0xb8: {  	[sflag:s3] =	ssyncset.done $0x0  }
0xb9: {  	[sflag:s3] =	ssyncadd.s32 $0xFFFFE000  }
0xba: {  	[tilespmem:s6], [sflag:$0x1] =	stream.indirect.gather [spmem:s2], $0x40, s11, s7, $0xb8;
	[tilespmem:$0x97F8] =	vst v63  }
0xbb: {  	_ =	swait.ge [sflag:s4], $0x2000  }
0xbc: {  	[sflag:s4] =	ssyncset.done $0x0  }
0xbd: {  	s11 =	rddreg [dreg:$0x12];
	[sflag:s4] =	ssyncadd.s32 $0xFFFFE000  }
0xbe: {  	[hbm4b:s11+s1] =	stream.linear.scatter [tilespmem:s8], [sflag:$0x2], $0x2000, $0x38;
	[tilespmem:$0x97F8] =	vst v63  }
0xbf: {  	_ =	swait.ge [sflag:s3], $0x2000  }
0xc0: {  	s11 =	sld [smem:$0x7FB]  }
0xc1: {  	[sflag:s3] =	ssyncset.done $0x0  }
0xc2: {  	[sflag:s3] =	ssyncadd.s32 $0xFFFFE000  }
0xc3: {  	[tilespmem:s5], [sflag:$0x1] =	stream.indirect.gather [spmem:s2], $0x40, s11, s7, $0xb8;
	[tilespmem:$0x97F8] =	vst v63  }
0xc4: {  	_ =	swait.ge [sflag:s4], $0x2000  }
0xc5: {  	[sflag:s4] =	ssyncset.done $0x0  }
0xc6: {  	s11 =	rddreg [dreg:$0x13];
	[sflag:s4] =	ssyncadd.s32 $0xFFFFE000  }
0xc7: {  	[hbm4b:s11+s1] =	stream.linear.scatter [tilespmem:s6], [sflag:$0x2], $0x2000, $0x38;
	[tilespmem:$0x97F8] =	vst v63  }
0xc8: {  	_ =	swait.ge [sflag:s3], $0x2000  }
0xc9: {  	s11 =	sld [smem:$0x7FC]  }
0xca: {  	[sflag:s3] =	ssyncset.done $0x0  }
0xcb: {  	[sflag:s3] =	ssyncadd.s32 $0xFFFFE000  }
0xcc: {  	[tilespmem:s9], [sflag:$0x1] =	stream.indirect.gather [spmem:s2], $0x40, s11, s7, $0xb8;
	[tilespmem:$0x97F8] =	vst v63  }
0xcd: {  	_ =	swait.ge [sflag:s4], $0x2000  }
0xce: {  	[sflag:s4] =	ssyncset.done $0x0  }
0xcf: {  	s11 =	rddreg [dreg:$0x14];
	[sflag:s4] =	ssyncadd.s32 $0xFFFFE000  }
0xd0: {  	[hbm4b:s11+s1] =	stream.linear.scatter [tilespmem:s5], [sflag:$0x2], $0x2000, $0x38;
	[tilespmem:$0x97F8] =	vst v63  }
0xd1: {  	_ =	swait.ge [sflag:s3], $0x2000  }
0xd2: {  	s11 =	sld [smem:$0x7FD]  }
0xd3: {  	[sflag:s3] =	ssyncset.done $0x0  }
0xd4: {  	[sflag:s3] =	ssyncadd.s32 $0xFFFFE000  }
0xd5: {  	[tilespmem:s8], [sflag:$0x1] =	stream.indirect.gather [spmem:s2], $0x40, s11, s7, $0xb8;
	[tilespmem:$0x97F8] =	vst v63  }
0xd6: {  	_ =	swait.ge [sflag:s4], $0x2000  }
0xd7: {  	[sflag:s4] =	ssyncset.done $0x0  }
0xd8: {  	s11 =	rddreg [dreg:$0x15];
	[sflag:s4] =	ssyncadd.s32 $0xFFFFE000  }
0xd9: {  	[hbm4b:s11+s1] =	stream.linear.scatter [tilespmem:s9], [sflag:$0x2], $0x2000, $0x38;
	[tilespmem:$0x97F8] =	vst v63  }
0xda: {  	_ =	swait.ge [sflag:s3], $0x2000  }
0xdb: {  	[sflag:s3] =	ssyncset.done $0x0  }
0xdc: {  	[sflag:s3] =	ssyncadd.s32 $0xFFFFE000  }
0xdd: {  	[tilespmem:s6], [sflag:$0x1] =	stream.indirect.gather [spmem:s2], $0x40, s25, s7, $0xb8;
	[tilespmem:$0x97F8] =	vst v63  }
0xde: {  	_ =	swait.ge [sflag:s4], $0x2000  }
0xdf: {  	[sflag:s4] =	ssyncset.done $0x0  }
0xe0: {  	s11 =	rddreg [dreg:$0x16];
	[sflag:s4] =	ssyncadd.s32 $0xFFFFE000  }
0xe1: {  	[hbm4b:s11+s1] =	stream.linear.scatter [tilespmem:s8], [sflag:$0x2], $0x2000, $0x38;
	[tilespmem:$0x97F8] =	vst v63  }
0xe2: {  	_ =	swait.ge [sflag:s3], $0x2000  }
0xe3: {  	[sflag:s3] =	ssyncset.done $0x0  }
0xe4: {  	[sflag:s3] =	ssyncadd.s32 $0xFFFFE000  }
0xe5: {  	[tilespmem:s5], [sflag:$0x1] =	stream.indirect.gather [spmem:s2], $0x40, s24, s7, $0xb8;
	[tilespmem:$0x97F8] =	vst v63  }
0xe6: {  	_ =	swait.ge [sflag:s4], $0x2000  }
0xe7: {  	[sflag:s4] =	ssyncset.done $0x0  }
0xe8: {  	s25 =	rddreg [dreg:$0x17];
	[sflag:s4] =	ssyncadd.s32 $0xFFFFE000  }
0xe9: {  	[hbm4b:s25+s1] =	stream.linear.scatter [tilespmem:s6], [sflag:$0x2], $0x2000, $0x38;
	[tilespmem:$0x97F8] =	vst v63  }
0xea: {  	_ =	swait.ge [sflag:s3], $0x2000  }
0xeb: {  	[sflag:s3] =	ssyncset.done $0x0  }
0xec: {  	[sflag:s3] =	ssyncadd.s32 $0xFFFFE000  }
0xed: {  	[tilespmem:s9], [sflag:$0x1] =	stream.indirect.gather [spmem:s2], $0x40, s23, s7, $0xb8;
	[tilespmem:$0x97F8] =	vst v63  }
0xee: {  	_ =	swait.ge [sflag:s4], $0x2000  }
0xef: {  	[sflag:s4] =	ssyncset.done $0x0  }
0xf0: {  	s11 =	rddreg [dreg:$0x18];
	[sflag:s4] =	ssyncadd.s32 $0xFFFFE000  }
0xf1: {  	[hbm4b:s11+s1] =	stream.linear.scatter [tilespmem:s5], [sflag:$0x2], $0x2000, $0x38;
	[tilespmem:$0x97F8] =	vst v63  }
0xf2: {  	_ =	swait.ge [sflag:s3], $0x2000  }
0xf3: {  	[sflag:s3] =	ssyncset.done $0x0  }
0xf4: {  	[sflag:s3] =	ssyncadd.s32 $0xFFFFE000  }
0xf5: {  	[tilespmem:s8], [sflag:$0x1] =	stream.indirect.gather [spmem:s2], $0x40, s22, s7, $0xb8;
	[tilespmem:$0x97F8] =	vst v63  }
0xf6: {  	_ =	swait.ge [sflag:s4], $0x2000  }
0xf7: {  	[sflag:s4] =	ssyncset.done $0x0  }
0xf8: {  	s23 =	rddreg [dreg:$0x19];
	[sflag:s4] =	ssyncadd.s32 $0xFFFFE000  }
0xf9: {  	[hbm4b:s23+s1] =	stream.linear.scatter [tilespmem:s9], [sflag:$0x2], $0x2000, $0x38;
	[tilespmem:$0x97F8] =	vst v63  }
0xfa: {  	_ =	swait.ge [sflag:s3], $0x2000  }
0xfb: {  	[sflag:s3] =	ssyncset.done $0x0  }
0xfc: {  	[sflag:s3] =	ssyncadd.s32 $0xFFFFE000  }
0xfd: {  	[tilespmem:s6], [sflag:$0x1] =	stream.indirect.gather [spmem:s2], $0x40, s21, s7, $0xb8;
	[tilespmem:$0x97F8] =	vst v63  }
0xfe: {  	_ =	swait.ge [sflag:s4], $0x2000  }
0xff: {  	[sflag:s4] =	ssyncset.done $0x0  }
0x100: {  	s24 =	rddreg [dreg:$0x1a];
	[sflag:s4] =	ssyncadd.s32 $0xFFFFE000  }
0x101: {  	[hbm4b:s24+s1] =	stream.linear.scatter [tilespmem:s8], [sflag:$0x2], $0x2000, $0x38;
	[tilespmem:$0x97F8] =	vst v63  }
0x102: {  	_ =	swait.ge [sflag:s3], $0x2000  }
0x103: {  	[sflag:s3] =	ssyncset.done $0x0  }
0x104: {  	[sflag:s3] =	ssyncadd.s32 $0xFFFFE000  }
0x105: {  	[tilespmem:s5], [sflag:$0x1] =	stream.indirect.gather [spmem:s2], $0x40, s20, s7, $0xb8;
	[tilespmem:$0x97F8] =	vst v63  }
0x106: {  	_ =	swait.ge [sflag:s4], $0x2000  }
0x107: {  	[sflag:s4] =	ssyncset.done $0x0  }
0x108: {  	s25 =	rddreg [dreg:$0x1b];
	[sflag:s4] =	ssyncadd.s32 $0xFFFFE000  }
0x109: {  	[hbm4b:s25+s1] =	stream.linear.scatter [tilespmem:s6], [sflag:$0x2], $0x2000, $0x38;
	[tilespmem:$0x97F8] =	vst v63  }
0x10a: {  	_ =	swait.ge [sflag:s3], $0x2000  }
0x10b: {  	[sflag:s3] =	ssyncset.done $0x0  }
0x10c: {  	[sflag:s3] =	ssyncadd.s32 $0xFFFFE000  }
0x10d: {  	[tilespmem:s9], [sflag:$0x1] =	stream.indirect.gather [spmem:s2], $0x40, s19, s7, $0xb8;
	[tilespmem:$0x97F8] =	vst v63  }
0x10e: {  	_ =	swait.ge [sflag:s4], $0x2000  }
0x10f: {  	[sflag:s4] =	ssyncset.done $0x0  }
0x110: {  	s11 =	rddreg [dreg:$0x1c];
	[sflag:s4] =	ssyncadd.s32 $0xFFFFE000  }
0x111: {  	[hbm4b:s11+s1] =	stream.linear.scatter [tilespmem:s5], [sflag:$0x2], $0x2000, $0x38;
	[tilespmem:$0x97F8] =	vst v63  }
0x112: {  	_ =	swait.ge [sflag:s3], $0x2000  }
0x113: {  	[sflag:s3] =	ssyncset.done $0x0  }
0x114: {  	[sflag:s3] =	ssyncadd.s32 $0xFFFFE000  }
0x115: {  	[tilespmem:s8], [sflag:$0x1] =	stream.indirect.gather [spmem:s2], $0x40, s18, s7, $0xb8;
	[tilespmem:$0x97F8] =	vst v63  }
0x116: {  	_ =	swait.ge [sflag:s4], $0x2000  }
0x117: {  	[sflag:s4] =	ssyncset.done $0x0  }
0x118: {  	s18 =	rddreg [dreg:$0x1d];
	[sflag:s4] =	ssyncadd.s32 $0xFFFFE000  }
0x119: {  	[hbm4b:s18+s1] =	stream.linear.scatter [tilespmem:s9], [sflag:$0x2], $0x2000, $0x38;
	[tilespmem:$0x97F8] =	vst v63  }
0x11a: {  	_ =	swait.ge [sflag:s3], $0x2000  }
0x11b: {  	[sflag:s3] =	ssyncset.done $0x0  }
0x11c: {  	[sflag:s3] =	ssyncadd.s32 $0xFFFFE000  }
0x11d: {  	[tilespmem:s6], [sflag:$0x1] =	stream.indirect.gather [spmem:s2], $0x40, s17, s7, $0xb8;
	[tilespmem:$0x97F8] =	vst v63  }
0x11e: {  	_ =	swait.ge [sflag:s4], $0x2000  }
0x11f: {  	[sflag:s4] =	ssyncset.done $0x0  }
0x120: {  	s19 =	rddreg [dreg:$0x1e];
	[sflag:s4] =	ssyncadd.s32 $0xFFFFE000  }
0x121: {  	[hbm4b:s19+s1] =	stream.linear.scatter [tilespmem:s8], [sflag:$0x2], $0x2000, $0x38;
	[tilespmem:$0x97F8] =	vst v63  }
0x122: {  	_ =	swait.ge [sflag:s3], $0x2000  }
0x123: {  	[sflag:s3] =	ssyncset.done $0x0  }
0x124: {  	[sflag:s3] =	ssyncadd.s32 $0xFFFFE000  }
0x125: {  	[tilespmem:s5], [sflag:$0x1] =	stream.indirect.gather [spmem:s2], $0x40, s16, s7, $0xb8;
	[tilespmem:$0x97F8] =	vst v63  }
0x126: {  	_ =	swait.ge [sflag:s4], $0x2000  }
0x127: {  	[sflag:s4] =	ssyncset.done $0x0  }
0x128: {  	s20 =	rddreg [dreg:$0x1f];
	[sflag:s4] =	ssyncadd.s32 $0xFFFFE000  }
0x129: {  	[hbm4b:s20+s1] =	stream.linear.scatter [tilespmem:s6], [sflag:$0x2], $0x2000, $0x38;
	[tilespmem:$0x97F8] =	vst v63  }
0x12a: {  	_ =	swait.ge [sflag:s3], $0x2000  }
0x12b: {  	[sflag:s3] =	ssyncset.done $0x0  }
0x12c: {  	[sflag:s3] =	ssyncadd.s32 $0xFFFFE000  }
0x12d: {  	[tilespmem:s9], [sflag:$0x1] =	stream.indirect.gather [spmem:s2], $0x40, s15, s7, $0xb8;
	[tilespmem:$0x97F8] =	vst v63  }
0x12e: {  	_ =	swait.ge [sflag:s4], $0x2000  }
0x12f: {  	s21 =	sld [smem:$0x7E9]  }
0x130: {  	[sflag:s4] =	ssyncset.done $0x0  }
0x131: {  	[sflag:s4] =	ssyncadd.s32 $0xFFFFE000  }
0x132: {  	[hbm4b:s21+s1] =	stream.linear.scatter [tilespmem:s5], [sflag:$0x2], $0x2000, $0x38;
	[tilespmem:$0x97F8] =	vst v63  }
0x133: {  	_ =	swait.ge [sflag:s3], $0x2000  }
0x134: {  	[sflag:s3] =	ssyncset.done $0x0  }
0x135: {  	[sflag:s3] =	ssyncadd.s32 $0xFFFFE000  }
0x136: {  	[tilespmem:s8], [sflag:$0x1] =	stream.indirect.gather [spmem:s2], $0x40, s14, s7, $0xb8;
	[tilespmem:$0x97F8] =	vst v63  }
0x137: {  	_ =	swait.ge [sflag:s4], $0x2000  }
0x138: {  	s22 =	sld [smem:$0x7EA]  }
0x139: {  	[sflag:s4] =	ssyncset.done $0x0  }
0x13a: {  	[sflag:s4] =	ssyncadd.s32 $0xFFFFE000  }
0x13b: {  	[hbm4b:s22+s1] =	stream.linear.scatter [tilespmem:s9], [sflag:$0x2], $0x2000, $0x38;
	[tilespmem:$0x97F8] =	vst v63  }
0x13c: {  	_ =	swait.ge [sflag:s3], $0x2000  }
0x13d: {  	[sflag:s3] =	ssyncset.done $0x0  }
0x13e: {  	[sflag:s3] =	ssyncadd.s32 $0xFFFFE000  }
0x13f: {  	[tilespmem:s6], [sflag:$0x1] =	stream.indirect.gather [spmem:s2], $0x40, s13, s7, $0xb8;
	[tilespmem:$0x97F8] =	vst v63  }
0x140: {  	_ =	swait.ge [sflag:s4], $0x2000  }
0x141: {  	s23 =	sld [smem:$0x7EB]  }
0x142: {  	[sflag:s4] =	ssyncset.done $0x0  }
0x143: {  	[sflag:s4] =	ssyncadd.s32 $0xFFFFE000  }
0x144: {  	[hbm4b:s23+s1] =	stream.linear.scatter [tilespmem:s8], [sflag:$0x2], $0x2000, $0x38;
	[tilespmem:$0x97F8] =	vst v63  }
0x145: {  	_ =	swait.ge [sflag:s3], $0x2000  }
0x146: {  	[sflag:s3] =	ssyncset.done $0x0  }
0x147: {  	[sflag:s3] =	ssyncadd.s32 $0xFFFFE000  }
0x148: {  	[tilespmem:s5], [sflag:$0x1] =	stream.indirect.gather [spmem:s2], $0x40, s12, s10, $0xb8;
	[tilespmem:$0x97F8] =	vst v63  }
0x149: {  	_ =	swait.ge [sflag:s4], $0x2000  }
0x14a: {  	s24 =	sld [smem:$0x7EC]  }
0x14b: {  	[sflag:s4] =	ssyncset.done $0x0  }
0x14c: {  	[sflag:s4] =	ssyncadd.s32 $0xFFFFE000  }
0x14d: {  	[hbm4b:s24+s1] =	stream.linear.scatter [tilespmem:s6], [sflag:$0x2], $0x2000, $0x38;
	[tilespmem:$0x97F8] =	vst v63  }
0x14e: {  	_ =	swait.ge [sflag:s4], $0x1E00  }
0x14f: {  	s25 =	sld [smem:$0x7ED]  }
0x150: {  	[sflag:s4] =	ssyncset.done $0x0  }
0x151: {  	[sflag:s4] =	ssyncadd.s32 $0xFFFFE200  }
0x152: {  	[hbm4b:s25+s1] =	stream.linear.scatter [tilespmem:s5], [sflag:$0x2], $0x1E00, $0x38;
	[tilespmem:$0x97F8] =	vst v63  }
0x153: {  	_ =	swait.ge [sflag:s3], $0x2000  }
0x154: {  	p1 =	por $0x1, $0x1;
	[sflag:s3] =	ssyncset.done $0x0  }
0x155: {  	s31 =	sadd.s32 $0xFFFFFFFF, s30;
	s30 =	simm.s32 $0x900;
	[sflag:s3] =	ssyncadd.s32 $0xFFFFE000  }
0x156: {  	p2 =	sne.s32 s31, $0x0;
	s18 =	simm.s32 $0xD00;
	_ =	swait.ge [sflag:s3], $0x2000  }
0x157: {  	s17 =	simm.s32 $0xD80;
	s19 =	simm.s32 $0xC80;
	[sflag:s3] =	ssyncset.done $0x0  }
0x158: {  	s16 =	simm.s32 $0xE00;
	s20 =	simm.s32 $0xC00;
	[sflag:s3] =	ssyncadd.s32 $0xFFFFE000  }
.Ltmp1:
0x159: {  	s15 =	simm.s32 $0xE80;
	_ =	swait.ge [sflag:s3], $0x2000;
	(pc) =	sbr.rel @!p2 .LBB2_7-.Ltmp1, $4  }
0x15a: {  	s21 =	simm.s32 $0xB80;
	s14 =	simm.s32 $0xF00;
	[sflag:s3] =	ssyncset.done $0x0  }
0x15b: {  	s22 =	simm.s32 $0xB00;
	s13 =	simm.s32 $0xF80;
	[sflag:s3] =	ssyncadd.s32 $0xFFFFE000  }
0x15c: {  	s23 =	simm.s32 $0xA80;
	s12 =	simm.s32 $0x78;
	_ =	swait.ge [sflag:s3], $0x1E00  }
0x15d: {  	s24 =	simm.s32 $0xA00;
	s25 =	simm.s32 $0x980;
	[sflag:s3] =	ssyncset.done $0x0  }
0x15e: {  	s29 =	smov.u32 s0  }
.LBB2_4:
0x15f: {  	[sflag:s3] =	ssyncadd.s32 $0xFFFFE200  }
0x160: {  	s11 =	simm.s32 @!p0 $0x1C03;
	s10 =	rddreg [dreg:$0x0]  }
0x161: {  	[spmem:s29], [sflag:s11] =	dma.local @!p0 [hbm:s10], $0x1000  }
0x162: {  	_ =	swait.ge @!p0 [sflag:s28], $0x1000  }
0x163: {  	[sflag:s28] =	ssyncset.done @!p0 $0x0  }
0x164: {  	s11 =	rddreg [dreg:$0x4];
	[sflag:s28] =	ssyncadd.s32 @!p0 $0xFFFFF000  }
0x165: {  	[tilespmem:s1], [sflag:$0x3] =	stream.linear.gather [hbm4b:s11+s1], $0xFF8, $0x38;
	[tilespmem:$0x97F8] =	vst v63  }
0x166: {  	_ =	swait.ge [sflag:s26], $0xFF8  }
0x167: {  	[sflag:s26] =	ssyncset.done $0x0  }
0x168: {  	[sflag:s26] =	ssyncadd.s32 $0xFFFFF008  }
0x169: {  	[bflag:$0x0] =	sbarrier.arrive $0xFFFF  }
0x16a: {  	[tilespmem:s9], [sflag:$0x1] =	stream.indirect.gather [spmem:s2], $0x40, s1, s7, $0xb8;
	[tilespmem:$0x97F8] =	vst v63  }
0x16b: {  	_ = 	snop  }
0x16c: {  	[tilespmem:s8], [sflag:$0x1] =	stream.indirect.gather [spmem:s2], $0x40, s7, s7, $0xb8;
	[tilespmem:$0x97F8] =	vst v63  }
0x16d: {  	_ =	swait.ge [sflag:s4], $0x2000  }
0x16e: {  	[sflag:s4] =	ssyncset.done $0x0;
	s10 =	rddreg [dreg:$0x5]  }
0x16f: {  	s11 =	sld [smem:$0x7EE];
	[sflag:s4] =	ssyncadd.s32 $0xFFFFE000  }
0x170: {  	[hbm4b:s10+s1] =	stream.linear.scatter [tilespmem:s9], [sflag:$0x2], $0x2000, $0x38;
	[tilespmem:$0x97F8] =	vst v63  }
0x171: {  	_ = 	snop  }
0x172: {  	[tilespmem:s6], [sflag:$0x1] =	stream.indirect.gather [spmem:s2], $0x40, s11, s7, $0xb8;
	[tilespmem:$0x97F8] =	vst v63  }
0x173: {  	_ =	swait.ge [sflag:s4], $0x2000  }
0x174: {  	s10 =	rddreg [dreg:$0x6];
	[sflag:s4] =	ssyncset.done $0x0  }
0x175: {  	s11 =	sld [smem:$0x7EF];
	[sflag:s4] =	ssyncadd.s32 $0xFFFFE000  }
0x176: {  	[hbm4b:s10+s1] =	stream.linear.scatter [tilespmem:s8], [sflag:$0x2], $0x2000, $0x38;
	[tilespmem:$0x97F8] =	vst v63  }
0x177: {  	_ = 	snop  }
0x178: {  	[tilespmem:s5], [sflag:$0x1] =	stream.indirect.gather [spmem:s2], $0x40, s11, s7, $0xb8;
	[tilespmem:$0x97F8] =	vst v63  }
0x179: {  	_ =	swait.ge [sflag:s4], $0x2000  }
0x17a: {  	[sflag:s4] =	ssyncset.done $0x0  }
0x17b: {  	s11 =	rddreg [dreg:$0x7];
	[sflag:s4] =	ssyncadd.s32 $0xFFFFE000  }
0x17c: {  	[hbm4b:s11+s1] =	stream.linear.scatter [tilespmem:s6], [sflag:$0x2], $0x2000, $0x38;
	[tilespmem:$0x97F8] =	vst v63  }
0x17d: {  	_ =	swait.ge [sflag:s3], $0x2000  }
0x17e: {  	s11 =	sld [smem:$0x7F0]  }
0x17f: {  	[sflag:s3] =	ssyncset.done $0x0  }
0x180: {  	[sflag:s3] =	ssyncadd.s32 $0xFFFFE000  }
0x181: {  	[tilespmem:s9], [sflag:$0x1] =	stream.indirect.gather [spmem:s2], $0x40, s11, s7, $0xb8;
	[tilespmem:$0x97F8] =	vst v63  }
0x182: {  	_ =	swait.ge [sflag:s4], $0x2000  }
0x183: {  	[sflag:s4] =	ssyncset.done $0x0  }
0x184: {  	s11 =	rddreg [dreg:$0x8];
	[sflag:s4] =	ssyncadd.s32 $0xFFFFE000  }
0x185: {  	[hbm4b:s11+s1] =	stream.linear.scatter [tilespmem:s5], [sflag:$0x2], $0x2000, $0x38;
	[tilespmem:$0x97F8] =	vst v63  }
0x186: {  	_ =	swait.ge [sflag:s3], $0x2000  }
0x187: {  	s11 =	sld [smem:$0x7F1]  }
0x188: {  	[sflag:s3] =	ssyncset.done $0x0  }
0x189: {  	[sflag:s3] =	ssyncadd.s32 $0xFFFFE000  }
0x18a: {  	[tilespmem:s8], [sflag:$0x1] =	stream.indirect.gather [spmem:s2], $0x40, s11, s7, $0xb8;
	[tilespmem:$0x97F8] =	vst v63  }
0x18b: {  	_ =	swait.ge [sflag:s4], $0x2000  }
0x18c: {  	[sflag:s4] =	ssyncset.done $0x0  }
0x18d: {  	s11 =	rddreg [dreg:$0x9];
	[sflag:s4] =	ssyncadd.s32 $0xFFFFE000  }
0x18e: {  	[hbm4b:s11+s1] =	stream.linear.scatter [tilespmem:s9], [sflag:$0x2], $0x2000, $0x38;
	[tilespmem:$0x97F8] =	vst v63  }
0x18f: {  	_ =	swait.ge [sflag:s3], $0x2000  }
0x190: {  	s11 =	sld [smem:$0x7F2]  }
0x191: {  	[sflag:s3] =	ssyncset.done $0x0  }
0x192: {  	[sflag:s3] =	ssyncadd.s32 $0xFFFFE000  }
0x193: {  	[tilespmem:s6], [sflag:$0x1] =	stream.indirect.gather [spmem:s2], $0x40, s11, s7, $0xb8;
	[tilespmem:$0x97F8] =	vst v63  }
0x194: {  	_ =	swait.ge [sflag:s4], $0x2000  }
0x195: {  	[sflag:s4] =	ssyncset.done $0x0  }
0x196: {  	s11 =	rddreg [dreg:$0xa];
	[sflag:s4] =	ssyncadd.s32 $0xFFFFE000  }
0x197: {  	[hbm4b:s11+s1] =	stream.linear.scatter [tilespmem:s8], [sflag:$0x2], $0x2000, $0x38;
	[tilespmem:$0x97F8] =	vst v63  }
0x198: {  	_ =	swait.ge [sflag:s3], $0x2000  }
0x199: {  	s11 =	sld [smem:$0x7F3]  }
0x19a: {  	[sflag:s3] =	ssyncset.done $0x0  }
0x19b: {  	[sflag:s3] =	ssyncadd.s32 $0xFFFFE000  }
0x19c: {  	[tilespmem:s5], [sflag:$0x1] =	stream.indirect.gather [spmem:s2], $0x40, s11, s7, $0xb8;
	[tilespmem:$0x97F8] =	vst v63  }
0x19d: {  	_ =	swait.ge [sflag:s4], $0x2000  }
0x19e: {  	[sflag:s4] =	ssyncset.done $0x0  }
0x19f: {  	s11 =	rddreg [dreg:$0xb];
	[sflag:s4] =	ssyncadd.s32 $0xFFFFE000  }
0x1a0: {  	[hbm4b:s11+s1] =	stream.linear.scatter [tilespmem:s6], [sflag:$0x2], $0x2000, $0x38;
	[tilespmem:$0x97F8] =	vst v63  }
0x1a1: {  	_ =	swait.ge [sflag:s3], $0x2000  }
0x1a2: {  	s11 =	sld [smem:$0x7F4]  }
0x1a3: {  	[sflag:s3] =	ssyncset.done $0x0  }
0x1a4: {  	[sflag:s3] =	ssyncadd.s32 $0xFFFFE000  }
0x1a5: {  	[tilespmem:s9], [sflag:$0x1] =	stream.indirect.gather [spmem:s2], $0x40, s11, s7, $0xb8;
	[tilespmem:$0x97F8] =	vst v63  }
0x1a6: {  	_ =	swait.ge [sflag:s4], $0x2000  }
0x1a7: {  	[sflag:s4] =	ssyncset.done $0x0  }
0x1a8: {  	s11 =	rddreg [dreg:$0xc];
	[sflag:s4] =	ssyncadd.s32 $0xFFFFE000  }
0x1a9: {  	[hbm4b:s11+s1] =	stream.linear.scatter [tilespmem:s5], [sflag:$0x2], $0x2000, $0x38;
	[tilespmem:$0x97F8] =	vst v63  }
0x1aa: {  	_ =	swait.ge [sflag:s3], $0x2000  }
0x1ab: {  	s11 =	sld [smem:$0x7F5]  }
0x1ac: {  	[sflag:s3] =	ssyncset.done $0x0  }
0x1ad: {  	[sflag:s3] =	ssyncadd.s32 $0xFFFFE000  }
0x1ae: {  	[tilespmem:s8], [sflag:$0x1] =	stream.indirect.gather [spmem:s2], $0x40, s11, s7, $0xb8;
	[tilespmem:$0x97F8] =	vst v63  }
0x1af: {  	_ =	swait.ge [sflag:s4], $0x2000  }
0x1b0: {  	[sflag:s4] =	ssyncset.done $0x0  }
0x1b1: {  	s11 =	rddreg [dreg:$0xd];
	[sflag:s4] =	ssyncadd.s32 $0xFFFFE000  }
0x1b2: {  	[hbm4b:s11+s1] =	stream.linear.scatter [tilespmem:s9], [sflag:$0x2], $0x2000, $0x38;
	[tilespmem:$0x97F8] =	vst v63  }
0x1b3: {  	_ =	swait.ge [sflag:s3], $0x2000  }
0x1b4: {  	s11 =	sld [smem:$0x7F6]  }
0x1b5: {  	[sflag:s3] =	ssyncset.done $0x0  }
0x1b6: {  	[sflag:s3] =	ssyncadd.s32 $0xFFFFE000  }
0x1b7: {  	[tilespmem:s6], [sflag:$0x1] =	stream.indirect.gather [spmem:s2], $0x40, s11, s7, $0xb8;
	[tilespmem:$0x97F8] =	vst v63  }
0x1b8: {  	_ =	swait.ge [sflag:s4], $0x2000  }
0x1b9: {  	[sflag:s4] =	ssyncset.done $0x0  }
0x1ba: {  	s11 =	rddreg [dreg:$0xe];
	[sflag:s4] =	ssyncadd.s32 $0xFFFFE000  }
0x1bb: {  	[hbm4b:s11+s1] =	stream.linear.scatter [tilespmem:s8], [sflag:$0x2], $0x2000, $0x38;
	[tilespmem:$0x97F8] =	vst v63  }
0x1bc: {  	_ =	swait.ge [sflag:s3], $0x2000  }
0x1bd: {  	s11 =	sld [smem:$0x7F7]  }
0x1be: {  	[sflag:s3] =	ssyncset.done $0x0  }
0x1bf: {  	[sflag:s3] =	ssyncadd.s32 $0xFFFFE000  }
0x1c0: {  	[tilespmem:s5], [sflag:$0x1] =	stream.indirect.gather [spmem:s2], $0x40, s11, s7, $0xb8;
	[tilespmem:$0x97F8] =	vst v63  }
0x1c1: {  	_ =	swait.ge [sflag:s4], $0x2000  }
0x1c2: {  	[sflag:s4] =	ssyncset.done $0x0  }
0x1c3: {  	s11 =	rddreg [dreg:$0xf];
	[sflag:s4] =	ssyncadd.s32 $0xFFFFE000  }
0x1c4: {  	[hbm4b:s11+s1] =	stream.linear.scatter [tilespmem:s6], [sflag:$0x2], $0x2000, $0x38;
	[tilespmem:$0x97F8] =	vst v63  }
0x1c5: {  	_ =	swait.ge [sflag:s3], $0x2000  }
0x1c6: {  	s11 =	sld [smem:$0x7F8]  }
0x1c7: {  	[sflag:s3] =	ssyncset.done $0x0  }
0x1c8: {  	[sflag:s3] =	ssyncadd.s32 $0xFFFFE000  }
0x1c9: {  	[tilespmem:s9], [sflag:$0x1] =	stream.indirect.gather [spmem:s2], $0x40, s11, s7, $0xb8;
	[tilespmem:$0x97F8] =	vst v63  }
0x1ca: {  	_ =	swait.ge [sflag:s4], $0x2000  }
0x1cb: {  	[sflag:s4] =	ssyncset.done $0x0  }
0x1cc: {  	s11 =	rddreg [dreg:$0x10];
	[sflag:s4] =	ssyncadd.s32 $0xFFFFE000  }
0x1cd: {  	[hbm4b:s11+s1] =	stream.linear.scatter [tilespmem:s5], [sflag:$0x2], $0x2000, $0x38;
	[tilespmem:$0x97F8] =	vst v63  }
0x1ce: {  	_ =	swait.ge [sflag:s3], $0x2000  }
0x1cf: {  	s11 =	sld [smem:$0x7F9]  }
0x1d0: {  	[sflag:s3] =	ssyncset.done $0x0  }
0x1d1: {  	[sflag:s3] =	ssyncadd.s32 $0xFFFFE000  }
0x1d2: {  	[tilespmem:s8], [sflag:$0x1] =	stream.indirect.gather [spmem:s2], $0x40, s11, s7, $0xb8;
	[tilespmem:$0x97F8] =	vst v63  }
0x1d3: {  	_ =	swait.ge [sflag:s4], $0x2000  }
0x1d4: {  	[sflag:s4] =	ssyncset.done $0x0  }
0x1d5: {  	s11 =	rddreg [dreg:$0x11];
	[sflag:s4] =	ssyncadd.s32 $0xFFFFE000  }
0x1d6: {  	[hbm4b:s11+s1] =	stream.linear.scatter [tilespmem:s9], [sflag:$0x2], $0x2000, $0x38;
	[tilespmem:$0x97F8] =	vst v63  }
0x1d7: {  	_ =	swait.ge [sflag:s3], $0x2000  }
0x1d8: {  	s11 =	sld [smem:$0x7FA]  }
0x1d9: {  	[sflag:s3] =	ssyncset.done $0x0  }
0x1da: {  	[sflag:s3] =	ssyncadd.s32 $0xFFFFE000  }
0x1db: {  	[tilespmem:s6], [sflag:$0x1] =	stream.indirect.gather [spmem:s2], $0x40, s11, s7, $0xb8;
	[tilespmem:$0x97F8] =	vst v63  }
0x1dc: {  	_ =	swait.ge [sflag:s4], $0x2000  }
0x1dd: {  	[sflag:s4] =	ssyncset.done $0x0  }
0x1de: {  	s11 =	rddreg [dreg:$0x12];
	[sflag:s4] =	ssyncadd.s32 $0xFFFFE000  }
0x1df: {  	[hbm4b:s11+s1] =	stream.linear.scatter [tilespmem:s8], [sflag:$0x2], $0x2000, $0x38;
	[tilespmem:$0x97F8] =	vst v63  }
0x1e0: {  	_ =	swait.ge [sflag:s3], $0x2000  }
0x1e1: {  	s11 =	sld [smem:$0x7FB]  }
0x1e2: {  	[sflag:s3] =	ssyncset.done $0x0  }
0x1e3: {  	[sflag:s3] =	ssyncadd.s32 $0xFFFFE000  }
0x1e4: {  	[tilespmem:s5], [sflag:$0x1] =	stream.indirect.gather [spmem:s2], $0x40, s11, s7, $0xb8;
	[tilespmem:$0x97F8] =	vst v63  }
0x1e5: {  	_ =	swait.ge [sflag:s4], $0x2000  }
0x1e6: {  	[sflag:s4] =	ssyncset.done $0x0  }
0x1e7: {  	s11 =	rddreg [dreg:$0x13];
	[sflag:s4] =	ssyncadd.s32 $0xFFFFE000  }
0x1e8: {  	[hbm4b:s11+s1] =	stream.linear.scatter [tilespmem:s6], [sflag:$0x2], $0x2000, $0x38;
	[tilespmem:$0x97F8] =	vst v63  }
0x1e9: {  	_ =	swait.ge [sflag:s3], $0x2000  }
0x1ea: {  	s11 =	sld [smem:$0x7FC]  }
0x1eb: {  	[sflag:s3] =	ssyncset.done $0x0  }
0x1ec: {  	[sflag:s3] =	ssyncadd.s32 $0xFFFFE000  }
0x1ed: {  	[tilespmem:s9], [sflag:$0x1] =	stream.indirect.gather [spmem:s2], $0x40, s11, s7, $0xb8;
	[tilespmem:$0x97F8] =	vst v63  }
0x1ee: {  	_ =	swait.ge [sflag:s4], $0x2000  }
0x1ef: {  	[sflag:s4] =	ssyncset.done $0x0  }
0x1f0: {  	s11 =	rddreg [dreg:$0x14];
	[sflag:s4] =	ssyncadd.s32 $0xFFFFE000  }
0x1f1: {  	[hbm4b:s11+s1] =	stream.linear.scatter [tilespmem:s5], [sflag:$0x2], $0x2000, $0x38;
	[tilespmem:$0x97F8] =	vst v63  }
0x1f2: {  	_ =	swait.ge [sflag:s3], $0x2000  }
0x1f3: {  	s11 =	sld [smem:$0x7FD]  }
0x1f4: {  	[sflag:s3] =	ssyncset.done $0x0  }
0x1f5: {  	[sflag:s3] =	ssyncadd.s32 $0xFFFFE000  }
0x1f6: {  	[tilespmem:s8], [sflag:$0x1] =	stream.indirect.gather [spmem:s2], $0x40, s11, s7, $0xb8;
	[tilespmem:$0x97F8] =	vst v63  }
0x1f7: {  	_ =	swait.ge [sflag:s4], $0x2000  }
0x1f8: {  	[sflag:s4] =	ssyncset.done $0x0  }
0x1f9: {  	s11 =	rddreg [dreg:$0x15];
	[sflag:s4] =	ssyncadd.s32 $0xFFFFE000  }
0x1fa: {  	[hbm4b:s11+s1] =	stream.linear.scatter [tilespmem:s9], [sflag:$0x2], $0x2000, $0x38;
	[tilespmem:$0x97F8] =	vst v63  }
0x1fb: {  	_ =	swait.ge [sflag:s3], $0x2000  }
0x1fc: {  	[sflag:s3] =	ssyncset.done $0x0  }
0x1fd: {  	[sflag:s3] =	ssyncadd.s32 $0xFFFFE000  }
0x1fe: {  	[tilespmem:s6], [sflag:$0x1] =	stream.indirect.gather [spmem:s2], $0x40, s30, s7, $0xb8;
	[tilespmem:$0x97F8] =	vst v63  }
0x1ff: {  	_ =	swait.ge [sflag:s4], $0x2000  }
0x200: {  	[sflag:s4] =	ssyncset.done $0x0  }
0x201: {  	s11 =	rddreg [dreg:$0x16];
	[sflag:s4] =	ssyncadd.s32 $0xFFFFE000  }
0x202: {  	[hbm4b:s11+s1] =	stream.linear.scatter [tilespmem:s8], [sflag:$0x2], $0x2000, $0x38;
	[tilespmem:$0x97F8] =	vst v63  }
0x203: {  	_ =	swait.ge [sflag:s3], $0x2000  }
0x204: {  	[sflag:s3] =	ssyncset.done $0x0  }
0x205: {  	[sflag:s3] =	ssyncadd.s32 $0xFFFFE000  }
0x206: {  	[tilespmem:s5], [sflag:$0x1] =	stream.indirect.gather [spmem:s2], $0x40, s25, s7, $0xb8;
	[tilespmem:$0x97F8] =	vst v63  }
0x207: {  	_ =	swait.ge [sflag:s4], $0x2000  }
0x208: {  	[sflag:s4] =	ssyncset.done $0x0  }
0x209: {  	s11 =	rddreg [dreg:$0x17];
	[sflag:s4] =	ssyncadd.s32 $0xFFFFE000  }
0x20a: {  	[hbm4b:s11+s1] =	stream.linear.scatter [tilespmem:s6], [sflag:$0x2], $0x2000, $0x38;
	[tilespmem:$0x97F8] =	vst v63  }
0x20b: {  	_ =	swait.ge [sflag:s3], $0x2000  }
0x20c: {  	[sflag:s3] =	ssyncset.done $0x0  }
0x20d: {  	[sflag:s3] =	ssyncadd.s32 $0xFFFFE000  }
0x20e: {  	[tilespmem:s9], [sflag:$0x1] =	stream.indirect.gather [spmem:s2], $0x40, s24, s7, $0xb8;
	[tilespmem:$0x97F8] =	vst v63  }
0x20f: {  	_ =	swait.ge [sflag:s4], $0x2000  }
0x210: {  	[sflag:s4] =	ssyncset.done $0x0  }
0x211: {  	s11 =	rddreg [dreg:$0x18];
	[sflag:s4] =	ssyncadd.s32 $0xFFFFE000  }
0x212: {  	[hbm4b:s11+s1] =	stream.linear.scatter [tilespmem:s5], [sflag:$0x2], $0x2000, $0x38;
	[tilespmem:$0x97F8] =	vst v63  }
0x213: {  	_ =	swait.ge [sflag:s3], $0x2000  }
0x214: {  	[sflag:s3] =	ssyncset.done $0x0  }
0x215: {  	[sflag:s3] =	ssyncadd.s32 $0xFFFFE000  }
0x216: {  	[tilespmem:s8], [sflag:$0x1] =	stream.indirect.gather [spmem:s2], $0x40, s23, s7, $0xb8;
	[tilespmem:$0x97F8] =	vst v63  }
0x217: {  	_ =	swait.ge [sflag:s4], $0x2000  }
0x218: {  	[sflag:s4] =	ssyncset.done $0x0  }
0x219: {  	s11 =	rddreg [dreg:$0x19];
	[sflag:s4] =	ssyncadd.s32 $0xFFFFE000  }
0x21a: {  	[hbm4b:s11+s1] =	stream.linear.scatter [tilespmem:s9], [sflag:$0x2], $0x2000, $0x38;
	[tilespmem:$0x97F8] =	vst v63  }
0x21b: {  	_ =	swait.ge [sflag:s3], $0x2000  }
0x21c: {  	[sflag:s3] =	ssyncset.done $0x0  }
0x21d: {  	[sflag:s3] =	ssyncadd.s32 $0xFFFFE000  }
0x21e: {  	[tilespmem:s6], [sflag:$0x1] =	stream.indirect.gather [spmem:s2], $0x40, s22, s7, $0xb8;
	[tilespmem:$0x97F8] =	vst v63  }
0x21f: {  	_ =	swait.ge [sflag:s4], $0x2000  }
0x220: {  	[sflag:s4] =	ssyncset.done $0x0  }
0x221: {  	s11 =	rddreg [dreg:$0x1a];
	[sflag:s4] =	ssyncadd.s32 $0xFFFFE000  }
0x222: {  	[hbm4b:s11+s1] =	stream.linear.scatter [tilespmem:s8], [sflag:$0x2], $0x2000, $0x38;
	[tilespmem:$0x97F8] =	vst v63  }
0x223: {  	_ =	swait.ge [sflag:s3], $0x2000  }
0x224: {  	[sflag:s3] =	ssyncset.done $0x0  }
0x225: {  	[sflag:s3] =	ssyncadd.s32 $0xFFFFE000  }
0x226: {  	[tilespmem:s5], [sflag:$0x1] =	stream.indirect.gather [spmem:s2], $0x40, s21, s7, $0xb8;
	[tilespmem:$0x97F8] =	vst v63  }
0x227: {  	_ =	swait.ge [sflag:s4], $0x2000  }
0x228: {  	[sflag:s4] =	ssyncset.done $0x0  }
0x229: {  	s11 =	rddreg [dreg:$0x1b];
	[sflag:s4] =	ssyncadd.s32 $0xFFFFE000  }
0x22a: {  	[hbm4b:s11+s1] =	stream.linear.scatter [tilespmem:s6], [sflag:$0x2], $0x2000, $0x38;
	[tilespmem:$0x97F8] =	vst v63  }
0x22b: {  	_ =	swait.ge [sflag:s3], $0x2000  }
0x22c: {  	[sflag:s3] =	ssyncset.done $0x0  }
0x22d: {  	[sflag:s3] =	ssyncadd.s32 $0xFFFFE000  }
0x22e: {  	[tilespmem:s9], [sflag:$0x1] =	stream.indirect.gather [spmem:s2], $0x40, s20, s7, $0xb8;
	[tilespmem:$0x97F8] =	vst v63  }
0x22f: {  	_ =	swait.ge [sflag:s4], $0x2000  }
0x230: {  	[sflag:s4] =	ssyncset.done $0x0  }
0x231: {  	s11 =	rddreg [dreg:$0x1c];
	[sflag:s4] =	ssyncadd.s32 $0xFFFFE000  }
0x232: {  	[hbm4b:s11+s1] =	stream.linear.scatter [tilespmem:s5], [sflag:$0x2], $0x2000, $0x38;
	[tilespmem:$0x97F8] =	vst v63  }
0x233: {  	_ =	swait.ge [sflag:s3], $0x2000  }
0x234: {  	[sflag:s3] =	ssyncset.done $0x0  }
0x235: {  	[sflag:s3] =	ssyncadd.s32 $0xFFFFE000  }
0x236: {  	[tilespmem:s8], [sflag:$0x1] =	stream.indirect.gather [spmem:s2], $0x40, s19, s7, $0xb8;
	[tilespmem:$0x97F8] =	vst v63  }
0x237: {  	_ =	swait.ge [sflag:s4], $0x2000  }
0x238: {  	[sflag:s4] =	ssyncset.done $0x0  }
0x239: {  	s11 =	rddreg [dreg:$0x1d];
	[sflag:s4] =	ssyncadd.s32 $0xFFFFE000  }
0x23a: {  	[hbm4b:s11+s1] =	stream.linear.scatter [tilespmem:s9], [sflag:$0x2], $0x2000, $0x38;
	[tilespmem:$0x97F8] =	vst v63  }
0x23b: {  	_ =	swait.ge [sflag:s3], $0x2000  }
0x23c: {  	[sflag:s3] =	ssyncset.done $0x0  }
0x23d: {  	[sflag:s3] =	ssyncadd.s32 $0xFFFFE000  }
0x23e: {  	[tilespmem:s6], [sflag:$0x1] =	stream.indirect.gather [spmem:s2], $0x40, s18, s7, $0xb8;
	[tilespmem:$0x97F8] =	vst v63  }
0x23f: {  	_ =	swait.ge [sflag:s4], $0x2000  }
0x240: {  	[sflag:s4] =	ssyncset.done $0x0  }
0x241: {  	s11 =	rddreg [dreg:$0x1e];
	[sflag:s4] =	ssyncadd.s32 $0xFFFFE000  }
0x242: {  	[hbm4b:s11+s1] =	stream.linear.scatter [tilespmem:s8], [sflag:$0x2], $0x2000, $0x38;
	[tilespmem:$0x97F8] =	vst v63  }
0x243: {  	_ =	swait.ge [sflag:s3], $0x2000  }
0x244: {  	[sflag:s3] =	ssyncset.done $0x0  }
0x245: {  	[sflag:s3] =	ssyncadd.s32 $0xFFFFE000  }
0x246: {  	[tilespmem:s5], [sflag:$0x1] =	stream.indirect.gather [spmem:s2], $0x40, s17, s7, $0xb8;
	[tilespmem:$0x97F8] =	vst v63  }
0x247: {  	_ =	swait.ge [sflag:s4], $0x2000  }
0x248: {  	[sflag:s4] =	ssyncset.done $0x0  }
0x249: {  	s11 =	rddreg [dreg:$0x1f];
	[sflag:s4] =	ssyncadd.s32 $0xFFFFE000  }
0x24a: {  	[hbm4b:s11+s1] =	stream.linear.scatter [tilespmem:s6], [sflag:$0x2], $0x2000, $0x38;
	[tilespmem:$0x97F8] =	vst v63  }
0x24b: {  	_ =	swait.ge [sflag:s3], $0x2000  }
0x24c: {  	[sflag:s3] =	ssyncset.done $0x0  }
0x24d: {  	[sflag:s3] =	ssyncadd.s32 $0xFFFFE000  }
0x24e: {  	[tilespmem:s9], [sflag:$0x1] =	stream.indirect.gather [spmem:s2], $0x40, s16, s7, $0xb8;
	[tilespmem:$0x97F8] =	vst v63  }
0x24f: {  	_ =	swait.ge [sflag:s4], $0x2000  }
0x250: {  	s11 =	sld [smem:$0x7E9]  }
0x251: {  	[sflag:s4] =	ssyncset.done $0x0  }
0x252: {  	[sflag:s4] =	ssyncadd.s32 $0xFFFFE000  }
0x253: {  	[hbm4b:s11+s1] =	stream.linear.scatter [tilespmem:s5], [sflag:$0x2], $0x2000, $0x38;
	[tilespmem:$0x97F8] =	vst v63  }
0x254: {  	_ =	swait.ge [sflag:s3], $0x2000  }
0x255: {  	[sflag:s3] =	ssyncset.done $0x0  }
0x256: {  	[sflag:s3] =	ssyncadd.s32 $0xFFFFE000  }
0x257: {  	[tilespmem:s8], [sflag:$0x1] =	stream.indirect.gather [spmem:s2], $0x40, s15, s7, $0xb8;
	[tilespmem:$0x97F8] =	vst v63  }
0x258: {  	_ =	swait.ge [sflag:s4], $0x2000  }
0x259: {  	s11 =	sld [smem:$0x7EA]  }
0x25a: {  	[sflag:s4] =	ssyncset.done $0x0  }
0x25b: {  	[sflag:s4] =	ssyncadd.s32 $0xFFFFE000  }
0x25c: {  	[hbm4b:s11+s1] =	stream.linear.scatter [tilespmem:s9], [sflag:$0x2], $0x2000, $0x38;
	[tilespmem:$0x97F8] =	vst v63  }
0x25d: {  	_ =	swait.ge [sflag:s3], $0x2000  }
0x25e: {  	[sflag:s3] =	ssyncset.done $0x0  }
0x25f: {  	[sflag:s3] =	ssyncadd.s32 $0xFFFFE000  }
0x260: {  	[tilespmem:s6], [sflag:$0x1] =	stream.indirect.gather [spmem:s2], $0x40, s14, s7, $0xb8;
	[tilespmem:$0x97F8] =	vst v63  }
0x261: {  	_ =	swait.ge [sflag:s4], $0x2000  }
0x262: {  	s11 =	sld [smem:$0x7EB]  }
0x263: {  	[sflag:s4] =	ssyncset.done $0x0  }
0x264: {  	[sflag:s4] =	ssyncadd.s32 $0xFFFFE000  }
0x265: {  	[hbm4b:s11+s1] =	stream.linear.scatter [tilespmem:s8], [sflag:$0x2], $0x2000, $0x38;
	[tilespmem:$0x97F8] =	vst v63  }
0x266: {  	_ =	swait.ge [sflag:s3], $0x2000  }
0x267: {  	[sflag:s3] =	ssyncset.done $0x0  }
0x268: {  	[sflag:s3] =	ssyncadd.s32 $0xFFFFE000  }
0x269: {  	[tilespmem:s5], [sflag:$0x1] =	stream.indirect.gather [spmem:s2], $0x40, s13, s12, $0xb8;
	[tilespmem:$0x97F8] =	vst v63  }
0x26a: {  	_ =	swait.ge [sflag:s4], $0x2000  }
0x26b: {  	s11 =	sld [smem:$0x7EC]  }
0x26c: {  	[sflag:s4] =	ssyncset.done $0x0  }
0x26d: {  	[sflag:s4] =	ssyncadd.s32 $0xFFFFE000  }
0x26e: {  	[hbm4b:s11+s1] =	stream.linear.scatter [tilespmem:s6], [sflag:$0x2], $0x2000, $0x38;
	[tilespmem:$0x97F8] =	vst v63  }
0x26f: {  	_ =	swait.ge [sflag:s4], $0x1E00  }
0x270: {  	s11 =	sld [smem:$0x7ED]  }
0x271: {  	[sflag:s4] =	ssyncset.done $0x0  }
0x272: {  	[sflag:s4] =	ssyncadd.s32 $0xFFFFE200  }
0x273: {  	[hbm4b:s11+s1] =	stream.linear.scatter [tilespmem:s5], [sflag:$0x2], $0x1E00, $0x38;
	[tilespmem:$0x97F8] =	vst v63  }
0x274: {  	_ =	swait.ge [sflag:s3], $0x2000  }
0x275: {  	[sflag:s3] =	ssyncset.done $0x0  }
0x276: {  	[sflag:s3] =	ssyncadd.s32 $0xFFFFE000  }
0x277: {  	_ =	swait.ge [sflag:s3], $0x2000  }
0x278: {  	s31 =	sadd.s32 $0xFFFFFFFF, s31;
	[sflag:s3] =	ssyncset.done $0x0  }
0x279: {  	p2 =	sne.s32 s31, $0x0;
	[sflag:s3] =	ssyncadd.s32 $0xFFFFE000  }
.Ltmp2:
0x27a: {  	_ =	swait.ge [sflag:s3], $0x2000;
	(pc) =	sbr.rel @p2 .LBB2_4-.Ltmp2, $4  }
0x27b: {  	[sflag:s3] =	ssyncset.done $0x0  }
0x27c: {  	[sflag:s3] =	ssyncadd.s32 $0xFFFFE000  }
0x27d: {  	_ =	swait.ge [sflag:s3], $0x1E00  }
0x27e: {  	s29 =	smov.u32 s0;
	[sflag:s3] =	ssyncset.done $0x0  }
0x27f: {  	s30 =	simm.s32 $0x900;
	s25 =	simm.s32 $0x980;
	s24 =	simm.s32 $0xA00  }
0x280: {  	s23 =	simm.s32 $0xA80;
	s22 =	simm.s32 $0xB00;
	s21 =	simm.s32 $0xB80  }
0x281: {  	s20 =	simm.s32 $0xC00;
	s19 =	simm.s32 $0xC80;
	s18 =	simm.s32 $0xD00  }
0x282: {  	s17 =	simm.s32 $0xD80;
	s16 =	simm.s32 $0xE00;
	s15 =	simm.s32 $0xE80  }
0x283: {  	s14 =	simm.s32 $0xF00;
	s13 =	simm.s32 $0xF80;
	s11 =	rddreg [dreg:$0x3]  }
0x284: {  	s12 =	simm.s32 $0x78;
	s0 =	smov.u32 s29;
	s29 =	rddreg [dreg:$0x0]  }
.LBB2_6:
0x285: {  	[sflag:s3] =	ssyncadd.s32 @p1 $0xFFFFE200;
	s10 =	simm.s32 @!p0 $0x1C03  }
0x286: {  	[spmem:s0], [sflag:s10] =	dma.local @!p0 [hbm:s29], $0x1000  }
0x287: {  	_ =	swait.ge @!p0 [sflag:s28], $0x1000  }
0x288: {  	[sflag:s28] =	ssyncset.done @!p0 $0x0  }
0x289: {  	s10 =	rddreg [dreg:$0x4];
	[sflag:s28] =	ssyncadd.s32 @!p0 $0xFFFFF000  }
0x28a: {  	[tilespmem:s1], [sflag:$0x3] =	stream.linear.gather [hbm4b:s10+s1], $0xFF8, $0x38;
	[tilespmem:$0x97F8] =	vst v63  }
0x28b: {  	_ =	swait.ge [sflag:s26], $0xFF8  }
0x28c: {  	[sflag:s26] =	ssyncset.done $0x0  }
0x28d: {  	[sflag:s26] =	ssyncadd.s32 $0xFFFFF008  }
0x28e: {  	[bflag:$0x0] =	sbarrier.arrive $0xFFFF  }
0x28f: {  	[tilespmem:s9], [sflag:$0x1] =	stream.indirect.gather [spmem:s2], $0x40, s1, s7, $0xb8;
	[tilespmem:$0x97F8] =	vst v63  }
0x290: {  	_ = 	snop  }
0x291: {  	[tilespmem:s8], [sflag:$0x1] =	stream.indirect.gather [spmem:s2], $0x40, s7, s7, $0xb8;
	[tilespmem:$0x97F8] =	vst v63  }
0x292: {  	_ =	swait.ge [sflag:s4], $0x2000  }
0x293: {  	s29 =	rddreg [dreg:$0x5];
	[sflag:s4] =	ssyncset.done $0x0  }
0x294: {  	s31 =	sld [smem:$0x7EE];
	[sflag:s4] =	ssyncadd.s32 $0xFFFFE000  }
0x295: {  	[hbm4b:s29+s1] =	stream.linear.scatter [tilespmem:s9], [sflag:$0x2], $0x2000, $0x38;
	[tilespmem:$0x97F8] =	vst v63  }
0x296: {  	_ = 	snop  }
0x297: {  	[tilespmem:s6], [sflag:$0x1] =	stream.indirect.gather [spmem:s2], $0x40, s31, s7, $0xb8;
	[tilespmem:$0x97F8] =	vst v63  }
0x298: {  	_ =	swait.ge [sflag:s4], $0x2000  }
0x299: {  	s26 =	rddreg [dreg:$0x6];
	[sflag:s4] =	ssyncset.done $0x0  }
0x29a: {  	s28 =	sld [smem:$0x7EF];
	[sflag:s4] =	ssyncadd.s32 $0xFFFFE000  }
0x29b: {  	[hbm4b:s26+s1] =	stream.linear.scatter [tilespmem:s8], [sflag:$0x2], $0x2000, $0x38;
	[tilespmem:$0x97F8] =	vst v63  }
0x29c: {  	_ = 	snop  }
0x29d: {  	[tilespmem:s5], [sflag:$0x1] =	stream.indirect.gather [spmem:s2], $0x40, s28, s7, $0xb8;
	[tilespmem:$0x97F8] =	vst v63  }
0x29e: {  	_ =	swait.ge [sflag:s4], $0x2000  }
0x29f: {  	[sflag:s4] =	ssyncset.done $0x0  }
0x2a0: {  	s29 =	rddreg [dreg:$0x7];
	[sflag:s4] =	ssyncadd.s32 $0xFFFFE000  }
0x2a1: {  	[hbm4b:s29+s1] =	stream.linear.scatter [tilespmem:s6], [sflag:$0x2], $0x2000, $0x38;
	[tilespmem:$0x97F8] =	vst v63  }
0x2a2: {  	_ =	swait.ge [sflag:s3], $0x2000  }
0x2a3: {  	s31 =	sld [smem:$0x7F0]  }
0x2a4: {  	[sflag:s3] =	ssyncset.done $0x0  }
0x2a5: {  	[sflag:s3] =	ssyncadd.s32 $0xFFFFE000  }
0x2a6: {  	[tilespmem:s9], [sflag:$0x1] =	stream.indirect.gather [spmem:s2], $0x40, s31, s7, $0xb8;
	[tilespmem:$0x97F8] =	vst v63  }
0x2a7: {  	_ =	swait.ge [sflag:s4], $0x2000  }
0x2a8: {  	[sflag:s4] =	ssyncset.done $0x0  }
0x2a9: {  	s10 =	rddreg [dreg:$0x8];
	[sflag:s4] =	ssyncadd.s32 $0xFFFFE000  }
0x2aa: {  	[hbm4b:s10+s1] =	stream.linear.scatter [tilespmem:s5], [sflag:$0x2], $0x2000, $0x38;
	[tilespmem:$0x97F8] =	vst v63  }
0x2ab: {  	_ =	swait.ge [sflag:s3], $0x2000  }
0x2ac: {  	s26 =	sld [smem:$0x7F1]  }
0x2ad: {  	[sflag:s3] =	ssyncset.done $0x0  }
0x2ae: {  	[sflag:s3] =	ssyncadd.s32 $0xFFFFE000  }
0x2af: {  	[tilespmem:s8], [sflag:$0x1] =	stream.indirect.gather [spmem:s2], $0x40, s26, s7, $0xb8;
	[tilespmem:$0x97F8] =	vst v63  }
0x2b0: {  	_ =	swait.ge [sflag:s4], $0x2000  }
0x2b1: {  	[sflag:s4] =	ssyncset.done $0x0  }
0x2b2: {  	s28 =	rddreg [dreg:$0x9];
	[sflag:s4] =	ssyncadd.s32 $0xFFFFE000  }
0x2b3: {  	[hbm4b:s28+s1] =	stream.linear.scatter [tilespmem:s9], [sflag:$0x2], $0x2000, $0x38;
	[tilespmem:$0x97F8] =	vst v63  }
0x2b4: {  	_ =	swait.ge [sflag:s3], $0x2000  }
0x2b5: {  	s29 =	sld [smem:$0x7F2]  }
0x2b6: {  	[sflag:s3] =	ssyncset.done $0x0  }
0x2b7: {  	[sflag:s3] =	ssyncadd.s32 $0xFFFFE000  }
0x2b8: {  	[tilespmem:s6], [sflag:$0x1] =	stream.indirect.gather [spmem:s2], $0x40, s29, s7, $0xb8;
	[tilespmem:$0x97F8] =	vst v63  }
0x2b9: {  	_ =	swait.ge [sflag:s4], $0x2000  }
0x2ba: {  	[sflag:s4] =	ssyncset.done $0x0  }
0x2bb: {  	s31 =	rddreg [dreg:$0xa];
	[sflag:s4] =	ssyncadd.s32 $0xFFFFE000  }
0x2bc: {  	[hbm4b:s31+s1] =	stream.linear.scatter [tilespmem:s8], [sflag:$0x2], $0x2000, $0x38;
	[tilespmem:$0x97F8] =	vst v63  }
0x2bd: {  	_ =	swait.ge [sflag:s3], $0x2000  }
0x2be: {  	s10 =	sld [smem:$0x7F3]  }
0x2bf: {  	[sflag:s3] =	ssyncset.done $0x0  }
0x2c0: {  	[sflag:s3] =	ssyncadd.s32 $0xFFFFE000  }
0x2c1: {  	[tilespmem:s5], [sflag:$0x1] =	stream.indirect.gather [spmem:s2], $0x40, s10, s7, $0xb8;
	[tilespmem:$0x97F8] =	vst v63  }
0x2c2: {  	_ =	swait.ge [sflag:s4], $0x2000  }
0x2c3: {  	[sflag:s4] =	ssyncset.done $0x0  }
0x2c4: {  	s26 =	rddreg [dreg:$0xb];
	[sflag:s4] =	ssyncadd.s32 $0xFFFFE000  }
0x2c5: {  	[hbm4b:s26+s1] =	stream.linear.scatter [tilespmem:s6], [sflag:$0x2], $0x2000, $0x38;
	[tilespmem:$0x97F8] =	vst v63  }
0x2c6: {  	_ =	swait.ge [sflag:s3], $0x2000  }
0x2c7: {  	s28 =	sld [smem:$0x7F4]  }
0x2c8: {  	[sflag:s3] =	ssyncset.done $0x0  }
0x2c9: {  	[sflag:s3] =	ssyncadd.s32 $0xFFFFE000  }
0x2ca: {  	[tilespmem:s9], [sflag:$0x1] =	stream.indirect.gather [spmem:s2], $0x40, s28, s7, $0xb8;
	[tilespmem:$0x97F8] =	vst v63  }
0x2cb: {  	_ =	swait.ge [sflag:s4], $0x2000  }
0x2cc: {  	[sflag:s4] =	ssyncset.done $0x0  }
0x2cd: {  	s29 =	rddreg [dreg:$0xc];
	[sflag:s4] =	ssyncadd.s32 $0xFFFFE000  }
0x2ce: {  	[hbm4b:s29+s1] =	stream.linear.scatter [tilespmem:s5], [sflag:$0x2], $0x2000, $0x38;
	[tilespmem:$0x97F8] =	vst v63  }
0x2cf: {  	_ =	swait.ge [sflag:s3], $0x2000  }
0x2d0: {  	s31 =	sld [smem:$0x7F5]  }
0x2d1: {  	[sflag:s3] =	ssyncset.done $0x0  }
0x2d2: {  	[sflag:s3] =	ssyncadd.s32 $0xFFFFE000  }
0x2d3: {  	[tilespmem:s8], [sflag:$0x1] =	stream.indirect.gather [spmem:s2], $0x40, s31, s7, $0xb8;
	[tilespmem:$0x97F8] =	vst v63  }
0x2d4: {  	_ =	swait.ge [sflag:s4], $0x2000  }
0x2d5: {  	[sflag:s4] =	ssyncset.done $0x0  }
0x2d6: {  	s10 =	rddreg [dreg:$0xd];
	[sflag:s4] =	ssyncadd.s32 $0xFFFFE000  }
0x2d7: {  	[hbm4b:s10+s1] =	stream.linear.scatter [tilespmem:s9], [sflag:$0x2], $0x2000, $0x38;
	[tilespmem:$0x97F8] =	vst v63  }
0x2d8: {  	_ =	swait.ge [sflag:s3], $0x2000  }
0x2d9: {  	s26 =	sld [smem:$0x7F6]  }
0x2da: {  	[sflag:s3] =	ssyncset.done $0x0  }
0x2db: {  	[sflag:s3] =	ssyncadd.s32 $0xFFFFE000  }
0x2dc: {  	[tilespmem:s6], [sflag:$0x1] =	stream.indirect.gather [spmem:s2], $0x40, s26, s7, $0xb8;
	[tilespmem:$0x97F8] =	vst v63  }
0x2dd: {  	_ =	swait.ge [sflag:s4], $0x2000  }
0x2de: {  	[sflag:s4] =	ssyncset.done $0x0  }
0x2df: {  	s28 =	rddreg [dreg:$0xe];
	[sflag:s4] =	ssyncadd.s32 $0xFFFFE000  }
0x2e0: {  	[hbm4b:s28+s1] =	stream.linear.scatter [tilespmem:s8], [sflag:$0x2], $0x2000, $0x38;
	[tilespmem:$0x97F8] =	vst v63  }
0x2e1: {  	_ =	swait.ge [sflag:s3], $0x2000  }
0x2e2: {  	s29 =	sld [smem:$0x7F7]  }
0x2e3: {  	[sflag:s3] =	ssyncset.done $0x0  }
0x2e4: {  	[sflag:s3] =	ssyncadd.s32 $0xFFFFE000  }
0x2e5: {  	[tilespmem:s5], [sflag:$0x1] =	stream.indirect.gather [spmem:s2], $0x40, s29, s7, $0xb8;
	[tilespmem:$0x97F8] =	vst v63  }
0x2e6: {  	_ =	swait.ge [sflag:s4], $0x2000  }
0x2e7: {  	[sflag:s4] =	ssyncset.done $0x0  }
0x2e8: {  	s31 =	rddreg [dreg:$0xf];
	[sflag:s4] =	ssyncadd.s32 $0xFFFFE000  }
0x2e9: {  	[hbm4b:s31+s1] =	stream.linear.scatter [tilespmem:s6], [sflag:$0x2], $0x2000, $0x38;
	[tilespmem:$0x97F8] =	vst v63  }
0x2ea: {  	_ =	swait.ge [sflag:s3], $0x2000  }
0x2eb: {  	s10 =	sld [smem:$0x7F8]  }
0x2ec: {  	[sflag:s3] =	ssyncset.done $0x0  }
0x2ed: {  	[sflag:s3] =	ssyncadd.s32 $0xFFFFE000  }
0x2ee: {  	[tilespmem:s9], [sflag:$0x1] =	stream.indirect.gather [spmem:s2], $0x40, s10, s7, $0xb8;
	[tilespmem:$0x97F8] =	vst v63  }
0x2ef: {  	_ =	swait.ge [sflag:s4], $0x2000  }
0x2f0: {  	[sflag:s4] =	ssyncset.done $0x0  }
0x2f1: {  	s26 =	rddreg [dreg:$0x10];
	[sflag:s4] =	ssyncadd.s32 $0xFFFFE000  }
0x2f2: {  	[hbm4b:s26+s1] =	stream.linear.scatter [tilespmem:s5], [sflag:$0x2], $0x2000, $0x38;
	[tilespmem:$0x97F8] =	vst v63  }
0x2f3: {  	_ =	swait.ge [sflag:s3], $0x2000  }
0x2f4: {  	s28 =	sld [smem:$0x7F9]  }
0x2f5: {  	[sflag:s3] =	ssyncset.done $0x0  }
0x2f6: {  	[sflag:s3] =	ssyncadd.s32 $0xFFFFE000  }
0x2f7: {  	[tilespmem:s8], [sflag:$0x1] =	stream.indirect.gather [spmem:s2], $0x40, s28, s7, $0xb8;
	[tilespmem:$0x97F8] =	vst v63  }
0x2f8: {  	_ =	swait.ge [sflag:s4], $0x2000  }
0x2f9: {  	[sflag:s4] =	ssyncset.done $0x0  }
0x2fa: {  	s29 =	rddreg [dreg:$0x11];
	[sflag:s4] =	ssyncadd.s32 $0xFFFFE000  }
0x2fb: {  	[hbm4b:s29+s1] =	stream.linear.scatter [tilespmem:s9], [sflag:$0x2], $0x2000, $0x38;
	[tilespmem:$0x97F8] =	vst v63  }
0x2fc: {  	_ =	swait.ge [sflag:s3], $0x2000  }
0x2fd: {  	s31 =	sld [smem:$0x7FA]  }
0x2fe: {  	[sflag:s3] =	ssyncset.done $0x0  }
0x2ff: {  	[sflag:s3] =	ssyncadd.s32 $0xFFFFE000  }
0x300: {  	[tilespmem:s6], [sflag:$0x1] =	stream.indirect.gather [spmem:s2], $0x40, s31, s7, $0xb8;
	[tilespmem:$0x97F8] =	vst v63  }
0x301: {  	_ =	swait.ge [sflag:s4], $0x2000  }
0x302: {  	[sflag:s4] =	ssyncset.done $0x0  }
0x303: {  	s10 =	rddreg [dreg:$0x12];
	[sflag:s4] =	ssyncadd.s32 $0xFFFFE000  }
0x304: {  	[hbm4b:s10+s1] =	stream.linear.scatter [tilespmem:s8], [sflag:$0x2], $0x2000, $0x38;
	[tilespmem:$0x97F8] =	vst v63  }
0x305: {  	_ =	swait.ge [sflag:s3], $0x2000  }
0x306: {  	s26 =	sld [smem:$0x7FB]  }
0x307: {  	[sflag:s3] =	ssyncset.done $0x0  }
0x308: {  	[sflag:s3] =	ssyncadd.s32 $0xFFFFE000  }
0x309: {  	[tilespmem:s5], [sflag:$0x1] =	stream.indirect.gather [spmem:s2], $0x40, s26, s7, $0xb8;
	[tilespmem:$0x97F8] =	vst v63  }
0x30a: {  	_ =	swait.ge [sflag:s4], $0x2000  }
0x30b: {  	[sflag:s4] =	ssyncset.done $0x0  }
0x30c: {  	s28 =	rddreg [dreg:$0x13];
	[sflag:s4] =	ssyncadd.s32 $0xFFFFE000  }
0x30d: {  	[hbm4b:s28+s1] =	stream.linear.scatter [tilespmem:s6], [sflag:$0x2], $0x2000, $0x38;
	[tilespmem:$0x97F8] =	vst v63  }
0x30e: {  	_ =	swait.ge [sflag:s3], $0x2000  }
0x30f: {  	s29 =	sld [smem:$0x7FC]  }
0x310: {  	[sflag:s3] =	ssyncset.done $0x0  }
0x311: {  	[sflag:s3] =	ssyncadd.s32 $0xFFFFE000  }
0x312: {  	[tilespmem:s9], [sflag:$0x1] =	stream.indirect.gather [spmem:s2], $0x40, s29, s7, $0xb8;
	[tilespmem:$0x97F8] =	vst v63  }
0x313: {  	_ =	swait.ge [sflag:s4], $0x2000  }
0x314: {  	[sflag:s4] =	ssyncset.done $0x0  }
0x315: {  	s31 =	rddreg [dreg:$0x14];
	[sflag:s4] =	ssyncadd.s32 $0xFFFFE000  }
0x316: {  	[hbm4b:s31+s1] =	stream.linear.scatter [tilespmem:s5], [sflag:$0x2], $0x2000, $0x38;
	[tilespmem:$0x97F8] =	vst v63  }
0x317: {  	_ =	swait.ge [sflag:s3], $0x2000  }
0x318: {  	s10 =	sld [smem:$0x7FD]  }
0x319: {  	[sflag:s3] =	ssyncset.done $0x0  }
0x31a: {  	[sflag:s3] =	ssyncadd.s32 $0xFFFFE000  }
0x31b: {  	[tilespmem:s8], [sflag:$0x1] =	stream.indirect.gather [spmem:s2], $0x40, s10, s7, $0xb8;
	[tilespmem:$0x97F8] =	vst v63  }
0x31c: {  	_ =	swait.ge [sflag:s4], $0x2000  }
0x31d: {  	[sflag:s4] =	ssyncset.done $0x0  }
0x31e: {  	s26 =	rddreg [dreg:$0x15];
	[sflag:s4] =	ssyncadd.s32 $0xFFFFE000  }
0x31f: {  	[hbm4b:s26+s1] =	stream.linear.scatter [tilespmem:s9], [sflag:$0x2], $0x2000, $0x38;
	[tilespmem:$0x97F8] =	vst v63  }
0x320: {  	_ =	swait.ge [sflag:s3], $0x2000  }
0x321: {  	[sflag:s3] =	ssyncset.done $0x0  }
0x322: {  	[sflag:s3] =	ssyncadd.s32 $0xFFFFE000  }
0x323: {  	[tilespmem:s6], [sflag:$0x1] =	stream.indirect.gather [spmem:s2], $0x40, s30, s7, $0xb8;
	[tilespmem:$0x97F8] =	vst v63  }
0x324: {  	_ =	swait.ge [sflag:s4], $0x2000  }
0x325: {  	[sflag:s4] =	ssyncset.done $0x0  }
0x326: {  	s28 =	rddreg [dreg:$0x16];
	[sflag:s4] =	ssyncadd.s32 $0xFFFFE000  }
0x327: {  	[hbm4b:s28+s1] =	stream.linear.scatter [tilespmem:s8], [sflag:$0x2], $0x2000, $0x38;
	[tilespmem:$0x97F8] =	vst v63  }
0x328: {  	_ =	swait.ge [sflag:s3], $0x2000  }
0x329: {  	[sflag:s3] =	ssyncset.done $0x0  }
0x32a: {  	[sflag:s3] =	ssyncadd.s32 $0xFFFFE000  }
0x32b: {  	[tilespmem:s5], [sflag:$0x1] =	stream.indirect.gather [spmem:s2], $0x40, s25, s7, $0xb8;
	[tilespmem:$0x97F8] =	vst v63  }
0x32c: {  	_ =	swait.ge [sflag:s4], $0x2000  }
0x32d: {  	[sflag:s4] =	ssyncset.done $0x0  }
0x32e: {  	s29 =	rddreg [dreg:$0x17];
	[sflag:s4] =	ssyncadd.s32 $0xFFFFE000  }
0x32f: {  	[hbm4b:s29+s1] =	stream.linear.scatter [tilespmem:s6], [sflag:$0x2], $0x2000, $0x38;
	[tilespmem:$0x97F8] =	vst v63  }
0x330: {  	_ =	swait.ge [sflag:s3], $0x2000  }
0x331: {  	[sflag:s3] =	ssyncset.done $0x0  }
0x332: {  	[sflag:s3] =	ssyncadd.s32 $0xFFFFE000  }
0x333: {  	[tilespmem:s9], [sflag:$0x1] =	stream.indirect.gather [spmem:s2], $0x40, s24, s7, $0xb8;
	[tilespmem:$0x97F8] =	vst v63  }
0x334: {  	_ =	swait.ge [sflag:s4], $0x2000  }
0x335: {  	[sflag:s4] =	ssyncset.done $0x0  }
0x336: {  	s30 =	rddreg [dreg:$0x18];
	[sflag:s4] =	ssyncadd.s32 $0xFFFFE000  }
0x337: {  	[hbm4b:s30+s1] =	stream.linear.scatter [tilespmem:s5], [sflag:$0x2], $0x2000, $0x38;
	[tilespmem:$0x97F8] =	vst v63  }
0x338: {  	_ =	swait.ge [sflag:s3], $0x2000  }
0x339: {  	[sflag:s3] =	ssyncset.done $0x0  }
0x33a: {  	[sflag:s3] =	ssyncadd.s32 $0xFFFFE000  }
0x33b: {  	[tilespmem:s8], [sflag:$0x1] =	stream.indirect.gather [spmem:s2], $0x40, s23, s7, $0xb8;
	[tilespmem:$0x97F8] =	vst v63  }
0x33c: {  	_ =	swait.ge [sflag:s4], $0x2000  }
0x33d: {  	[sflag:s4] =	ssyncset.done $0x0  }
0x33e: {  	s31 =	rddreg [dreg:$0x19];
	[sflag:s4] =	ssyncadd.s32 $0xFFFFE000  }
0x33f: {  	[hbm4b:s31+s1] =	stream.linear.scatter [tilespmem:s9], [sflag:$0x2], $0x2000, $0x38;
	[tilespmem:$0x97F8] =	vst v63  }
0x340: {  	_ =	swait.ge [sflag:s3], $0x2000  }
0x341: {  	[sflag:s3] =	ssyncset.done $0x0  }
0x342: {  	[sflag:s3] =	ssyncadd.s32 $0xFFFFE000  }
0x343: {  	[tilespmem:s6], [sflag:$0x1] =	stream.indirect.gather [spmem:s2], $0x40, s22, s7, $0xb8;
	[tilespmem:$0x97F8] =	vst v63  }
0x344: {  	_ =	swait.ge [sflag:s4], $0x2000  }
0x345: {  	[sflag:s4] =	ssyncset.done $0x0  }
0x346: {  	s10 =	rddreg [dreg:$0x1a];
	[sflag:s4] =	ssyncadd.s32 $0xFFFFE000  }
0x347: {  	[hbm4b:s10+s1] =	stream.linear.scatter [tilespmem:s8], [sflag:$0x2], $0x2000, $0x38;
	[tilespmem:$0x97F8] =	vst v63  }
0x348: {  	_ =	swait.ge [sflag:s3], $0x2000  }
0x349: {  	[sflag:s3] =	ssyncset.done $0x0  }
0x34a: {  	[sflag:s3] =	ssyncadd.s32 $0xFFFFE000  }
0x34b: {  	[tilespmem:s5], [sflag:$0x1] =	stream.indirect.gather [spmem:s2], $0x40, s21, s7, $0xb8;
	[tilespmem:$0x97F8] =	vst v63  }
0x34c: {  	_ =	swait.ge [sflag:s4], $0x2000  }
0x34d: {  	[sflag:s4] =	ssyncset.done $0x0  }
0x34e: {  	s21 =	rddreg [dreg:$0x1b];
	[sflag:s4] =	ssyncadd.s32 $0xFFFFE000  }
0x34f: {  	[hbm4b:s21+s1] =	stream.linear.scatter [tilespmem:s6], [sflag:$0x2], $0x2000, $0x38;
	[tilespmem:$0x97F8] =	vst v63  }
0x350: {  	_ =	swait.ge [sflag:s3], $0x2000  }
0x351: {  	[sflag:s3] =	ssyncset.done $0x0  }
0x352: {  	[sflag:s3] =	ssyncadd.s32 $0xFFFFE000  }
0x353: {  	[tilespmem:s9], [sflag:$0x1] =	stream.indirect.gather [spmem:s2], $0x40, s20, s7, $0xb8;
	[tilespmem:$0x97F8] =	vst v63  }
0x354: {  	_ =	swait.ge [sflag:s4], $0x2000  }
0x355: {  	[sflag:s4] =	ssyncset.done $0x0  }
0x356: {  	s22 =	rddreg [dreg:$0x1c];
	[sflag:s4] =	ssyncadd.s32 $0xFFFFE000  }
0x357: {  	[hbm4b:s22+s1] =	stream.linear.scatter [tilespmem:s5], [sflag:$0x2], $0x2000, $0x38;
	[tilespmem:$0x97F8] =	vst v63  }
0x358: {  	_ =	swait.ge [sflag:s3], $0x2000  }
0x359: {  	[sflag:s3] =	ssyncset.done $0x0  }
0x35a: {  	[sflag:s3] =	ssyncadd.s32 $0xFFFFE000  }
0x35b: {  	[tilespmem:s8], [sflag:$0x1] =	stream.indirect.gather [spmem:s2], $0x40, s19, s7, $0xb8;
	[tilespmem:$0x97F8] =	vst v63  }
0x35c: {  	_ =	swait.ge [sflag:s4], $0x2000  }
0x35d: {  	[sflag:s4] =	ssyncset.done $0x0  }
0x35e: {  	s23 =	rddreg [dreg:$0x1d];
	[sflag:s4] =	ssyncadd.s32 $0xFFFFE000  }
0x35f: {  	[hbm4b:s23+s1] =	stream.linear.scatter [tilespmem:s9], [sflag:$0x2], $0x2000, $0x38;
	[tilespmem:$0x97F8] =	vst v63  }
0x360: {  	_ =	swait.ge [sflag:s3], $0x2000  }
0x361: {  	[sflag:s3] =	ssyncset.done $0x0  }
0x362: {  	[sflag:s3] =	ssyncadd.s32 $0xFFFFE000  }
0x363: {  	[tilespmem:s6], [sflag:$0x1] =	stream.indirect.gather [spmem:s2], $0x40, s18, s7, $0xb8;
	[tilespmem:$0x97F8] =	vst v63  }
0x364: {  	_ =	swait.ge [sflag:s4], $0x2000  }
0x365: {  	[sflag:s4] =	ssyncset.done $0x0  }
0x366: {  	s24 =	rddreg [dreg:$0x1e];
	[sflag:s4] =	ssyncadd.s32 $0xFFFFE000  }
0x367: {  	[hbm4b:s24+s1] =	stream.linear.scatter [tilespmem:s8], [sflag:$0x2], $0x2000, $0x38;
	[tilespmem:$0x97F8] =	vst v63  }
0x368: {  	_ =	swait.ge [sflag:s3], $0x2000  }
0x369: {  	[sflag:s3] =	ssyncset.done $0x0  }
0x36a: {  	[sflag:s3] =	ssyncadd.s32 $0xFFFFE000  }
0x36b: {  	[tilespmem:s5], [sflag:$0x1] =	stream.indirect.gather [spmem:s2], $0x40, s17, s7, $0xb8;
	[tilespmem:$0x97F8] =	vst v63  }
0x36c: {  	_ =	swait.ge [sflag:s4], $0x2000  }
0x36d: {  	[sflag:s4] =	ssyncset.done $0x0  }
0x36e: {  	s25 =	rddreg [dreg:$0x1f];
	[sflag:s4] =	ssyncadd.s32 $0xFFFFE000  }
0x36f: {  	[hbm4b:s25+s1] =	stream.linear.scatter [tilespmem:s6], [sflag:$0x2], $0x2000, $0x38;
	[tilespmem:$0x97F8] =	vst v63  }
0x370: {  	_ =	swait.ge [sflag:s3], $0x2000  }
0x371: {  	[sflag:s3] =	ssyncset.done $0x0  }
0x372: {  	[sflag:s3] =	ssyncadd.s32 $0xFFFFE000  }
0x373: {  	[tilespmem:s9], [sflag:$0x1] =	stream.indirect.gather [spmem:s2], $0x40, s16, s7, $0xb8;
	[tilespmem:$0x97F8] =	vst v63  }
0x374: {  	_ =	swait.ge [sflag:s4], $0x2000  }
0x375: {  	s26 =	sld [smem:$0x7E9]  }
0x376: {  	[sflag:s4] =	ssyncset.done $0x0  }
0x377: {  	[sflag:s4] =	ssyncadd.s32 $0xFFFFE000  }
0x378: {  	[hbm4b:s26+s1] =	stream.linear.scatter [tilespmem:s5], [sflag:$0x2], $0x2000, $0x38;
	[tilespmem:$0x97F8] =	vst v63  }
0x379: {  	_ =	swait.ge [sflag:s3], $0x2000  }
0x37a: {  	[sflag:s3] =	ssyncset.done $0x0  }
0x37b: {  	[sflag:s3] =	ssyncadd.s32 $0xFFFFE000  }
0x37c: {  	[tilespmem:s8], [sflag:$0x1] =	stream.indirect.gather [spmem:s2], $0x40, s15, s7, $0xb8;
	[tilespmem:$0x97F8] =	vst v63  }
0x37d: {  	_ =	swait.ge [sflag:s4], $0x2000  }
0x37e: {  	s28 =	sld [smem:$0x7EA]  }
0x37f: {  	[sflag:s4] =	ssyncset.done $0x0  }
0x380: {  	[sflag:s4] =	ssyncadd.s32 $0xFFFFE000  }
0x381: {  	[hbm4b:s28+s1] =	stream.linear.scatter [tilespmem:s9], [sflag:$0x2], $0x2000, $0x38;
	[tilespmem:$0x97F8] =	vst v63  }
0x382: {  	_ =	swait.ge [sflag:s3], $0x2000  }
0x383: {  	[sflag:s3] =	ssyncset.done $0x0  }
0x384: {  	[sflag:s3] =	ssyncadd.s32 $0xFFFFE000  }
0x385: {  	[tilespmem:s6], [sflag:$0x1] =	stream.indirect.gather [spmem:s2], $0x40, s14, s7, $0xb8;
	[tilespmem:$0x97F8] =	vst v63  }
0x386: {  	_ =	swait.ge [sflag:s4], $0x2000  }
0x387: {  	s29 =	sld [smem:$0x7EB]  }
0x388: {  	[sflag:s4] =	ssyncset.done $0x0  }
0x389: {  	[sflag:s4] =	ssyncadd.s32 $0xFFFFE000  }
0x38a: {  	[hbm4b:s29+s1] =	stream.linear.scatter [tilespmem:s8], [sflag:$0x2], $0x2000, $0x38;
	[tilespmem:$0x97F8] =	vst v63  }
0x38b: {  	_ =	swait.ge [sflag:s3], $0x2000  }
0x38c: {  	[sflag:s3] =	ssyncset.done $0x0  }
0x38d: {  	[sflag:s3] =	ssyncadd.s32 $0xFFFFE000  }
0x38e: {  	[tilespmem:s5], [sflag:$0x1] =	stream.indirect.gather [spmem:s2], $0x40, s13, s12, $0xb8;
	[tilespmem:$0x97F8] =	vst v63  }
0x38f: {  	_ =	swait.ge [sflag:s4], $0x2000  }
0x390: {  	s30 =	sld [smem:$0x7EC]  }
0x391: {  	[sflag:s4] =	ssyncset.done $0x0  }
0x392: {  	[sflag:s4] =	ssyncadd.s32 $0xFFFFE000  }
0x393: {  	[hbm4b:s30+s1] =	stream.linear.scatter [tilespmem:s6], [sflag:$0x2], $0x2000, $0x38;
	[tilespmem:$0x97F8] =	vst v63  }
0x394: {  	_ =	swait.ge [sflag:s4], $0x1E00  }
0x395: {  	s31 =	sld [smem:$0x7ED]  }
0x396: {  	[sflag:s4] =	ssyncset.done $0x0  }
0x397: {  	[sflag:s4] =	ssyncadd.s32 $0xFFFFE200  }
0x398: {  	[hbm4b:s31+s1] =	stream.linear.scatter [tilespmem:s5], [sflag:$0x2], $0x1E00, $0x38;
	[tilespmem:$0x97F8] =	vst v63  }
0x399: {  	_ =	swait.ge [sflag:s3], $0x2000  }
0x39a: {  	[sflag:s3] =	ssyncset.done $0x0  }
0x39b: {  	[sflag:s3] =	ssyncadd.s32 $0xFFFFE000  }
0x39c: {  	_ =	swait.ge [sflag:s3], $0x2000  }
0x39d: {  	[sflag:s3] =	ssyncset.done $0x0  }
0x39e: {  	[sflag:s3] =	ssyncadd.s32 $0xFFFFE000  }
0x39f: {  	_ =	swait.ge [sflag:s3], $0x2000  }
0x3a0: {  	[sflag:s3] =	ssyncset.done $0x0  }
0x3a1: {  	[sflag:s3] =	ssyncadd.s32 $0xFFFFE000  }
0x3a2: {  	_ =	swait.ge [sflag:s3], $0x1E00  }
0x3a3: {  	[sflag:s3] =	ssyncset.done $0x0  }
0x3a4: {  	[sflag:s3] =	ssyncadd.s32 $0xFFFFE200  }
0x3a5: {  	_ =	sfence.sel $0x180000  }
0x3a6: {  	[bflag:$0x0] =	sbarrier.arrive $0xFFFF  }
0x3a7: {  	_ =	strace $0x90000047  }
0x3a8: {  	s0 =	sadd.s32 @!p0 $0x100000, s11;
	[bflag:$0x2] =	sbarrier.arrive $0xFFFF  }
0x3a9: {  	[sflag:s0] =	ssyncadd.tile.s32 @!p0 $0x1;
	_ =	shalt  }
.LBB2_1:
0x3aa: {  	s30 =	simm.s32 $0x900  }
.Ltmp3:
0x3ab: {  	s25 =	simm.s32 $0x980;
	s24 =	simm.s32 $0xA00;
	(pc) =	sbr.rel .LBB2_6-.Ltmp3, $4  }
0x3ac: {  	s23 =	simm.s32 $0xA80;
	s22 =	simm.s32 $0xB00;
	s21 =	simm.s32 $0xB80  }
0x3ad: {  	s20 =	simm.s32 $0xC00;
	s19 =	simm.s32 $0xC80;
	s18 =	simm.s32 $0xD00  }
0x3ae: {  	s17 =	simm.s32 $0xD80;
	s16 =	simm.s32 $0xE00;
	s15 =	simm.s32 $0xE80  }
0x3af: {  	s14 =	simm.s32 $0xF00;
	s13 =	simm.s32 $0xF80;
	s12 =	simm.s32 $0x78  }
.LBB2_7:
0x3b0: {  	s30 =	simm.s32 $0x900;
	s25 =	simm.s32 $0x980;
	s24 =	simm.s32 $0xA00  }
.Ltmp4:
0x3b1: {  	s23 =	simm.s32 $0xA80;
	s22 =	simm.s32 $0xB00;
	(pc) =	sbr.rel .LBB2_6-.Ltmp4, $4  }
0x3b2: {  	s21 =	simm.s32 $0xB80;
	s20 =	simm.s32 $0xC00;
	s19 =	simm.s32 $0xC80  }
0x3b3: {  	s18 =	simm.s32 $0xD00;
	s17 =	simm.s32 $0xD80;
	s16 =	simm.s32 $0xE00  }
0x3b4: {  	s15 =	simm.s32 $0xE80;
	s14 =	simm.s32 $0xF00;
	s11 =	rddreg [dreg:$0x3]  }
0x3b5: {  	s13 =	simm.s32 $0xF80;
	s12 =	simm.s32 $0x78;
	s29 =	rddreg [dreg:$0x0]  }
.Lfunc_end2:
_tile_overlayer_lowered:
.L_overlay_start_2:
0x3b6: {  	(tag) =	ssettag $0x2  }
0x3b7: {  	s0 =	rddreg [dreg:$0x0];
	s2 =	stileid.u32  }
0x3b8: {  	s1 =	rddreg [dreg:$0x1];
	p0 =	sne.s32 s2, $0x0  }
0x3b9: {  	s3 =	rddreg [dreg:$0x2];
	[bflag:$0x3] =	sbarrier.arrive $0xFFFF;
	s2 =	simm.s32 @!p0 $0x1C03  }
0x3ba: {  	[timem:s3], [sflag:s2] =	dma.local @!p0 [hbm:s0], s1  }
0x3bb: {  	s0 =	simm.s32 @!p0 $0x3  }
0x3bc: {  	_ =	swait.ge @!p0 [sflag:s0], s1  }
0x3bd: {  	s1 =	ssub.s32 @!p0 $0x0, s1;
	[sflag:s0] =	ssyncset.done @!p0 $0x0  }
0x3be: {  	[sflag:s0] =	ssyncadd.s32 @!p0 s1  }
0x3bf: {  	[bflag:$0x3] =	sbarrier.arrive $0xFFFF  }
0x3c0: {  	_ =	shalt  }

// kernel: sparse-core-data-format-call.cloned.1.call-start
scs
called_computation_lowered:
.L_overlay_start_0:
0x0: {  	s2 =	sld [smem:$0x3FD9]  }
0x1: {  	s3 =	sld [smem:$0x3FFE];
	_ =	sdelay $0x1  }
0x2: {  	s1 =	srdreg.scid  }
0x3: {  	s0 =	sand.u32 $0x1, s1  }
0x4: {  	s18 =	sshll.u32 s0, $0xA;
	s2 =	sadd.s32 s3, s2  }
0x5: {  	s2 =	sadd.s32 s2, s18  }
0x6: {  	[smem:$0x3FC0] =	sst s2  }
0x7: {  	_ = 	snop  }
0x8: {  	s2 =	sld [smem:$0x3FD0];
	(tm) =	ssettm $0x1  }
0x9: {  	s19 =	sld [smem:$0x3FFB];
	_ =	sdelay $0x3  }
0xa: {  	_ =	strace s19  }
0xb: {  	s3 =	sld [smem:$0x3FFC];
	_ =	sdelay $0x3  }
0xc: {  	_ =	strace s3  }
0xd: {  	s3 =	sld [smem:$0x3FFD];
	_ =	sdelay $0x3  }
0xe: {  	_ =	strace s3  }
0xf: {  	_ =	strace $0x8FFFFFFF  }
0x10: {  	s20 =	sld [smem:$0x3FDB];
	_ =	sdelay $0x1  }
0x11: {  	s4 =	simm.s32 $_scs_section_size  }
0x12: {  	s5 =	simm.s32 $_size__tile_overlayer_lowered;
	s6 =	simm.s32 $_tile_overlayer_lowered  }
0x13: {  	s23 =	simm.s32 $0x1BFF;
	s22 =	sshll.u32 s6, $0x1;
	s3 =	sadd.s32 s4, s20  }
0x14: {  	s7 =	simm.s32 $0x0;
	s21 =	sshll.u32 s5, $0x1;
	s5 =	sadd.s32 s22, s3  }
0x15: {  	[timem:s7], [sflag:s23] =	dma.local [hbm:s5], s21  }
0x16: {  	_ =	swait.ge [sflag:s23], s21  }
0x17: {  	s4 =	ssub.s32 $0x0, s21;
	[sflag:s23] =	ssyncset.done $0x0  }
0x18: {  	[sflag:s23] =	ssyncadd.s32 s4;
	_ =	sdelay $0x1  }
0x19: {  	s24 =	simm.s32 $0x1B8B  }
0x1a: {  	_ =	swait.ge [sflag:s24], $0x1  }
0x1b: {  	[sflag:s24] =	ssyncset.done $0x0  }
0x1c: {  	s26 =	simm.s32 $0x1B8E;
	s25 =	sld [smem:$0x3FFE];
	[sflag:s24] =	ssyncadd.s32 $0xFFFFFFFF  }
0x1d: {  	s27 =	simm.s32 $execute0_lowered;
	[smem:$0x3FD2] =	sst s26  }
0x1e: {  	s5 =	sshll.u32 s27, $0x1;
	_ =	strace $0x80000049;
	[dreg:$0x1] =	wrdreg $0xFFFFFFFF  }
0x1f: {  	s28 =	simm.s32 $_size_execute0_lowered;
	s3 =	sadd.s32 s3, s5;
	[dreg:$0x0] =	wrdreg $0x0  }
0x20: {  	s5 =	sshll.u32 s28, $0x1;
	[dreg:$0x2] =	wrdreg s3  }
0x21: {  	[dreg:$0x3] =	wrdreg s5  }
0x22: {  	[dreg:$0x4] =	wrdreg $0xC0  }
0x23: {  	_ =	task [dreg:s7], $0x5FFFF  }
0x24: {  	[dreg:$0x1] =	wrdreg $0xFFFFFFFF  }
0x25: {  	[dreg:$0x0] =	wrdreg $0x60  }
0x26: {  	[dreg:$0x2] =	wrdreg s25  }
0x27: {  	[dreg:$0x3] =	wrdreg s2  }
0x28: {  	[dreg:$0x4] =	wrdreg $0x9  }
0x29: {  	_ =	task.clear_ibuf [dreg:s7], $0x5FFFF;
	_ =	strace $0x90000049  }
0x2a: {  	s29 =	simm.s32 $0x9;
	_ =	strace $0x8000004B  }
0x2b: {  	_ =	swait.ge [sflag:s29], $0x1  }
0x2c: {  	[sflag:s29] =	ssyncadd.s32 $0xFFFFFFFF  }
0x2d: {  	_ =	strace $0x9000004B  }
0x2e: {  	_ =	sfence  }
0x2f: {  	s30 =	sld [smem:$0x0];
	_ =	sdelay $0x2  }
0x30: {  	s31 =	sshll.u32 s1, $0xD;
	s1 =	sshrl.u32 s1, $0x2  }
0x31: {  	s3 =	sand.u32 $0x4000, s31;
	s1 =	sadd.s32 s1, s30  }
0x32: {  	s0 =	sor.u32 s3, s0;
	s1 =	sshll.u32 s1, $0x11  }
0x33: {  	s0 =	sor.u32 s1, s0  }
0x34: {  	s0 =	sadd.s32 $0x8F2B, s0  }
0x35: {  	[sflag:s0] =	ssyncadd.remote.s32 $0x1  }
0x36: {  	_ =	sfence.sel $0xFFFF  }
0x37: {  	[dreg:$0x0] =	wrdreg $0xFFFFFFFF;
	(pc) =	sbr.abs _section_cstart, $3  }
0x38: {  	[dreg:$0x1] =	wrdreg $0xFFFFFFFF  }
0x39: {  	_ =	task.clear_ibuf [dreg:s7], $0x2FFFF;
	_ =	strace $0x9FFFFFFF  }
0x3a: {  	(tm) =	ssettm $0x7FFFFFFF  }
0x3b: {  	_ =	shalt  }
tec
execute0_lowered:
.L_overlay_start_1:
0x0: {  	(tag) =	ssettag $0x1  }
0x1: {  	s0 =	srdreg.scid  }
0x2: {  	s1 =	sshll.u32 s0, $0x4  }
0x3: {  	s2 =	rddreg [dreg:$0x0];
	s0 =	stileid.u32;
	s1 =	sand.u32 $0x10, s1  }
0x4: {  	s4 =	rddreg [dreg:$0x1];
	s1 =	sor.u32 s0, s1  }
0x5: {  	s7 =	simm.s32 $0x1;
	s8 =	simm.s32 $0x2;
	s3 =	sshll.u32 s1, $0x7  }
0x6: {  	s11 =	simm.s32 $0x0;
	s10 =	simm.s32 $0x0;
	s6 =	ssub.s32 $0x1FF00, s3  }
.Ltmp0:
0x7: {  	s1 =	rddreg [dreg:$0x2];
	s5 =	sand.u32 $0xF80, s6;
	(pc) =	sbr.rel .LBB1_1-.Ltmp0, $4  }
0x8: {  	_ =	strace $0x8000004A;
	s9 =	smov.u32 s3;
	p0 =	sne.s32 s5, $0x0  }
0x9: {  	s6 =	sshrl.u32 s6, $0xC;
	s5 =	simm.s32 $0x1;
	s7 =	simm.s32 @!p0 $0x0  }
0xa: {  	[sflag:s5] =	ssyncpa.u1 $0x0;
	p0 =	por $0x0, $0x0;
	s6 =	sadd.s32 s7, s6  }
0xb: {  	[sflag:s8] =	ssyncpa.u1 $0x0;
	s8 =	simm.s32 $0xFF800;
	s7 =	sadd.s32 $0x1, s6  }
.LBB1_4:
0xc: {  	s14 =	sshll.u32 s11, $0x3  }
0xd: {  	s14 =	sand.u32 $0xFFFFFC00, s14  }
0xe: {  	s15 =	sshrl.u32 s14, $0x8  }
0xf: {  	s15 =	smulhi.u32 $0x1008041, s15;
	_ =	sdelay $0x1  }
0x10: {  	s15 =	sshrl.u32 s15, $0x1  }
0x11: {  	s28 =	sand.u32 $0x7F, s11;
	s16 =	smul.u32 $0x1FF00, s15  }
0x12: {  	s11 =	sor.u32 s28, s14  }
0x13: {  	s29 =	sand.u32 $0x3F, s15;
	s11 =	ssub.s32 s11, s16  }
0x14: {  	[tilespmem:s13+$0x810 ss:$0x81] =	vst.msk $0xffff, v2;
	s14 =	smul.u32 $0x3FE0, s29;
	s30 =	sshrl.u32 s11, $0x3;
	s11 =	sand.u32 $0x7, s11  }
0x15: {  	[tilespmem:s13+$0x1020 ss:$0x81] =	vst.msk $0xffff, v0;
	s15 =	sadd.s32 s4, s30;
	s11 =	sshll.u32 s11, $0x12  }
0x16: {  	[tilespmem:s13+$0x0 ss:$0x81] =	vst.msk $0xffff, v1;
	s31 =	sadd.s32 s14, s15;
	s11 =	sor.u32 $0x400, s11  }
0x17: {  	[hbm4b:s31+s11] =	stream.strided.scatter [tilespmem:s12], [sflag:$0x2], $0x2000, s8, s11, $0x20;
	[tilespmem:$0x8080] =	vst v63  }
.LBB1_5:
0x18: {  	s13 =	sadd.s32 $0x1000, s9  }
0x19: {  	p2 =	sgt.s32 s13, $0x1FEFF  }
0x1a: {  	s13 =	smov.u32 @p2 s3;
	p2 =	sne.s32 s10, s7  }
.Ltmp1:
0x1b: {  	p1 =	slt.u32 s10, $0x2;
	(pc) =	sbr.rel @!p2 .LBB1_6-.Ltmp1, $4  }
0x1c: {  	s12 =	simm.s32 @!p1 $0x2  }
0x1d: {  	s14 =	sadd.s32 $0x1, s10;
	_ =	swait.ge @!p1 [sflag:s12], $0x2000  }
0x1e: {  	s11 =	smov.u32 s9;
	p0 =	por !p0, !p0;
	[sflag:s12] =	ssyncset.done @!p1 $0x0  }
0x1f: {  	s10 =	smov.u32 s14;
	s9 =	smov.u32 s13;
	[sflag:s12] =	ssyncadd.s32 @!p1 $0xFFFFE000  }
.LBB1_1:
0x20: {  	p1 =	sge.u32 s10, s6  }
0x21: {  	s12 =	sand.u32 @!p1 $0x1FFFFFF, s9  }
0x22: {  	s13 =	smulhi.u32 @!p1 $0x2010081, s12;
	_ =	sdelay $0x1  }
0x23: {  	s13 =	sshrl.u32 @!p1 s13, $0xA  }
0x24: {  	s13 =	smul.u32 @!p1 $0x1FF00, s13;
	_ =	sdelay $0x1  }
0x25: {  	s31 =	sadd.s32 $0xFFFFFFFF, s10;
	s14 =	sxor.u32 @!p1 $0xFFFFFFFF, s10;
	s12 =	ssub.s32 @!p1 s12, s13  }
0x26: {  	s15 =	simm.s32 @!p1 $0x80;
	s14 =	sshll.u32 @!p1 s14, $0xD;
	s12 =	sshll.u32 @!p1 s12, $0x4  }
0x27: {  	s13 =	sand.u32 @!p1 $0x2000, s14;
	s14 =	simm.s32 @!p1 $0x40;
	s12 =	sadd.s32 @!p1 s2, s12  }
0x28: {  	[tilespmem:s13], [sflag:$0x1] =	stream.strided.gather @!p1 [hbm4b:s12+s14], $0x2000, s15, s14, $0x38;
	[tilespmem:$0x8080] =	vst v63  }
0x29: {  	p1 =	sge.u32 s31, s6  }
.Ltmp2:
0x2a: {  	_ = 	snop;
	(pc) =	sbr.rel @p1 .LBB1_5-.Ltmp2, $1  }
0x2b: {  	_ =	sdelay $0x3  }
0x2c: {  	s12 =	simm.s32 $0x1  }
0x2d: {  	_ =	swait.ge [sflag:s5], $0x2000;
	s12 =	simm.s32 @!p0 $0x0  }
0x2e: {  	[sflag:s5] =	ssyncset.done $0x0;
	s13 =	sshll.u32 s12, $0xD  }
0x2f: {  	[sflag:s5] =	ssyncadd.s32 $0xFFFFE000;
	s16 =	sor.u32 $0x20, s13  }
0x30: {  	s12 =	smul.u32 $0x8100, s12;
	v3 =	vld [tilespmem:s16+$0x10]  }
0x31: {  	s30 =	sand.u32 $0x1, s10;
	v2 =	vld [tilespmem:s16+$0xFFFFFFF0]  }
0x32: {  	s13 =	smul.u32 $0x8100, s30;
	s12 =	sshrl.u32 s12, $0x2;
	v0 =	vld [tilespmem:s16+$0x0]  }
0x33: {  	v1 =	vld [tilespmem:s16+$0xFFFFFFE0];
	s14 =	sor.u32 $0x4000, s12  }
0x34: {  	s31 =	sshrl.u32 s13, $0x2;
	s13 =	sadd.s32 $0x0, s14  }
0x35: {  	s15 =	simm.s32 $0x4;
	s16 =	sadd.s32 $0x40, s16;
	s12 =	sor.u32 $0x4000, s31;
	[tilespmem:s13+$0x1830 ss:$0x81] =	vst.msk $0xffff, v3  }
.LBB1_3:
0x36: {  	v3 =	vld [tilespmem:s16+$0x10];
	p1 =	sne.s32 s15, $0x1FC;
	[tilespmem:s13+$0x810 ss:$0x81] =	vst.msk $0xffff, v2;
	s17 =	smov.u32 s15;
	s15 =	sadd.s32 $0x4, s15  }
.Ltmp3:
0x37: {  	v2 =	vld [tilespmem:s16+$0xFFFFFFF0];
	[tilespmem:s13+$0x1020 ss:$0x81] =	vst.msk $0xffff, v0;
	(pc) =	sbr.rel @p1 .LBB1_3-.Ltmp3, $4  }
0x38: {  	v0 =	vld [tilespmem:s16+$0x0];
	[tilespmem:s13+$0x0 ss:$0x81] =	vst.msk $0xffff, v1  }
0x39: {  	s13 =	sshra.s32 s17, $0x2;
	v1 =	vld [tilespmem:s16+$0xFFFFFFE0]  }
0x3a: {  	s13 =	sadd.s32 s13, s14  }
0x3b: {  	s16 =	sadd.s32 $0x40, s16;
	[tilespmem:s13+$0x1830 ss:$0x81] =	vst.msk $0xffff, v3  }
.Ltmp4:
0x3c: {  	_ = 	snop;
	(pc) =	sbr.rel .LBB1_4-.Ltmp4, $1  }
0x3d: {  	_ =	sdelay $0x3  }
.LBB1_6:
0x3e: {  	_ =	sfence.sel $0x180000  }
0x3f: {  	s2 =	simm.s32 $0x1;
	[bflag:$0x0] =	sbarrier.arrive $0xFFFF  }
0x40: {  	s31 =	simm.s32 $0x2;
	[sflag:s2] =	ssyncpa.u1 $0x1  }
0x41: {  	[sflag:s31] =	ssyncpa.u1 $0x1  }
0x42: {  	p0 =	sne.s32 s0, $0x0;
	_ =	strace $0x9000004A  }
0x43: {  	s0 =	sadd.s32 @!p0 $0x100000, s1;
	[bflag:$0x2] =	sbarrier.arrive $0xFFFF  }
0x44: {  	[sflag:s0] =	ssyncadd.tile.s32 @!p0 $0x1;
	_ =	shalt  }
.Lfunc_end1:
_tile_overlayer_lowered:
.L_overlay_start_2:
0x45: {  	(tag) =	ssettag $0x2  }
0x46: {  	s0 =	rddreg [dreg:$0x0];
	s2 =	stileid.u32  }
0x47: {  	s1 =	rddreg [dreg:$0x1];
	p0 =	sne.s32 s2, $0x0  }
0x48: {  	s3 =	rddreg [dreg:$0x2];
	[bflag:$0x3] =	sbarrier.arrive $0xFFFF;
	s2 =	simm.s32 @!p0 $0x1C01  }
0x49: {  	[timem:s3], [sflag:s2] =	dma.local @!p0 [hbm:s0], s1  }
0x4a: {  	s0 =	simm.s32 @!p0 $0x1  }
0x4b: {  	_ =	swait.ge @!p0 [sflag:s0], s1  }
0x4c: {  	s1 =	ssub.s32 @!p0 $0x0, s1;
	[sflag:s0] =	ssyncset.done @!p0 $0x0  }
0x4d: {  	[sflag:s0] =	ssyncadd.s32 @!p0 s1  }
0x4e: {  	[bflag:$0x3] =	sbarrier.arrive $0xFFFF  }
0x4f: {  	_ =	shalt  }

</sc_bundles>
